<compile_context>
chip_gen: v7x
topology: tpu7x:2x2x1
jax: 0.10.2.dev20260603
libtpu: 0.0.44.dev20260713+nightly
codegen_flags: <defaults>
</compile_context>

<pallas_src>
import functools

import jax
import jax.numpy as jnp
from jax import lax
from jax.experimental import pallas as pl
from jax.experimental.pallas import tpu as pltpu
from jax.experimental.pallas import tpu_sc as plsc

N = 10000
E = 320000
D_IN = 128
D_HID = 64
D_LAT = 32

NC = 2
NS = 16
NW = NC * NS
EPW = E // NW
CHUNK = 125
NCHUNK = EPW // CHUNK
RING = 5
NGROUP = NCHUNK // RING
NP = 10240
RPS = NP // NS

_mesh = plsc.VectorSubcoreMesh(core_axis_name="c", subcore_axis_name="s")



_SC_PARAMS = pltpu.CompilerParams(use_tc_tiling_on_sc=False)


@functools.partial(
    pl.kernel,
    out_type=jax.ShapeDtypeStruct((NC, NP, 16), jnp.float32),
    mesh=_mesh,
    compiler_params=_SC_PARAMS,
    scratch_types=[
        pltpu.VMEM((NCHUNK, CHUNK), jnp.int32),
        pltpu.VMEM((CHUNK, 16), jnp.float32),
        pltpu.VMEM((RPS, 16), jnp.float32),
        pltpu.VMEM_SHARED((NP, 16), jnp.float32),
        pltpu.SemaphoreType.DMA,
    ],
)
def _sc_degree(edges_hbm, out_hbm, dst_v, ones_v, zero_v, acc, sem):
    c = lax.axis_index("c")
    s = lax.axis_index("s")
    wid = c * NS + s

    def zfill(i, carry):
        zero_v[i, :] = jnp.zeros((16,), jnp.float32)
        return carry

    lax.fori_loop(0, RPS, zfill, 0)

    def ofill(i, carry):
        ones_v[i, :] = jnp.full((16,), 1.0, jnp.float32)
        return carry

    lax.fori_loop(0, CHUNK, ofill, 0)

    pltpu.sync_copy(zero_v, acc.at[pl.ds(s * RPS, RPS)])
    pltpu.sync_copy(edges_hbm.at[1, wid], dst_v)
    plsc.subcore_barrier()

    def group(o, carry):
        for b in range(RING):
            pltpu.async_copy(ones_v, acc.at[dst_v.at[o * RING + b]], sem,
                             add=True)
        for b in range(RING):
            pltpu.make_async_copy(ones_v, acc.at[dst_v.at[o * RING + b]],
                                  sem).wait()
        return carry

    lax.fori_loop(0, NCHUNK // RING, group, 0)

    plsc.subcore_barrier()
    pltpu.sync_copy(acc.at[pl.ds(s * RPS, RPS)],
                    out_hbm.at[c].at[pl.ds(s * RPS, RPS)])


@functools.partial(
    pl.kernel,
    out_type=jax.ShapeDtypeStruct((NC, NP, D_HID), jnp.float32),
    mesh=_mesh,
    compiler_params=_SC_PARAMS,
    scratch_types=[
        pltpu.VMEM((NCHUNK, CHUNK), jnp.int32),
        pltpu.VMEM((NCHUNK, CHUNK), jnp.int32),
        pltpu.VMEM((RING, CHUNK, D_HID), jnp.float32),
        pltpu.VMEM((RPS // 4, D_HID), jnp.float32),
        pltpu.VMEM_SHARED((NP, D_HID), jnp.float32),
    ] + [pltpu.SemaphoreType.DMA] * (2 * RING),
)
def _sc_aggregate(feat_hbm, edges_hbm, out_hbm,
                  src_v, dst_v, rows_v, zero_v, acc, *sems):
    gsem = sems[:RING]
    ssem = sems[RING:]
    c = lax.axis_index("c")
    s = lax.axis_index("s")
    wid = c * NS + s

    def zfill(i, carry):
        for j in range(D_HID // 16):
            zero_v[i, pl.ds(j * 16, 16)] = jnp.zeros((16,), jnp.float32)
        return carry

    lax.fori_loop(0, RPS // 4, zfill, 0)

    for q in range(4):
        pltpu.sync_copy(zero_v, acc.at[pl.ds(s * RPS + q * (RPS // 4), RPS // 4)])
    pltpu.sync_copy(edges_hbm.at[0, wid], src_v)
    pltpu.sync_copy(edges_hbm.at[1, wid], dst_v)
    plsc.subcore_barrier()

    for b in range(RING):
        pltpu.async_copy(feat_hbm.at[src_v.at[b]], rows_v.at[b], gsem[b])

    def group(o, carry):
        descs = []
        for b in range(RING):
            k = o * RING + b
            pltpu.make_async_copy(feat_hbm.at[src_v.at[k]],
                                  rows_v.at[b], gsem[b]).wait()
            descs.append(pltpu.async_copy(rows_v.at[b],
                                          acc.at[dst_v.at[k]], ssem[b],
                                          add=True))

        @pl.when(o < NGROUP - 1)
        def _refill():
            for b in range(RING):
                descs[b].wait()
                k2 = (o + 1) * RING + b
                pltpu.async_copy(feat_hbm.at[src_v.at[k2]],
                                 rows_v.at[b], gsem[b])

        return carry

    lax.fori_loop(0, NGROUP, group, 0)

    for b in range(RING):
        kf = (NGROUP - 1) * RING + b
        pltpu.make_async_copy(rows_v.at[b], acc.at[dst_v.at[kf]],
                              ssem[b]).wait()

    plsc.subcore_barrier()
    pltpu.sync_copy(acc.at[pl.ds(s * RPS, RPS)],
                    out_hbm.at[c].at[pl.ds(s * RPS, RPS)])



BM = 1000


def _dinv_block(degp_ref):
    deg = degp_ref[0, :, 0:1] + degp_ref[1, :, 0:1] + 1.0
    return lax.rsqrt(deg)


def _tc_embed(x_ref, w1_ref, degp_ref, hn_ref):
    dinv = _dinv_block(degp_ref)
    h1 = jnp.dot(x_ref[:], w1_ref[:], preferred_element_type=jnp.float32)
    hn_ref[:] = h1 * dinv


def _tc_mid(p_ref, hn_ref, degp_ref, out_ref):
    dinv = _dinv_block(degp_ref)
    agg = p_ref[0] + p_ref[1] + hn_ref[:]
    hidden = jnp.maximum(agg * dinv, 0.0)
    out_ref[:] = hidden * dinv


def _tc_latent(p_ref, hn2_ref, degp_ref, w2_ref, w3_ref, mu_ref, lv_ref):
    dinv = _dinv_block(degp_ref)
    sagg = (p_ref[0] + p_ref[1] + hn2_ref[:]) * dinv
    mu_ref[:] = jnp.dot(sagg, w2_ref[:], preferred_element_type=jnp.float32)
    lv_ref[:] = jnp.dot(sagg, w3_ref[:], preferred_element_type=jnp.float32)


BMD = 128


def _tc_decoder(zi_ref, zj_ref, out_ref):
    prod = lax.dot_general(zi_ref[:], zj_ref[:], (((1,), (1,)), ((), ())),
                           preferred_element_type=jnp.float32)
    out_ref[:] = 0.5 * jnp.tanh(0.5 * prod) + 0.5


def kernel(features, edge_index, W1, W2, W3):
    edges = edge_index.reshape(2, NW, NCHUNK, CHUNK)

    degp = _sc_degree(edges)

    hn = pl.pallas_call(
        _tc_embed,
        grid=(N // BM,),
        in_specs=[
            pl.BlockSpec((BM, D_IN), lambda i: (i, 0)),
            pl.BlockSpec((D_IN, D_HID), lambda i: (0, 0)),
            pl.BlockSpec((NC, BM, 16), lambda i: (0, i, 0)),
        ],
        out_specs=pl.BlockSpec((BM, D_HID), lambda i: (i, 0)),
        out_shape=jax.ShapeDtypeStruct((N, D_HID), jnp.float32),
    )(features, W1, degp)

    p1 = _sc_aggregate(hn, edges)

    hn2 = pl.pallas_call(
        _tc_mid,
        grid=(N // BM,),
        in_specs=[
            pl.BlockSpec((NC, BM, D_HID), lambda i: (0, i, 0)),
            pl.BlockSpec((BM, D_HID), lambda i: (i, 0)),
            pl.BlockSpec((NC, BM, 16), lambda i: (0, i, 0)),
        ],
        out_specs=pl.BlockSpec((BM, D_HID), lambda i: (i, 0)),
        out_shape=jax.ShapeDtypeStruct((N, D_HID), jnp.float32),
    )(p1, hn, degp)

    p2 = _sc_aggregate(hn2, edges)

    mu, logvar = pl.pallas_call(
        _tc_latent,
        grid=(N // BM,),
        in_specs=[
            pl.BlockSpec((NC, BM, D_HID), lambda i: (0, i, 0)),
            pl.BlockSpec((BM, D_HID), lambda i: (i, 0)),
            pl.BlockSpec((NC, BM, 16), lambda i: (0, i, 0)),
            pl.BlockSpec((D_HID, D_LAT), lambda i: (0, 0)),
            pl.BlockSpec((D_HID, D_LAT), lambda i: (0, 0)),
        ],
        out_specs=[
            pl.BlockSpec((BM, D_LAT), lambda i: (i, 0)),
            pl.BlockSpec((BM, D_LAT), lambda i: (i, 0)),
        ],
        out_shape=[
            jax.ShapeDtypeStruct((N, D_LAT), jnp.float32),
            jax.ShapeDtypeStruct((N, D_LAT), jnp.float32),
        ],
    )(p2, hn2, degp, W2, W3)

    adj = pl.pallas_call(
        _tc_decoder,
        grid=(pl.cdiv(N, BMD),),
        in_specs=[
            pl.BlockSpec((BMD, D_LAT), lambda i: (i, 0)),
            pl.BlockSpec((N, D_LAT), lambda i: (0, 0)),
        ],
        out_specs=pl.BlockSpec((BMD, N), lambda i: (i, 0)),
        out_shape=jax.ShapeDtypeStruct((N, N), jnp.float32),
    )(mu, mu)

    return adj, mu, logvar

# --- scband reference (transcript-rebuilt; emitter-appended) ---
"""Pipeline reference for scband-net-11424613007817 (READ-ONLY COPY).

The authoritative reference and input builder live on the scoring server;
editing this copy changes nothing except your own understanding.
"""

import jax, jax.numpy as jnp
import numpy as np

N = 10000
E = 320000
D_IN = 128
D_HID = 64
D_LAT = 32

def setup_inputs(seed: int = 0):
    key = jax.random.key(seed)
    k1, k2, k3, k4, k5 = jax.random.split(key, 5)
    x = jax.random.normal(k1, (N, D_IN), dtype=jnp.float32)
    edge_index = jax.random.randint(k2, (2, E), 0, N, dtype=jnp.int32)
    W1 = jax.random.normal(k3, (D_IN, D_HID), dtype=jnp.float32) * (1.0 / np.sqrt(D_IN))
    W2 = jax.random.normal(k4, (D_HID, D_LAT), dtype=jnp.float32) * (1.0 / np.sqrt(D_HID))
    W3 = jax.random.normal(k5, (D_HID, D_LAT), dtype=jnp.float32) * (1.0 / np.sqrt(D_HID))
    return {"features": x, "edge_index": edge_index, "W1": W1, "W2": W2, "W3": W3}

def _gcn(h, src, dst, W, act):
    # GraphConv with symmetric normalization D^-1/2 (A+I) D^-1/2, dropout=0
    h = h @ W
    deg = jnp.zeros((N,), jnp.float32).at[dst].add(1.0) + 1.0
    dinv = 1.0 / jnp.sqrt(deg)
    hn = h * dinv[:, None]
    agg = jnp.zeros_like(hn).at[dst].add(hn[src]) + hn
    out = agg * dinv[:, None]
    return act(out)

def reference(features, edge_index, W1, W2, W3):
    src = edge_index[0]
    dst = edge_index[1]
    hidden = _gcn(features, src, dst, W1, jax.nn.relu)
    mu = _gcn(hidden, src, dst, W2, lambda t: t)
    logvar = _gcn(hidden, src, dst, W3, lambda t: t)
    # eval mode: reparameterize(mu, logvar) returns mu (deterministic)
    z = mu
    adj_rec = jax.nn.sigmoid(z @ z.T)  # InnerProductDecoder with sigmoid activation
    return (adj_rec, mu, logvar)

if __name__ == "__main__":
    import jax
    _d = setup_inputs()
    print(jax.jit(kernel)(*tuple(_d.values())))

</pallas_src>

<mosaic_0001>
#map = affine_map<(d0, d1) -> (0, 0, 0, 0)>
#map1 = affine_map<(d0, d1) -> (0, 0, 0)>
module attributes {stable_mosaic.version = 14 : i64} {
  func.func @_sc_degree(%arg0: i32, %arg1: i32, %arg2: memref<2x32x80x125xi32, #tpu.memory_space<hbm>>, %arg3: memref<2x10240x16xf32, #tpu.memory_space<hbm>>, %arg4: memref<80x125xi32, #tpu.memory_space<vmem>>, %arg5: memref<125x16xf32, #tpu.memory_space<vmem>>, %arg6: memref<640x16xf32, #tpu.memory_space<vmem>>, %arg7: memref<10240x16xf32, #tpu.memory_space<vmem_shared>>, %arg8: memref<!tpu.dma_semaphore, #tpu.memory_space<semaphore_mem>>) attributes {dimension_semantics = [#tpu.dimension_semantics<core_parallel>, #tpu.dimension_semantics<subcore_parallel>], iteration_bounds = array<i64: 2, 16>, scalar_prefetch = 0 : i64, scratch_operands = 5 : i64, tpu.core_type = #tpu.core_type<sc_vector_subcore>, window_params = [{transform_indices = #map}, {transform_indices = #map1}]} {
    %mul3A = arith.constant 16 : i32
    %mul3A_0 = arith.muli %arg0, %mul3A : i32
    %add3A = arith.addi %mul3A_0, %arg1 : i32
    %scan3A = arith.constant 0 : i32
    %scan3A_1 = arith.constant 0 : i32
    %scan3A_2 = arith.constant 640 : i32
    %scan3A_3 = arith.addi %scan3A_1, %scan3A_2 : i32
    %scan3A_4 = arith.constant 1 : i32
    scf.for %scan3A_25 = %scan3A_1 to %scan3A_3 step %scan3A_4  : i32 {
      %broadcast_in_dim3A = arith.constant 0.000000e+00 : f32
      %broadcast_in_dim3A_26 = vector.broadcast %broadcast_in_dim3A : f32 to vector<16xf32>
      %swap3A = arith.index_cast %scan3A_25 : i32 to index
      %swap3A_27 = arith.constant 0 : index
      %swap3A_28 = tpu.vector_load %arg6[%swap3A, %swap3A_27] {strides = array<i32>} : memref<640x16xf32, #tpu.memory_space<vmem>>, vector<1x16xf32>,
      %swap3A_29 = vector.shape_cast %swap3A_28 : vector<1x16xf32> to vector<16xf32>
      %swap3A_30 = vector.shape_cast %broadcast_in_dim3A_26 : vector<16xf32> to vector<1x16xf32>
      tpu.vector_store %arg6[%swap3A, %swap3A_27], %swap3A_30 {strides = array<i32>} : memref<640x16xf32, #tpu.memory_space<vmem>>, vector<1x16xf32>,
    }
    %scan3A_5 = arith.constant 640 : i32
    %scan3A_6 = arith.constant 0 : i32
    %scan3A_7 = arith.constant 0 : i32
    %scan3A_8 = arith.constant 125 : i32
    %scan3A_9 = arith.addi %scan3A_7, %scan3A_8 : i32
    %scan3A_10 = arith.constant 1 : i32
    scf.for %scan3A_25 = %scan3A_7 to %scan3A_9 step %scan3A_10  : i32 {
      %broadcast_in_dim3A = arith.constant 1.000000e+00 : f32
      %broadcast_in_dim3A_26 = vector.broadcast %broadcast_in_dim3A : f32 to vector<16xf32>
      %swap3A = arith.index_cast %scan3A_25 : i32 to index
      %swap3A_27 = arith.constant 0 : index
      %swap3A_28 = tpu.vector_load %arg5[%swap3A, %swap3A_27] {strides = array<i32>} : memref<125x16xf32, #tpu.memory_space<vmem>>, vector<1x16xf32>,
      %swap3A_29 = vector.shape_cast %swap3A_28 : vector<1x16xf32> to vector<16xf32>
      %swap3A_30 = vector.shape_cast %broadcast_in_dim3A_26 : vector<16xf32> to vector<1x16xf32>
      tpu.vector_store %arg5[%swap3A, %swap3A_27], %swap3A_30 {strides = array<i32>} : memref<125x16xf32, #tpu.memory_space<vmem>>, vector<1x16xf32>,
    }
    %scan3A_11 = arith.constant 125 : i32
    %mul3A_12 = arith.constant 640 : i32
    %mul3A_13 = arith.muli %arg1, %mul3A_12 : i32
    "tpu.region"() ({
      %run_scoped3A_25 = tpu.sem_alloc : memref<!tpu.dma_semaphore, #tpu.memory_space<semaphore_mem>>
      %dma_start3A = arith.constant 0 : i32
      %dma_start3A_26 = tpu.memref_slice %arg7[%mul3A_13, %dma_start3A] : memref<10240x16xf32, #tpu.memory_space<vmem_shared>> -> memref<640x16xf32, #tpu.memory_space<vmem_shared>>
      %dma_start3A_27 = arith.constant 0 : i32
      %dma_start3A_28 = tpu.memref_slice %arg7[%mul3A_13, %dma_start3A_27] : memref<10240x16xf32, #tpu.memory_space<vmem_shared>> -> memref<640x16xf32, #tpu.memory_space<vmem_shared>>
      tpu.enqueue_dma source(%arg6 : memref<640x16xf32, #tpu.memory_space<vmem>>) target(%dma_start3A_28 : memref<640x16xf32, #tpu.memory_space<vmem_shared>>) target_semaphore(%run_scoped3A_25 : memref<!tpu.dma_semaphore, #tpu.memory_space<semaphore_mem>>)
      %dma_wait3A = arith.constant 0 : i32
      %dma_wait3A_29 = tpu.memref_slice %arg7[%mul3A_13, %dma_wait3A] : memref<10240x16xf32, #tpu.memory_space<vmem_shared>> -> memref<640x16xf32, #tpu.memory_space<vmem_shared>>
      %dma_wait3A_30 = arith.constant 0 : i32
      %dma_wait3A_31 = tpu.memref_slice %arg7[%mul3A_13, %dma_wait3A_30] : memref<10240x16xf32, #tpu.memory_space<vmem_shared>> -> memref<640x16xf32, #tpu.memory_space<vmem_shared>>
      tpu.wait_dma2 semaphore(%run_scoped3A_25 : memref<!tpu.dma_semaphore, #tpu.memory_space<semaphore_mem>>) src(%arg6 : memref<640x16xf32, #tpu.memory_space<vmem>>) dst(%dma_wait3A_31 : memref<640x16xf32, #tpu.memory_space<vmem_shared>>)
      tpu.yield
    }) : () -> ()
    %run_scoped3A = arith.constant 1 : i32
    "tpu.region"() ({
      %run_scoped3A_25 = tpu.sem_alloc : memref<!tpu.dma_semaphore, #tpu.memory_space<semaphore_mem>>
      %dma_start3A = arith.constant 0 : i32
      %dma_start3A_26 = arith.constant 0 : i32
      %dma_start3A_27 = tpu.memref_slice %arg2[%run_scoped3A, %add3A, %dma_start3A, %dma_start3A_26] : memref<2x32x80x125xi32, #tpu.memory_space<hbm>> -> memref<1x1x80x125xi32, #tpu.memory_space<hbm>>
      %dma_start3A_28 = tpu.memref_squeeze %dma_start3A_27 : memref<1x1x80x125xi32, #tpu.memory_space<hbm>> -> memref<80x125xi32, #tpu.memory_space<hbm>>
      %dma_start3A_29 = arith.constant 0 : i32
      %dma_start3A_30 = arith.constant 0 : i32
      %dma_start3A_31 = tpu.memref_slice %arg2[%run_scoped3A, %add3A, %dma_start3A_29, %dma_start3A_30] : memref<2x32x80x125xi32, #tpu.memory_space<hbm>> -> memref<1x1x80x125xi32, #tpu.memory_space<hbm>>
      %dma_start3A_32 = tpu.memref_squeeze %dma_start3A_31 : memref<1x1x80x125xi32, #tpu.memory_space<hbm>> -> memref<80x125xi32, #tpu.memory_space<hbm>>
      tpu.enqueue_dma source(%dma_start3A_32 : memref<80x125xi32, #tpu.memory_space<hbm>>) target(%arg4 : memref<80x125xi32, #tpu.memory_space<vmem>>) target_semaphore(%run_scoped3A_25 : memref<!tpu.dma_semaphore, #tpu.memory_space<semaphore_mem>>)
      %dma_wait3A = arith.constant 0 : i32
      %dma_wait3A_33 = arith.constant 0 : i32
      %dma_wait3A_34 = tpu.memref_slice %arg2[%run_scoped3A, %add3A, %dma_wait3A, %dma_wait3A_33] : memref<2x32x80x125xi32, #tpu.memory_space<hbm>> -> memref<1x1x80x125xi32, #tpu.memory_space<hbm>>
      %dma_wait3A_35 = tpu.memref_squeeze %dma_wait3A_34 : memref<1x1x80x125xi32, #tpu.memory_space<hbm>> -> memref<80x125xi32, #tpu.memory_space<hbm>>
      %dma_wait3A_36 = arith.constant 0 : i32
      %dma_wait3A_37 = arith.constant 0 : i32
      %dma_wait3A_38 = tpu.memref_slice %arg2[%run_scoped3A, %add3A, %dma_wait3A_36, %dma_wait3A_37] : memref<2x32x80x125xi32, #tpu.memory_space<hbm>> -> memref<1x1x80x125xi32, #tpu.memory_space<hbm>>
      %dma_wait3A_39 = tpu.memref_squeeze %dma_wait3A_38 : memref<1x1x80x125xi32, #tpu.memory_space<hbm>> -> memref<80x125xi32, #tpu.memory_space<hbm>>
      tpu.wait_dma2 semaphore(%run_scoped3A_25 : memref<!tpu.dma_semaphore, #tpu.memory_space<semaphore_mem>>) src(%dma_wait3A_39 : memref<80x125xi32, #tpu.memory_space<hbm>>) dst(%arg4 : memref<80x125xi32, #tpu.memory_space<vmem>>)
      tpu.yield
    }) : () -> ()
    %barrier3A = arith.constant 0 : index
    tpu.barrier barrier_id(%barrier3A)
    %scan3A_14 = arith.constant 0 : i32
    %scan3A_15 = arith.constant 0 : i32
    %scan3A_16 = arith.constant 16 : i32
    %scan3A_17 = arith.addi %scan3A_15, %scan3A_16 : i32
    %scan3A_18 = arith.constant 1 : i32
    scf.for %scan3A_25 = %scan3A_15 to %scan3A_17 step %scan3A_18  : i32 {
      %mul3A_26 = arith.constant 5 : i32
      %mul3A_27 = arith.muli %scan3A_25, %mul3A_26 : i32
      %add3A_28 = arith.constant 0 : i32
      %add3A_29 = arith.addi %mul3A_27, %add3A_28 : i32
      %dma_start3A = arith.constant 0 : i32
      %dma_start3A_30 = tpu.memref_slice %arg4[%add3A_29, %dma_start3A] : memref<80x125xi32, #tpu.memory_space<vmem>> -> memref<1x125xi32, #tpu.memory_space<vmem>>
      %dma_start3A_31 = tpu.memref_squeeze %dma_start3A_30 : memref<1x125xi32, #tpu.memory_space<vmem>> -> memref<125xi32, #tpu.memory_space<vmem>>
      %dma_start3A_32 = arith.constant 0 : i32
      %dma_start3A_33 = arith.constant 0 : i32
      %dma_start3A_34 = tpu.memref_slice %arg7[%dma_start3A_32, %dma_start3A_33] : memref<10240x16xf32, #tpu.memory_space<vmem_shared>> -> memref<10240x16xf32, #tpu.memory_space<vmem_shared>>
      tpu.enqueue_indirect_dma source(%arg5 : memref<125x16xf32, #tpu.memory_space<vmem>>) target(%dma_start3A_34 : memref<10240x16xf32, #tpu.memory_space<vmem_shared>>) offsets(%dma_start3A_31 : memref<125xi32, #tpu.memory_space<vmem>>) semaphore(%arg8 : memref<!tpu.dma_semaphore, #tpu.memory_space<semaphore_mem>>) {add = true}
      %mul3A_35 = arith.constant 5 : i32
      %mul3A_36 = arith.muli %scan3A_25, %mul3A_35 : i32
      %add3A_37 = arith.constant 1 : i32
      %add3A_38 = arith.addi %mul3A_36, %add3A_37 : i32
      %dma_start3A_39 = arith.constant 0 : i32
      %dma_start3A_40 = tpu.memref_slice %arg4[%add3A_38, %dma_start3A_39] : memref<80x125xi32, #tpu.memory_space<vmem>> -> memref<1x125xi32, #tpu.memory_space<vmem>>
      %dma_start3A_41 = tpu.memref_squeeze %dma_start3A_40 : memref<1x125xi32, #tpu.memory_space<vmem>> -> memref<125xi32, #tpu.memory_space<vmem>>
      %dma_start3A_42 = arith.constant 0 : i32
      %dma_start3A_43 = arith.constant 0 : i32
      %dma_start3A_44 = tpu.memref_slice %arg7[%dma_start3A_42, %dma_start3A_43] : memref<10240x16xf32, #tpu.memory_space<vmem_shared>> -> memref<10240x16xf32, #tpu.memory_space<vmem_shared>>
      tpu.enqueue_indirect_dma source(%arg5 : memref<125x16xf32, #tpu.memory_space<vmem>>) target(%dma_start3A_44 : memref<10240x16xf32, #tpu.memory_space<vmem_shared>>) offsets(%dma_start3A_41 : memref<125xi32, #tpu.memory_space<vmem>>) semaphore(%arg8 : memref<!tpu.dma_semaphore, #tpu.memory_space<semaphore_mem>>) {add = true}
      %mul3A_45 = arith.constant 5 : i32
      %mul3A_46 = arith.muli %scan3A_25, %mul3A_45 : i32
      %add3A_47 = arith.constant 2 : i32
      %add3A_48 = arith.addi %mul3A_46, %add3A_47 : i32
      %dma_start3A_49 = arith.constant 0 : i32
      %dma_start3A_50 = tpu.memref_slice %arg4[%add3A_48, %dma_start3A_49] : memref<80x125xi32, #tpu.memory_space<vmem>> -> memref<1x125xi32, #tpu.memory_space<vmem>>
      %dma_start3A_51 = tpu.memref_squeeze %dma_start3A_50 : memref<1x125xi32, #tpu.memory_space<vmem>> -> memref<125xi32, #tpu.memory_space<vmem>>
      %dma_start3A_52 = arith.constant 0 : i32
      %dma_start3A_53 = arith.constant 0 : i32
      %dma_start3A_54 = tpu.memref_slice %arg7[%dma_start3A_52, %dma_start3A_53] : memref<10240x16xf32, #tpu.memory_space<vmem_shared>> -> memref<10240x16xf32, #tpu.memory_space<vmem_shared>>
      tpu.enqueue_indirect_dma source(%arg5 : memref<125x16xf32, #tpu.memory_space<vmem>>) target(%dma_start3A_54 : memref<10240x16xf32, #tpu.memory_space<vmem_shared>>) offsets(%dma_start3A_51 : memref<125xi32, #tpu.memory_space<vmem>>) semaphore(%arg8 : memref<!tpu.dma_semaphore, #tpu.memory_space<semaphore_mem>>) {add = true}
      %mul3A_55 = arith.constant 5 : i32
      %mul3A_56 = arith.muli %scan3A_25, %mul3A_55 : i32
      %add3A_57 = arith.constant 3 : i32
      %add3A_58 = arith.addi %mul3A_56, %add3A_57 : i32
      %dma_start3A_59 = arith.constant 0 : i32
      %dma_start3A_60 = tpu.memref_slice %arg4[%add3A_58, %dma_start3A_59] : memref<80x125xi32, #tpu.memory_space<vmem>> -> memref<1x125xi32, #tpu.memory_space<vmem>>
      %dma_start3A_61 = tpu.memref_squeeze %dma_start3A_60 : memref<1x125xi32, #tpu.memory_space<vmem>> -> memref<125xi32, #tpu.memory_space<vmem>>
      %dma_start3A_62 = arith.constant 0 : i32
      %dma_start3A_63 = arith.constant 0 : i32
      %dma_start3A_64 = tpu.memref_slice %arg7[%dma_start3A_62, %dma_start3A_63] : memref<10240x16xf32, #tpu.memory_space<vmem_shared>> -> memref<10240x16xf32, #tpu.memory_space<vmem_shared>>
      tpu.enqueue_indirect_dma source(%arg5 : memref<125x16xf32, #tpu.memory_space<vmem>>) target(%dma_start3A_64 : memref<10240x16xf32, #tpu.memory_space<vmem_shared>>) offsets(%dma_start3A_61 : memref<125xi32, #tpu.memory_space<vmem>>) semaphore(%arg8 : memref<!tpu.dma_semaphore, #tpu.memory_space<semaphore_mem>>) {add = true}
      %mul3A_65 = arith.constant 5 : i32
      %mul3A_66 = arith.muli %scan3A_25, %mul3A_65 : i32
      %add3A_67 = arith.constant 4 : i32
      %add3A_68 = arith.addi %mul3A_66, %add3A_67 : i32
      %dma_start3A_69 = arith.constant 0 : i32
      %dma_start3A_70 = tpu.memref_slice %arg4[%add3A_68, %dma_start3A_69] : memref<80x125xi32, #tpu.memory_space<vmem>> -> memref<1x125xi32, #tpu.memory_space<vmem>>
      %dma_start3A_71 = tpu.memref_squeeze %dma_start3A_70 : memref<1x125xi32, #tpu.memory_space<vmem>> -> memref<125xi32, #tpu.memory_space<vmem>>
      %dma_start3A_72 = arith.constant 0 : i32
      %dma_start3A_73 = arith.constant 0 : i32
      %dma_start3A_74 = tpu.memref_slice %arg7[%dma_start3A_72, %dma_start3A_73] : memref<10240x16xf32, #tpu.memory_space<vmem_shared>> -> memref<10240x16xf32, #tpu.memory_space<vmem_shared>>
      tpu.enqueue_indirect_dma source(%arg5 : memref<125x16xf32, #tpu.memory_space<vmem>>) target(%dma_start3A_74 : memref<10240x16xf32, #tpu.memory_space<vmem_shared>>) offsets(%dma_start3A_71 : memref<125xi32, #tpu.memory_space<vmem>>) semaphore(%arg8 : memref<!tpu.dma_semaphore, #tpu.memory_space<semaphore_mem>>) {add = true}
      %mul3A_75 = arith.constant 5 : i32
      %mul3A_76 = arith.muli %scan3A_25, %mul3A_75 : i32
      %add3A_77 = arith.constant 0 : i32
      %add3A_78 = arith.addi %mul3A_76, %add3A_77 : i32
      %dma_wait3A = arith.constant 0 : i32
      %dma_wait3A_79 = tpu.memref_slice %arg4[%add3A_78, %dma_wait3A] : memref<80x125xi32, #tpu.memory_space<vmem>> -> memref<1x125xi32, #tpu.memory_space<vmem>>
      %dma_wait3A_80 = tpu.memref_squeeze %dma_wait3A_79 : memref<1x125xi32, #tpu.memory_space<vmem>> -> memref<125xi32, #tpu.memory_space<vmem>>
      %dma_wait3A_81 = arith.constant 0 : i32
      %dma_wait3A_82 = arith.constant 0 : i32
      %dma_wait3A_83 = tpu.memref_slice %arg7[%dma_wait3A_81, %dma_wait3A_82] : memref<10240x16xf32, #tpu.memory_space<vmem_shared>> -> memref<10240x16xf32, #tpu.memory_space<vmem_shared>>
      tpu.wait_indirect_dma semaphore(%arg8 : memref<!tpu.dma_semaphore, #tpu.memory_space<semaphore_mem>>) src(%arg5 : memref<125x16xf32, #tpu.memory_space<vmem>>) dst(%dma_wait3A_83 : memref<10240x16xf32, #tpu.memory_space<vmem_shared>>)
      %mul3A_84 = arith.constant 5 : i32
      %mul3A_85 = arith.muli %scan3A_25, %mul3A_84 : i32
      %add3A_86 = arith.constant 1 : i32
      %add3A_87 = arith.addi %mul3A_85, %add3A_86 : i32
      %dma_wait3A_88 = arith.constant 0 : i32
      %dma_wait3A_89 = tpu.memref_slice %arg4[%add3A_87, %dma_wait3A_88] : memref<80x125xi32, #tpu.memory_space<vmem>> -> memref<1x125xi32, #tpu.memory_space<vmem>>
      %dma_wait3A_90 = tpu.memref_squeeze %dma_wait3A_89 : memref<1x125xi32, #tpu.memory_space<vmem>> -> memref<125xi32, #tpu.memory_space<vmem>>
      %dma_wait3A_91 = arith.constant 0 : i32
      %dma_wait3A_92 = arith.constant 0 : i32
      %dma_wait3A_93 = tpu.memref_slice %arg7[%dma_wait3A_91, %dma_wait3A_92] : memref<10240x16xf32, #tpu.memory_space<vmem_shared>> -> memref<10240x16xf32, #tpu.memory_space<vmem_shared>>
      tpu.wait_indirect_dma semaphore(%arg8 : memref<!tpu.dma_semaphore, #tpu.memory_space<semaphore_mem>>) src(%arg5 : memref<125x16xf32, #tpu.memory_space<vmem>>) dst(%dma_wait3A_93 : memref<10240x16xf32, #tpu.memory_space<vmem_shared>>)
      %mul3A_94 = arith.constant 5 : i32
      %mul3A_95 = arith.muli %scan3A_25, %mul3A_94 : i32
      %add3A_96 = arith.constant 2 : i32
      %add3A_97 = arith.addi %mul3A_95, %add3A_96 : i32
      %dma_wait3A_98 = arith.constant 0 : i32
      %dma_wait3A_99 = tpu.memref_slice %arg4[%add3A_97, %dma_wait3A_98] : memref<80x125xi32, #tpu.memory_space<vmem>> -> memref<1x125xi32, #tpu.memory_space<vmem>>
      %dma_wait3A_100 = tpu.memref_squeeze %dma_wait3A_99 : memref<1x125xi32, #tpu.memory_space<vmem>> -> memref<125xi32, #tpu.memory_space<vmem>>
      %dma_wait3A_101 = arith.constant 0 : i32
      %dma_wait3A_102 = arith.constant 0 : i32
      %dma_wait3A_103 = tpu.memref_slice %arg7[%dma_wait3A_101, %dma_wait3A_102] : memref<10240x16xf32, #tpu.memory_space<vmem_shared>> -> memref<10240x16xf32, #tpu.memory_space<vmem_shared>>
      tpu.wait_indirect_dma semaphore(%arg8 : memref<!tpu.dma_semaphore, #tpu.memory_space<semaphore_mem>>) src(%arg5 : memref<125x16xf32, #tpu.memory_space<vmem>>) dst(%dma_wait3A_103 : memref<10240x16xf32, #tpu.memory_space<vmem_shared>>)
      %mul3A_104 = arith.constant 5 : i32
      %mul3A_105 = arith.muli %scan3A_25, %mul3A_104 : i32
      %add3A_106 = arith.constant 3 : i32
      %add3A_107 = arith.addi %mul3A_105, %add3A_106 : i32
      %dma_wait3A_108 = arith.constant 0 : i32
      %dma_wait3A_109 = tpu.memref_slice %arg4[%add3A_107, %dma_wait3A_108] : memref<80x125xi32, #tpu.memory_space<vmem>> -> memref<1x125xi32, #tpu.memory_space<vmem>>
      %dma_wait3A_110 = tpu.memref_squeeze %dma_wait3A_109 : memref<1x125xi32, #tpu.memory_space<vmem>> -> memref<125xi32, #tpu.memory_space<vmem>>
      %dma_wait3A_111 = arith.constant 0 : i32
      %dma_wait3A_112 = arith.constant 0 : i32
      %dma_wait3A_113 = tpu.memref_slice %arg7[%dma_wait3A_111, %dma_wait3A_112] : memref<10240x16xf32, #tpu.memory_space<vmem_shared>> -> memref<10240x16xf32, #tpu.memory_space<vmem_shared>>
      tpu.wait_indirect_dma semaphore(%arg8 : memref<!tpu.dma_semaphore, #tpu.memory_space<semaphore_mem>>) src(%arg5 : memref<125x16xf32, #tpu.memory_space<vmem>>) dst(%dma_wait3A_113 : memref<10240x16xf32, #tpu.memory_space<vmem_shared>>)
      %mul3A_114 = arith.constant 5 : i32
      %mul3A_115 = arith.muli %scan3A_25, %mul3A_114 : i32
      %add3A_116 = arith.constant 4 : i32
      %add3A_117 = arith.addi %mul3A_115, %add3A_116 : i32
      %dma_wait3A_118 = arith.constant 0 : i32
      %dma_wait3A_119 = tpu.memref_slice %arg4[%add3A_117, %dma_wait3A_118] : memref<80x125xi32, #tpu.memory_space<vmem>> -> memref<1x125xi32, #tpu.memory_space<vmem>>
      %dma_wait3A_120 = tpu.memref_squeeze %dma_wait3A_119 : memref<1x125xi32, #tpu.memory_space<vmem>> -> memref<125xi32, #tpu.memory_space<vmem>>
      %dma_wait3A_121 = arith.constant 0 : i32
      %dma_wait3A_122 = arith.constant 0 : i32
      %dma_wait3A_123 = tpu.memref_slice %arg7[%dma_wait3A_121, %dma_wait3A_122] : memref<10240x16xf32, #tpu.memory_space<vmem_shared>> -> memref<10240x16xf32, #tpu.memory_space<vmem_shared>>
      tpu.wait_indirect_dma semaphore(%arg8 : memref<!tpu.dma_semaphore, #tpu.memory_space<semaphore_mem>>) src(%arg5 : memref<125x16xf32, #tpu.memory_space<vmem>>) dst(%dma_wait3A_123 : memref<10240x16xf32, #tpu.memory_space<vmem_shared>>)
    }
    %scan3A_19 = arith.constant 16 : i32
    %barrier3A_20 = arith.constant 0 : index
    tpu.barrier barrier_id(%barrier3A_20)
    %mul3A_21 = arith.constant 640 : i32
    %mul3A_22 = arith.muli %arg1, %mul3A_21 : i32
    %mul3A_23 = arith.constant 640 : i32
    %mul3A_24 = arith.muli %arg1, %mul3A_23 : i32
    "tpu.region"() ({
      %run_scoped3A_25 = tpu.sem_alloc : memref<!tpu.dma_semaphore, #tpu.memory_space<semaphore_mem>>
      %dma_start3A = arith.constant 0 : i32
      %dma_start3A_26 = arith.constant 0 : i32
      %dma_start3A_27 = tpu.memref_slice %arg3[%arg0, %dma_start3A, %dma_start3A_26] : memref<2x10240x16xf32, #tpu.memory_space<hbm>> -> memref<1x10240x16xf32, #tpu.memory_space<hbm>>
      %dma_start3A_28 = tpu.memref_squeeze %dma_start3A_27 : memref<1x10240x16xf32, #tpu.memory_space<hbm>> -> memref<10240x16xf32, #tpu.memory_space<hbm>>
      %dma_start3A_29 = arith.constant 0 : i32
      %dma_start3A_30 = tpu.memref_slice %dma_start3A_28[%mul3A_24, %dma_start3A_29] : memref<10240x16xf32, #tpu.memory_space<hbm>> -> memref<640x16xf32, #tpu.memory_space<hbm>>
      %dma_start3A_31 = arith.constant 0 : i32
      %dma_start3A_32 = tpu.memref_slice %arg7[%mul3A_22, %dma_start3A_31] : memref<10240x16xf32, #tpu.memory_space<vmem_shared>> -> memref<640x16xf32, #tpu.memory_space<vmem_shared>>
      tpu.enqueue_dma source(%dma_start3A_32 : memref<640x16xf32, #tpu.memory_space<vmem_shared>>) target(%dma_start3A_30 : memref<640x16xf32, #tpu.memory_space<hbm>>) target_semaphore(%run_scoped3A_25 : memref<!tpu.dma_semaphore, #tpu.memory_space<semaphore_mem>>)
      %dma_wait3A = arith.constant 0 : i32
      %dma_wait3A_33 = arith.constant 0 : i32
      %dma_wait3A_34 = tpu.memref_slice %arg3[%arg0, %dma_wait3A, %dma_wait3A_33] : memref<2x10240x16xf32, #tpu.memory_space<hbm>> -> memref<1x10240x16xf32, #tpu.memory_space<hbm>>
      %dma_wait3A_35 = tpu.memref_squeeze %dma_wait3A_34 : memref<1x10240x16xf32, #tpu.memory_space<hbm>> -> memref<10240x16xf32, #tpu.memory_space<hbm>>
      %dma_wait3A_36 = arith.constant 0 : i32
      %dma_wait3A_37 = tpu.memref_slice %dma_wait3A_35[%mul3A_24, %dma_wait3A_36] : memref<10240x16xf32, #tpu.memory_space<hbm>> -> memref<640x16xf32, #tpu.memory_space<hbm>>
      %dma_wait3A_38 = arith.constant 0 : i32
      %dma_wait3A_39 = tpu.memref_slice %arg7[%mul3A_22, %dma_wait3A_38] : memref<10240x16xf32, #tpu.memory_space<vmem_shared>> -> memref<640x16xf32, #tpu.memory_space<vmem_shared>>
      tpu.wait_dma2 semaphore(%run_scoped3A_25 : memref<!tpu.dma_semaphore, #tpu.memory_space<semaphore_mem>>) src(%dma_wait3A_39 : memref<640x16xf32, #tpu.memory_space<vmem_shared>>) dst(%dma_wait3A_37 : memref<640x16xf32, #tpu.memory_space<hbm>>)
      tpu.yield
    }) : () -> ()
    return
  }
}

#map = affine_map<(d0, d1) -> (0, 0)>
#map1 = affine_map<(d0, d1) -> (0, 0, 0, 0)>
#map2 = affine_map<(d0, d1) -> (0, 0, 0)>
module attributes {stable_mosaic.version = 14 : i64} {
  func.func @_sc_aggregate(%arg0: i32, %arg1: i32, %arg2: memref<10000x64xf32, #tpu.memory_space<hbm>>, %arg3: memref<2x32x80x125xi32, #tpu.memory_space<hbm>>, %arg4: memref<2x10240x64xf32, #tpu.memory_space<hbm>>, %arg5: memref<80x125xi32, #tpu.memory_space<vmem>>, %arg6: memref<80x125xi32, #tpu.memory_space<vmem>>, %arg7: memref<5x125x64xf32, #tpu.memory_space<vmem>>, %arg8: memref<160x64xf32, #tpu.memory_space<vmem>>, %arg9: memref<10240x64xf32, #tpu.memory_space<vmem_shared>>, %arg10: memref<!tpu.dma_semaphore, #tpu.memory_space<semaphore_mem>>, %arg11: memref<!tpu.dma_semaphore, #tpu.memory_space<semaphore_mem>>, %arg12: memref<!tpu.dma_semaphore, #tpu.memory_space<semaphore_mem>>, %arg13: memref<!tpu.dma_semaphore, #tpu.memory_space<semaphore_mem>>, %arg14: memref<!tpu.dma_semaphore, #tpu.memory_space<semaphore_mem>>, %arg15: memref<!tpu.dma_semaphore, #tpu.memory_space<semaphore_mem>>, %arg16: memref<!tpu.dma_semaphore, #tpu.memory_space<semaphore_mem>>, %arg17: memref<!tpu.dma_semaphore, #tpu.memory_space<semaphore_mem>>, %arg18: memref<!tpu.dma_semaphore, #tpu.memory_space<semaphore_mem>>, %arg19: memref<!tpu.dma_semaphore, #tpu.memory_space<semaphore_mem>>) attributes {dimension_semantics = [#tpu.dimension_semantics<core_parallel>, #tpu.dimension_semantics<subcore_parallel>], iteration_bounds = array<i64: 2, 16>, scalar_prefetch = 0 : i64, scratch_operands = 15 : i64, tpu.core_type = #tpu.core_type<sc_vector_subcore>, window_params = [{transform_indices = #map}, {transform_indices = #map1}, {transform_indices = #map2}]} {
    %mul3A = arith.constant 16 : i32
    %mul3A_0 = arith.muli %arg0, %mul3A : i32
    %add3A = arith.addi %mul3A_0, %arg1 : i32
    %scan3A = arith.constant 0 : i32
    %scan3A_1 = arith.constant 0 : i32
    %scan3A_2 = arith.constant 160 : i32
    %scan3A_3 = arith.addi %scan3A_1, %scan3A_2 : i32
    %scan3A_4 = arith.constant 1 : i32
    scf.for %scan3A_152 = %scan3A_1 to %scan3A_3 step %scan3A_4  : i32 {
      %broadcast_in_dim3A = arith.constant 0.000000e+00 : f32
      %broadcast_in_dim3A_153 = vector.broadcast %broadcast_in_dim3A : f32 to vector<16xf32>
      %swap3A = arith.index_cast %scan3A_152 : i32 to index
      %swap3A_154 = arith.constant 0 : index
      %swap3A_155 = tpu.vector_load %arg8[%swap3A, %swap3A_154] {strides = array<i32>} : memref<160x64xf32, #tpu.memory_space<vmem>>, vector<1x16xf32>,
      %swap3A_156 = vector.shape_cast %swap3A_155 : vector<1x16xf32> to vector<16xf32>
      %swap3A_157 = vector.shape_cast %broadcast_in_dim3A_153 : vector<16xf32> to vector<1x16xf32>
      tpu.vector_store %arg8[%swap3A, %swap3A_154], %swap3A_157 {strides = array<i32>} : memref<160x64xf32, #tpu.memory_space<vmem>>, vector<1x16xf32>,
      %broadcast_in_dim3A_158 = arith.constant 0.000000e+00 : f32
      %broadcast_in_dim3A_159 = vector.broadcast %broadcast_in_dim3A_158 : f32 to vector<16xf32>
      %swap3A_160 = arith.index_cast %scan3A_152 : i32 to index
      %swap3A_161 = arith.constant 16 : index
      %swap3A_162 = tpu.vector_load %arg8[%swap3A_160, %swap3A_161] {strides = array<i32>} : memref<160x64xf32, #tpu.memory_space<vmem>>, vector<1x16xf32>,
      %swap3A_163 = vector.shape_cast %swap3A_162 : vector<1x16xf32> to vector<16xf32>
      %swap3A_164 = vector.shape_cast %broadcast_in_dim3A_159 : vector<16xf32> to vector<1x16xf32>
      tpu.vector_store %arg8[%swap3A_160, %swap3A_161], %swap3A_164 {strides = array<i32>} : memref<160x64xf32, #tpu.memory_space<vmem>>, vector<1x16xf32>,
      %broadcast_in_dim3A_165 = arith.constant 0.000000e+00 : f32
      %broadcast_in_dim3A_166 = vector.broadcast %broadcast_in_dim3A_165 : f32 to vector<16xf32>
      %swap3A_167 = arith.index_cast %scan3A_152 : i32 to index
      %swap3A_168 = arith.constant 32 : index
      %swap3A_169 = tpu.vector_load %arg8[%swap3A_167, %swap3A_168] {strides = array<i32>} : memref<160x64xf32, #tpu.memory_space<vmem>>, vector<1x16xf32>,
      %swap3A_170 = vector.shape_cast %swap3A_169 : vector<1x16xf32> to vector<16xf32>
      %swap3A_171 = vector.shape_cast %broadcast_in_dim3A_166 : vector<16xf32> to vector<1x16xf32>
      tpu.vector_store %arg8[%swap3A_167, %swap3A_168], %swap3A_171 {strides = array<i32>} : memref<160x64xf32, #tpu.memory_space<vmem>>, vector<1x16xf32>,
      %broadcast_in_dim3A_172 = arith.constant 0.000000e+00 : f32
      %broadcast_in_dim3A_173 = vector.broadcast %broadcast_in_dim3A_172 : f32 to vector<16xf32>
      %swap3A_174 = arith.index_cast %scan3A_152 : i32 to index
      %swap3A_175 = arith.constant 48 : index
      %swap3A_176 = tpu.vector_load %arg8[%swap3A_174, %swap3A_175] {strides = array<i32>} : memref<160x64xf32, #tpu.memory_space<vmem>>, vector<1x16xf32>,
      %swap3A_177 = vector.shape_cast %swap3A_176 : vector<1x16xf32> to vector<16xf32>
      %swap3A_178 = vector.shape_cast %broadcast_in_dim3A_173 : vector<16xf32> to vector<1x16xf32>
      tpu.vector_store %arg8[%swap3A_174, %swap3A_175], %swap3A_178 {strides = array<i32>} : memref<160x64xf32, #tpu.memory_space<vmem>>, vector<1x16xf32>,
    }
    %scan3A_5 = arith.constant 160 : i32
    %mul3A_6 = arith.constant 640 : i32
    %mul3A_7 = arith.muli %arg1, %mul3A_6 : i32
    %add3A_8 = arith.constant 0 : i32
    %add3A_9 = arith.addi %mul3A_7, %add3A_8 : i32
    "tpu.region"() ({
      %run_scoped3A_152 = tpu.sem_alloc : memref<!tpu.dma_semaphore, #tpu.memory_space<semaphore_mem>>
      %dma_start3A_153 = arith.constant 0 : i32
      %dma_start3A_154 = tpu.memref_slice %arg9[%add3A_9, %dma_start3A_153] : memref<10240x64xf32, #tpu.memory_space<vmem_shared>> -> memref<160x64xf32, #tpu.memory_space<vmem_shared>>
      %dma_start3A_155 = arith.constant 0 : i32
      %dma_start3A_156 = tpu.memref_slice %arg9[%add3A_9, %dma_start3A_155] : memref<10240x64xf32, #tpu.memory_space<vmem_shared>> -> memref<160x64xf32, #tpu.memory_space<vmem_shared>>
      tpu.enqueue_dma source(%arg8 : memref<160x64xf32, #tpu.memory_space<vmem>>) target(%dma_start3A_156 : memref<160x64xf32, #tpu.memory_space<vmem_shared>>) target_semaphore(%run_scoped3A_152 : memref<!tpu.dma_semaphore, #tpu.memory_space<semaphore_mem>>)
      %dma_wait3A_157 = arith.constant 0 : i32
      %dma_wait3A_158 = tpu.memref_slice %arg9[%add3A_9, %dma_wait3A_157] : memref<10240x64xf32, #tpu.memory_space<vmem_shared>> -> memref<160x64xf32, #tpu.memory_space<vmem_shared>>
      %dma_wait3A_159 = arith.constant 0 : i32
      %dma_wait3A_160 = tpu.memref_slice %arg9[%add3A_9, %dma_wait3A_159] : memref<10240x64xf32, #tpu.memory_space<vmem_shared>> -> memref<160x64xf32, #tpu.memory_space<vmem_shared>>
      tpu.wait_dma2 semaphore(%run_scoped3A_152 : memref<!tpu.dma_semaphore, #tpu.memory_space<semaphore_mem>>) src(%arg8 : memref<160x64xf32, #tpu.memory_space<vmem>>) dst(%dma_wait3A_160 : memref<160x64xf32, #tpu.memory_space<vmem_shared>>)
      tpu.yield
    }) : () -> ()
    %mul3A_10 = arith.constant 640 : i32
    %mul3A_11 = arith.muli %arg1, %mul3A_10 : i32
    %add3A_12 = arith.constant 160 : i32
    %add3A_13 = arith.addi %mul3A_11, %add3A_12 : i32
    "tpu.region"() ({
      %run_scoped3A_152 = tpu.sem_alloc : memref<!tpu.dma_semaphore, #tpu.memory_space<semaphore_mem>>
      %dma_start3A_153 = arith.constant 0 : i32
      %dma_start3A_154 = tpu.memref_slice %arg9[%add3A_13, %dma_start3A_153] : memref<10240x64xf32, #tpu.memory_space<vmem_shared>> -> memref<160x64xf32, #tpu.memory_space<vmem_shared>>
      %dma_start3A_155 = arith.constant 0 : i32
      %dma_start3A_156 = tpu.memref_slice %arg9[%add3A_13, %dma_start3A_155] : memref<10240x64xf32, #tpu.memory_space<vmem_shared>> -> memref<160x64xf32, #tpu.memory_space<vmem_shared>>
      tpu.enqueue_dma source(%arg8 : memref<160x64xf32, #tpu.memory_space<vmem>>) target(%dma_start3A_156 : memref<160x64xf32, #tpu.memory_space<vmem_shared>>) target_semaphore(%run_scoped3A_152 : memref<!tpu.dma_semaphore, #tpu.memory_space<semaphore_mem>>)
      %dma_wait3A_157 = arith.constant 0 : i32
      %dma_wait3A_158 = tpu.memref_slice %arg9[%add3A_13, %dma_wait3A_157] : memref<10240x64xf32, #tpu.memory_space<vmem_shared>> -> memref<160x64xf32, #tpu.memory_space<vmem_shared>>
      %dma_wait3A_159 = arith.constant 0 : i32
      %dma_wait3A_160 = tpu.memref_slice %arg9[%add3A_13, %dma_wait3A_159] : memref<10240x64xf32, #tpu.memory_space<vmem_shared>> -> memref<160x64xf32, #tpu.memory_space<vmem_shared>>
      tpu.wait_dma2 semaphore(%run_scoped3A_152 : memref<!tpu.dma_semaphore, #tpu.memory_space<semaphore_mem>>) src(%arg8 : memref<160x64xf32, #tpu.memory_space<vmem>>) dst(%dma_wait3A_160 : memref<160x64xf32, #tpu.memory_space<vmem_shared>>)
      tpu.yield
    }) : () -> ()
    %mul3A_14 = arith.constant 640 : i32
    %mul3A_15 = arith.muli %arg1, %mul3A_14 : i32
    %add3A_16 = arith.constant 320 : i32
    %add3A_17 = arith.addi %mul3A_15, %add3A_16 : i32
    "tpu.region"() ({
      %run_scoped3A_152 = tpu.sem_alloc : memref<!tpu.dma_semaphore, #tpu.memory_space<semaphore_mem>>
      %dma_start3A_153 = arith.constant 0 : i32
      %dma_start3A_154 = tpu.memref_slice %arg9[%add3A_17, %dma_start3A_153] : memref<10240x64xf32, #tpu.memory_space<vmem_shared>> -> memref<160x64xf32, #tpu.memory_space<vmem_shared>>
      %dma_start3A_155 = arith.constant 0 : i32
      %dma_start3A_156 = tpu.memref_slice %arg9[%add3A_17, %dma_start3A_155] : memref<10240x64xf32, #tpu.memory_space<vmem_shared>> -> memref<160x64xf32, #tpu.memory_space<vmem_shared>>
      tpu.enqueue_dma source(%arg8 : memref<160x64xf32, #tpu.memory_space<vmem>>) target(%dma_start3A_156 : memref<160x64xf32, #tpu.memory_space<vmem_shared>>) target_semaphore(%run_scoped3A_152 : memref<!tpu.dma_semaphore, #tpu.memory_space<semaphore_mem>>)
      %dma_wait3A_157 = arith.constant 0 : i32
      %dma_wait3A_158 = tpu.memref_slice %arg9[%add3A_17, %dma_wait3A_157] : memref<10240x64xf32, #tpu.memory_space<vmem_shared>> -> memref<160x64xf32, #tpu.memory_space<vmem_shared>>
      %dma_wait3A_159 = arith.constant 0 : i32
      %dma_wait3A_160 = tpu.memref_slice %arg9[%add3A_17, %dma_wait3A_159] : memref<10240x64xf32, #tpu.memory_space<vmem_shared>> -> memref<160x64xf32, #tpu.memory_space<vmem_shared>>
      tpu.wait_dma2 semaphore(%run_scoped3A_152 : memref<!tpu.dma_semaphore, #tpu.memory_space<semaphore_mem>>) src(%arg8 : memref<160x64xf32, #tpu.memory_space<vmem>>) dst(%dma_wait3A_160 : memref<160x64xf32, #tpu.memory_space<vmem_shared>>)
      tpu.yield
    }) : () -> ()
    %mul3A_18 = arith.constant 640 : i32
    %mul3A_19 = arith.muli %arg1, %mul3A_18 : i32
    %add3A_20 = arith.constant 480 : i32
    %add3A_21 = arith.addi %mul3A_19, %add3A_20 : i32
    "tpu.region"() ({
      %run_scoped3A_152 = tpu.sem_alloc : memref<!tpu.dma_semaphore, #tpu.memory_space<semaphore_mem>>
      %dma_start3A_153 = arith.constant 0 : i32
      %dma_start3A_154 = tpu.memref_slice %arg9[%add3A_21, %dma_start3A_153] : memref<10240x64xf32, #tpu.memory_space<vmem_shared>> -> memref<160x64xf32, #tpu.memory_space<vmem_shared>>
      %dma_start3A_155 = arith.constant 0 : i32
      %dma_start3A_156 = tpu.memref_slice %arg9[%add3A_21, %dma_start3A_155] : memref<10240x64xf32, #tpu.memory_space<vmem_shared>> -> memref<160x64xf32, #tpu.memory_space<vmem_shared>>
      tpu.enqueue_dma source(%arg8 : memref<160x64xf32, #tpu.memory_space<vmem>>) target(%dma_start3A_156 : memref<160x64xf32, #tpu.memory_space<vmem_shared>>) target_semaphore(%run_scoped3A_152 : memref<!tpu.dma_semaphore, #tpu.memory_space<semaphore_mem>>)
      %dma_wait3A_157 = arith.constant 0 : i32
      %dma_wait3A_158 = tpu.memref_slice %arg9[%add3A_21, %dma_wait3A_157] : memref<10240x64xf32, #tpu.memory_space<vmem_shared>> -> memref<160x64xf32, #tpu.memory_space<vmem_shared>>
      %dma_wait3A_159 = arith.constant 0 : i32
      %dma_wait3A_160 = tpu.memref_slice %arg9[%add3A_21, %dma_wait3A_159] : memref<10240x64xf32, #tpu.memory_space<vmem_shared>> -> memref<160x64xf32, #tpu.memory_space<vmem_shared>>
      tpu.wait_dma2 semaphore(%run_scoped3A_152 : memref<!tpu.dma_semaphore, #tpu.memory_space<semaphore_mem>>) src(%arg8 : memref<160x64xf32, #tpu.memory_space<vmem>>) dst(%dma_wait3A_160 : memref<160x64xf32, #tpu.memory_space<vmem_shared>>)
      tpu.yield
    }) : () -> ()
    %run_scoped3A = arith.constant 0 : i32
    "tpu.region"() ({
      %run_scoped3A_152 = tpu.sem_alloc : memref<!tpu.dma_semaphore, #tpu.memory_space<semaphore_mem>>
      %dma_start3A_153 = arith.constant 0 : i32
      %dma_start3A_154 = arith.constant 0 : i32
      %dma_start3A_155 = tpu.memref_slice %arg3[%run_scoped3A, %add3A, %dma_start3A_153, %dma_start3A_154] : memref<2x32x80x125xi32, #tpu.memory_space<hbm>> -> memref<1x1x80x125xi32, #tpu.memory_space<hbm>>
      %dma_start3A_156 = tpu.memref_squeeze %dma_start3A_155 : memref<1x1x80x125xi32, #tpu.memory_space<hbm>> -> memref<80x125xi32, #tpu.memory_space<hbm>>
      %dma_start3A_157 = arith.constant 0 : i32
      %dma_start3A_158 = arith.constant 0 : i32
      %dma_start3A_159 = tpu.memref_slice %arg3[%run_scoped3A, %add3A, %dma_start3A_157, %dma_start3A_158] : memref<2x32x80x125xi32, #tpu.memory_space<hbm>> -> memref<1x1x80x125xi32, #tpu.memory_space<hbm>>
      %dma_start3A_160 = tpu.memref_squeeze %dma_start3A_159 : memref<1x1x80x125xi32, #tpu.memory_space<hbm>> -> memref<80x125xi32, #tpu.memory_space<hbm>>
      tpu.enqueue_dma source(%dma_start3A_160 : memref<80x125xi32, #tpu.memory_space<hbm>>) target(%arg5 : memref<80x125xi32, #tpu.memory_space<vmem>>) target_semaphore(%run_scoped3A_152 : memref<!tpu.dma_semaphore, #tpu.memory_space<semaphore_mem>>)
      %dma_wait3A_161 = arith.constant 0 : i32
      %dma_wait3A_162 = arith.constant 0 : i32
      %dma_wait3A_163 = tpu.memref_slice %arg3[%run_scoped3A, %add3A, %dma_wait3A_161, %dma_wait3A_162] : memref<2x32x80x125xi32, #tpu.memory_space<hbm>> -> memref<1x1x80x125xi32, #tpu.memory_space<hbm>>
      %dma_wait3A_164 = tpu.memref_squeeze %dma_wait3A_163 : memref<1x1x80x125xi32, #tpu.memory_space<hbm>> -> memref<80x125xi32, #tpu.memory_space<hbm>>
      %dma_wait3A_165 = arith.constant 0 : i32
      %dma_wait3A_166 = arith.constant 0 : i32
      %dma_wait3A_167 = tpu.memref_slice %arg3[%run_scoped3A, %add3A, %dma_wait3A_165, %dma_wait3A_166] : memref<2x32x80x125xi32, #tpu.memory_space<hbm>> -> memref<1x1x80x125xi32, #tpu.memory_space<hbm>>
      %dma_wait3A_168 = tpu.memref_squeeze %dma_wait3A_167 : memref<1x1x80x125xi32, #tpu.memory_space<hbm>> -> memref<80x125xi32, #tpu.memory_space<hbm>>
      tpu.wait_dma2 semaphore(%run_scoped3A_152 : memref<!tpu.dma_semaphore, #tpu.memory_space<semaphore_mem>>) src(%dma_wait3A_168 : memref<80x125xi32, #tpu.memory_space<hbm>>) dst(%arg5 : memref<80x125xi32, #tpu.memory_space<vmem>>)
      tpu.yield
    }) : () -> ()
    %run_scoped3A_22 = arith.constant 1 : i32
    "tpu.region"() ({
      %run_scoped3A_152 = tpu.sem_alloc : memref<!tpu.dma_semaphore, #tpu.memory_space<semaphore_mem>>
      %dma_start3A_153 = arith.constant 0 : i32
      %dma_start3A_154 = arith.constant 0 : i32
      %dma_start3A_155 = tpu.memref_slice %arg3[%run_scoped3A_22, %add3A, %dma_start3A_153, %dma_start3A_154] : memref<2x32x80x125xi32, #tpu.memory_space<hbm>> -> memref<1x1x80x125xi32, #tpu.memory_space<hbm>>
      %dma_start3A_156 = tpu.memref_squeeze %dma_start3A_155 : memref<1x1x80x125xi32, #tpu.memory_space<hbm>> -> memref<80x125xi32, #tpu.memory_space<hbm>>
      %dma_start3A_157 = arith.constant 0 : i32
      %dma_start3A_158 = arith.constant 0 : i32
      %dma_start3A_159 = tpu.memref_slice %arg3[%run_scoped3A_22, %add3A, %dma_start3A_157, %dma_start3A_158] : memref<2x32x80x125xi32, #tpu.memory_space<hbm>> -> memref<1x1x80x125xi32, #tpu.memory_space<hbm>>
      %dma_start3A_160 = tpu.memref_squeeze %dma_start3A_159 : memref<1x1x80x125xi32, #tpu.memory_space<hbm>> -> memref<80x125xi32, #tpu.memory_space<hbm>>
      tpu.enqueue_dma source(%dma_start3A_160 : memref<80x125xi32, #tpu.memory_space<hbm>>) target(%arg6 : memref<80x125xi32, #tpu.memory_space<vmem>>) target_semaphore(%run_scoped3A_152 : memref<!tpu.dma_semaphore, #tpu.memory_space<semaphore_mem>>)
      %dma_wait3A_161 = arith.constant 0 : i32
      %dma_wait3A_162 = arith.constant 0 : i32
      %dma_wait3A_163 = tpu.memref_slice %arg3[%run_scoped3A_22, %add3A, %dma_wait3A_161, %dma_wait3A_162] : memref<2x32x80x125xi32, #tpu.memory_space<hbm>> -> memref<1x1x80x125xi32, #tpu.memory_space<hbm>>
      %dma_wait3A_164 = tpu.memref_squeeze %dma_wait3A_163 : memref<1x1x80x125xi32, #tpu.memory_space<hbm>> -> memref<80x125xi32, #tpu.memory_space<hbm>>
      %dma_wait3A_165 = arith.constant 0 : i32
      %dma_wait3A_166 = arith.constant 0 : i32
      %dma_wait3A_167 = tpu.memref_slice %arg3[%run_scoped3A_22, %add3A, %dma_wait3A_165, %dma_wait3A_166] : memref<2x32x80x125xi32, #tpu.memory_space<hbm>> -> memref<1x1x80x125xi32, #tpu.memory_space<hbm>>
      %dma_wait3A_168 = tpu.memref_squeeze %dma_wait3A_167 : memref<1x1x80x125xi32, #tpu.memory_space<hbm>> -> memref<80x125xi32, #tpu.memory_space<hbm>>
      tpu.wait_dma2 semaphore(%run_scoped3A_152 : memref<!tpu.dma_semaphore, #tpu.memory_space<semaphore_mem>>) src(%dma_wait3A_168 : memref<80x125xi32, #tpu.memory_space<hbm>>) dst(%arg6 : memref<80x125xi32, #tpu.memory_space<vmem>>)
      tpu.yield
    }) : () -> ()
    %barrier3A = arith.constant 0 : index
    tpu.barrier barrier_id(%barrier3A)
    %dma_start3A = arith.constant 0 : i32
    %dma_start3A_23 = arith.constant 0 : i32
    %dma_start3A_24 = arith.constant 0 : i32
    %dma_start3A_25 = arith.constant 0 : i32
    %dma_start3A_26 = tpu.memref_slice %arg7[%dma_start3A_23, %dma_start3A_24, %dma_start3A_25] : memref<5x125x64xf32, #tpu.memory_space<vmem>> -> memref<1x125x64xf32, #tpu.memory_space<vmem>>
    %dma_start3A_27 = tpu.memref_squeeze %dma_start3A_26 : memref<1x125x64xf32, #tpu.memory_space<vmem>> -> memref<125x64xf32, #tpu.memory_space<vmem>>
    %dma_start3A_28 = arith.constant 0 : i32
    %dma_start3A_29 = tpu.memref_slice %arg5[%dma_start3A, %dma_start3A_28] : memref<80x125xi32, #tpu.memory_space<vmem>> -> memref<1x125xi32, #tpu.memory_space<vmem>>
    %dma_start3A_30 = tpu.memref_squeeze %dma_start3A_29 : memref<1x125xi32, #tpu.memory_space<vmem>> -> memref<125xi32, #tpu.memory_space<vmem>>
    %dma_start3A_31 = arith.constant 0 : i32
    %dma_start3A_32 = arith.constant 0 : i32
    %dma_start3A_33 = tpu.memref_slice %arg2[%dma_start3A_31, %dma_start3A_32] : memref<10000x64xf32, #tpu.memory_space<hbm>> -> memref<10000x64xf32, #tpu.memory_space<hbm>>
    tpu.enqueue_indirect_dma source(%dma_start3A_33 : memref<10000x64xf32, #tpu.memory_space<hbm>>) target(%dma_start3A_27 : memref<125x64xf32, #tpu.memory_space<vmem>>) offsets(%dma_start3A_30 : memref<125xi32, #tpu.memory_space<vmem>>) semaphore(%arg10 : memref<!tpu.dma_semaphore, #tpu.memory_space<semaphore_mem>>)
    %dma_start3A_34 = arith.constant 1 : i32
    %dma_start3A_35 = arith.constant 1 : i32
    %dma_start3A_36 = arith.constant 0 : i32
    %dma_start3A_37 = arith.constant 0 : i32
    %dma_start3A_38 = tpu.memref_slice %arg7[%dma_start3A_35, %dma_start3A_36, %dma_start3A_37] : memref<5x125x64xf32, #tpu.memory_space<vmem>> -> memref<1x125x64xf32, #tpu.memory_space<vmem>>
    %dma_start3A_39 = tpu.memref_squeeze %dma_start3A_38 : memref<1x125x64xf32, #tpu.memory_space<vmem>> -> memref<125x64xf32, #tpu.memory_space<vmem>>
    %dma_start3A_40 = arith.constant 0 : i32
    %dma_start3A_41 = tpu.memref_slice %arg5[%dma_start3A_34, %dma_start3A_40] : memref<80x125xi32, #tpu.memory_space<vmem>> -> memref<1x125xi32, #tpu.memory_space<vmem>>
    %dma_start3A_42 = tpu.memref_squeeze %dma_start3A_41 : memref<1x125xi32, #tpu.memory_space<vmem>> -> memref<125xi32, #tpu.memory_space<vmem>>
    %dma_start3A_43 = arith.constant 0 : i32
    %dma_start3A_44 = arith.constant 0 : i32
    %dma_start3A_45 = tpu.memref_slice %arg2[%dma_start3A_43, %dma_start3A_44] : memref<10000x64xf32, #tpu.memory_space<hbm>> -> memref<10000x64xf32, #tpu.memory_space<hbm>>
    tpu.enqueue_indirect_dma source(%dma_start3A_45 : memref<10000x64xf32, #tpu.memory_space<hbm>>) target(%dma_start3A_39 : memref<125x64xf32, #tpu.memory_space<vmem>>) offsets(%dma_start3A_42 : memref<125xi32, #tpu.memory_space<vmem>>) semaphore(%arg11 : memref<!tpu.dma_semaphore, #tpu.memory_space<semaphore_mem>>)
    %dma_start3A_46 = arith.constant 2 : i32
    %dma_start3A_47 = arith.constant 2 : i32
    %dma_start3A_48 = arith.constant 0 : i32
    %dma_start3A_49 = arith.constant 0 : i32
    %dma_start3A_50 = tpu.memref_slice %arg7[%dma_start3A_47, %dma_start3A_48, %dma_start3A_49] : memref<5x125x64xf32, #tpu.memory_space<vmem>> -> memref<1x125x64xf32, #tpu.memory_space<vmem>>
    %dma_start3A_51 = tpu.memref_squeeze %dma_start3A_50 : memref<1x125x64xf32, #tpu.memory_space<vmem>> -> memref<125x64xf32, #tpu.memory_space<vmem>>
    %dma_start3A_52 = arith.constant 0 : i32
    %dma_start3A_53 = tpu.memref_slice %arg5[%dma_start3A_46, %dma_start3A_52] : memref<80x125xi32, #tpu.memory_space<vmem>> -> memref<1x125xi32, #tpu.memory_space<vmem>>
    %dma_start3A_54 = tpu.memref_squeeze %dma_start3A_53 : memref<1x125xi32, #tpu.memory_space<vmem>> -> memref<125xi32, #tpu.memory_space<vmem>>
    %dma_start3A_55 = arith.constant 0 : i32
    %dma_start3A_56 = arith.constant 0 : i32
    %dma_start3A_57 = tpu.memref_slice %arg2[%dma_start3A_55, %dma_start3A_56] : memref<10000x64xf32, #tpu.memory_space<hbm>> -> memref<10000x64xf32, #tpu.memory_space<hbm>>
    tpu.enqueue_indirect_dma source(%dma_start3A_57 : memref<10000x64xf32, #tpu.memory_space<hbm>>) target(%dma_start3A_51 : memref<125x64xf32, #tpu.memory_space<vmem>>) offsets(%dma_start3A_54 : memref<125xi32, #tpu.memory_space<vmem>>) semaphore(%arg12 : memref<!tpu.dma_semaphore, #tpu.memory_space<semaphore_mem>>)
    %dma_start3A_58 = arith.constant 3 : i32
    %dma_start3A_59 = arith.constant 3 : i32
    %dma_start3A_60 = arith.constant 0 : i32
    %dma_start3A_61 = arith.constant 0 : i32
    %dma_start3A_62 = tpu.memref_slice %arg7[%dma_start3A_59, %dma_start3A_60, %dma_start3A_61] : memref<5x125x64xf32, #tpu.memory_space<vmem>> -> memref<1x125x64xf32, #tpu.memory_space<vmem>>
    %dma_start3A_63 = tpu.memref_squeeze %dma_start3A_62 : memref<1x125x64xf32, #tpu.memory_space<vmem>> -> memref<125x64xf32, #tpu.memory_space<vmem>>
    %dma_start3A_64 = arith.constant 0 : i32
    %dma_start3A_65 = tpu.memref_slice %arg5[%dma_start3A_58, %dma_start3A_64] : memref<80x125xi32, #tpu.memory_space<vmem>> -> memref<1x125xi32, #tpu.memory_space<vmem>>
    %dma_start3A_66 = tpu.memref_squeeze %dma_start3A_65 : memref<1x125xi32, #tpu.memory_space<vmem>> -> memref<125xi32, #tpu.memory_space<vmem>>
    %dma_start3A_67 = arith.constant 0 : i32
    %dma_start3A_68 = arith.constant 0 : i32
    %dma_start3A_69 = tpu.memref_slice %arg2[%dma_start3A_67, %dma_start3A_68] : memref<10000x64xf32, #tpu.memory_space<hbm>> -> memref<10000x64xf32, #tpu.memory_space<hbm>>
    tpu.enqueue_indirect_dma source(%dma_start3A_69 : memref<10000x64xf32, #tpu.memory_space<hbm>>) target(%dma_start3A_63 : memref<125x64xf32, #tpu.memory_space<vmem>>) offsets(%dma_start3A_66 : memref<125xi32, #tpu.memory_space<vmem>>) semaphore(%arg13 : memref<!tpu.dma_semaphore, #tpu.memory_space<semaphore_mem>>)
    %dma_start3A_70 = arith.constant 4 : i32
    %dma_start3A_71 = arith.constant 4 : i32
    %dma_start3A_72 = arith.constant 0 : i32
    %dma_start3A_73 = arith.constant 0 : i32
    %dma_start3A_74 = tpu.memref_slice %arg7[%dma_start3A_71, %dma_start3A_72, %dma_start3A_73] : memref<5x125x64xf32, #tpu.memory_space<vmem>> -> memref<1x125x64xf32, #tpu.memory_space<vmem>>
    %dma_start3A_75 = tpu.memref_squeeze %dma_start3A_74 : memref<1x125x64xf32, #tpu.memory_space<vmem>> -> memref<125x64xf32, #tpu.memory_space<vmem>>
    %dma_start3A_76 = arith.constant 0 : i32
    %dma_start3A_77 = tpu.memref_slice %arg5[%dma_start3A_70, %dma_start3A_76] : memref<80x125xi32, #tpu.memory_space<vmem>> -> memref<1x125xi32, #tpu.memory_space<vmem>>
    %dma_start3A_78 = tpu.memref_squeeze %dma_start3A_77 : memref<1x125xi32, #tpu.memory_space<vmem>> -> memref<125xi32, #tpu.memory_space<vmem>>
    %dma_start3A_79 = arith.constant 0 : i32
    %dma_start3A_80 = arith.constant 0 : i32
    %dma_start3A_81 = tpu.memref_slice %arg2[%dma_start3A_79, %dma_start3A_80] : memref<10000x64xf32, #tpu.memory_space<hbm>> -> memref<10000x64xf32, #tpu.memory_space<hbm>>
    tpu.enqueue_indirect_dma source(%dma_start3A_81 : memref<10000x64xf32, #tpu.memory_space<hbm>>) target(%dma_start3A_75 : memref<125x64xf32, #tpu.memory_space<vmem>>) offsets(%dma_start3A_78 : memref<125xi32, #tpu.memory_space<vmem>>) semaphore(%arg14 : memref<!tpu.dma_semaphore, #tpu.memory_space<semaphore_mem>>)
    %scan3A_82 = arith.constant 0 : i32
    %scan3A_83 = arith.constant 0 : i32
    %scan3A_84 = arith.constant 16 : i32
    %scan3A_85 = arith.addi %scan3A_83, %scan3A_84 : i32
    %scan3A_86 = arith.constant 1 : i32
    scf.for %scan3A_152 = %scan3A_83 to %scan3A_85 step %scan3A_86  : i32 {
      %mul3A_153 = arith.constant 5 : i32
      %mul3A_154 = arith.muli %scan3A_152, %mul3A_153 : i32
      %add3A_155 = arith.constant 0 : i32
      %add3A_156 = arith.addi %mul3A_154, %add3A_155 : i32
      %dma_wait3A_157 = arith.constant 0 : i32
      %dma_wait3A_158 = arith.constant 0 : i32
      %dma_wait3A_159 = arith.constant 0 : i32
      %dma_wait3A_160 = tpu.memref_slice %arg7[%dma_wait3A_157, %dma_wait3A_158, %dma_wait3A_159] : memref<5x125x64xf32, #tpu.memory_space<vmem>> -> memref<1x125x64xf32, #tpu.memory_space<vmem>>
      %dma_wait3A_161 = tpu.memref_squeeze %dma_wait3A_160 : memref<1x125x64xf32, #tpu.memory_space<vmem>> -> memref<125x64xf32, #tpu.memory_space<vmem>>
      %dma_wait3A_162 = arith.constant 0 : i32
      %dma_wait3A_163 = tpu.memref_slice %arg5[%add3A_156, %dma_wait3A_162] : memref<80x125xi32, #tpu.memory_space<vmem>> -> memref<1x125xi32, #tpu.memory_space<vmem>>
      %dma_wait3A_164 = tpu.memref_squeeze %dma_wait3A_163 : memref<1x125xi32, #tpu.memory_space<vmem>> -> memref<125xi32, #tpu.memory_space<vmem>>
      %dma_wait3A_165 = arith.constant 0 : i32
      %dma_wait3A_166 = arith.constant 0 : i32
      %dma_wait3A_167 = tpu.memref_slice %arg2[%dma_wait3A_165, %dma_wait3A_166] : memref<10000x64xf32, #tpu.memory_space<hbm>> -> memref<10000x64xf32, #tpu.memory_space<hbm>>
      tpu.wait_indirect_dma semaphore(%arg10 : memref<!tpu.dma_semaphore, #tpu.memory_space<semaphore_mem>>) src(%dma_wait3A_167 : memref<10000x64xf32, #tpu.memory_space<hbm>>) dst(%dma_wait3A_161 : memref<125x64xf32, #tpu.memory_space<vmem>>)
      %dma_start3A_168 = arith.constant 0 : i32
      %dma_start3A_169 = arith.constant 0 : i32
      %dma_start3A_170 = arith.constant 0 : i32
      %dma_start3A_171 = tpu.memref_slice %arg7[%dma_start3A_168, %dma_start3A_169, %dma_start3A_170] : memref<5x125x64xf32, #tpu.memory_space<vmem>> -> memref<1x125x64xf32, #tpu.memory_space<vmem>>
      %dma_start3A_172 = tpu.memref_squeeze %dma_start3A_171 : memref<1x125x64xf32, #tpu.memory_space<vmem>> -> memref<125x64xf32, #tpu.memory_space<vmem>>
      %dma_start3A_173 = arith.constant 0 : i32
      %dma_start3A_174 = tpu.memref_slice %arg6[%add3A_156, %dma_start3A_173] : memref<80x125xi32, #tpu.memory_space<vmem>> -> memref<1x125xi32, #tpu.memory_space<vmem>>
      %dma_start3A_175 = tpu.memref_squeeze %dma_start3A_174 : memref<1x125xi32, #tpu.memory_space<vmem>> -> memref<125xi32, #tpu.memory_space<vmem>>
      %dma_start3A_176 = arith.constant 0 : i32
      %dma_start3A_177 = arith.constant 0 : i32
      %dma_start3A_178 = tpu.memref_slice %arg9[%dma_start3A_176, %dma_start3A_177] : memref<10240x64xf32, #tpu.memory_space<vmem_shared>> -> memref<10240x64xf32, #tpu.memory_space<vmem_shared>>
      tpu.enqueue_indirect_dma source(%dma_start3A_172 : memref<125x64xf32, #tpu.memory_space<vmem>>) target(%dma_start3A_178 : memref<10240x64xf32, #tpu.memory_space<vmem_shared>>) offsets(%dma_start3A_175 : memref<125xi32, #tpu.memory_space<vmem>>) semaphore(%arg15 : memref<!tpu.dma_semaphore, #tpu.memory_space<semaphore_mem>>) {add = true}
      %mul3A_179 = arith.constant 5 : i32
      %mul3A_180 = arith.muli %scan3A_152, %mul3A_179 : i32
      %add3A_181 = arith.constant 1 : i32
      %add3A_182 = arith.addi %mul3A_180, %add3A_181 : i32
      %dma_wait3A_183 = arith.constant 1 : i32
      %dma_wait3A_184 = arith.constant 0 : i32
      %dma_wait3A_185 = arith.constant 0 : i32
      %dma_wait3A_186 = tpu.memref_slice %arg7[%dma_wait3A_183, %dma_wait3A_184, %dma_wait3A_185] : memref<5x125x64xf32, #tpu.memory_space<vmem>> -> memref<1x125x64xf32, #tpu.memory_space<vmem>>
      %dma_wait3A_187 = tpu.memref_squeeze %dma_wait3A_186 : memref<1x125x64xf32, #tpu.memory_space<vmem>> -> memref<125x64xf32, #tpu.memory_space<vmem>>
      %dma_wait3A_188 = arith.constant 0 : i32
      %dma_wait3A_189 = tpu.memref_slice %arg5[%add3A_182, %dma_wait3A_188] : memref<80x125xi32, #tpu.memory_space<vmem>> -> memref<1x125xi32, #tpu.memory_space<vmem>>
      %dma_wait3A_190 = tpu.memref_squeeze %dma_wait3A_189 : memref<1x125xi32, #tpu.memory_space<vmem>> -> memref<125xi32, #tpu.memory_space<vmem>>
      %dma_wait3A_191 = arith.constant 0 : i32
      %dma_wait3A_192 = arith.constant 0 : i32
      %dma_wait3A_193 = tpu.memref_slice %arg2[%dma_wait3A_191, %dma_wait3A_192] : memref<10000x64xf32, #tpu.memory_space<hbm>> -> memref<10000x64xf32, #tpu.memory_space<hbm>>
      tpu.wait_indirect_dma semaphore(%arg11 : memref<!tpu.dma_semaphore, #tpu.memory_space<semaphore_mem>>) src(%dma_wait3A_193 : memref<10000x64xf32, #tpu.memory_space<hbm>>) dst(%dma_wait3A_187 : memref<125x64xf32, #tpu.memory_space<vmem>>)
      %dma_start3A_194 = arith.constant 1 : i32
      %dma_start3A_195 = arith.constant 0 : i32
      %dma_start3A_196 = arith.constant 0 : i32
      %dma_start3A_197 = tpu.memref_slice %arg7[%dma_start3A_194, %dma_start3A_195, %dma_start3A_196] : memref<5x125x64xf32, #tpu.memory_space<vmem>> -> memref<1x125x64xf32, #tpu.memory_space<vmem>>
      %dma_start3A_198 = tpu.memref_squeeze %dma_start3A_197 : memref<1x125x64xf32, #tpu.memory_space<vmem>> -> memref<125x64xf32, #tpu.memory_space<vmem>>
      %dma_start3A_199 = arith.constant 0 : i32
      %dma_start3A_200 = tpu.memref_slice %arg6[%add3A_182, %dma_start3A_199] : memref<80x125xi32, #tpu.memory_space<vmem>> -> memref<1x125xi32, #tpu.memory_space<vmem>>
      %dma_start3A_201 = tpu.memref_squeeze %dma_start3A_200 : memref<1x125xi32, #tpu.memory_space<vmem>> -> memref<125xi32, #tpu.memory_space<vmem>>
      %dma_start3A_202 = arith.constant 0 : i32
      %dma_start3A_203 = arith.constant 0 : i32
      %dma_start3A_204 = tpu.memref_slice %arg9[%dma_start3A_202, %dma_start3A_203] : memref<10240x64xf32, #tpu.memory_space<vmem_shared>> -> memref<10240x64xf32, #tpu.memory_space<vmem_shared>>
      tpu.enqueue_indirect_dma source(%dma_start3A_198 : memref<125x64xf32, #tpu.memory_space<vmem>>) target(%dma_start3A_204 : memref<10240x64xf32, #tpu.memory_space<vmem_shared>>) offsets(%dma_start3A_201 : memref<125xi32, #tpu.memory_space<vmem>>) semaphore(%arg16 : memref<!tpu.dma_semaphore, #tpu.memory_space<semaphore_mem>>) {add = true}
      %mul3A_205 = arith.constant 5 : i32
      %mul3A_206 = arith.muli %scan3A_152, %mul3A_205 : i32
      %add3A_207 = arith.constant 2 : i32
      %add3A_208 = arith.addi %mul3A_206, %add3A_207 : i32
      %dma_wait3A_209 = arith.constant 2 : i32
      %dma_wait3A_210 = arith.constant 0 : i32
      %dma_wait3A_211 = arith.constant 0 : i32
      %dma_wait3A_212 = tpu.memref_slice %arg7[%dma_wait3A_209, %dma_wait3A_210, %dma_wait3A_211] : memref<5x125x64xf32, #tpu.memory_space<vmem>> -> memref<1x125x64xf32, #tpu.memory_space<vmem>>
      %dma_wait3A_213 = tpu.memref_squeeze %dma_wait3A_212 : memref<1x125x64xf32, #tpu.memory_space<vmem>> -> memref<125x64xf32, #tpu.memory_space<vmem>>
      %dma_wait3A_214 = arith.constant 0 : i32
      %dma_wait3A_215 = tpu.memref_slice %arg5[%add3A_208, %dma_wait3A_214] : memref<80x125xi32, #tpu.memory_space<vmem>> -> memref<1x125xi32, #tpu.memory_space<vmem>>
      %dma_wait3A_216 = tpu.memref_squeeze %dma_wait3A_215 : memref<1x125xi32, #tpu.memory_space<vmem>> -> memref<125xi32, #tpu.memory_space<vmem>>
      %dma_wait3A_217 = arith.constant 0 : i32
      %dma_wait3A_218 = arith.constant 0 : i32
      %dma_wait3A_219 = tpu.memref_slice %arg2[%dma_wait3A_217, %dma_wait3A_218] : memref<10000x64xf32, #tpu.memory_space<hbm>> -> memref<10000x64xf32, #tpu.memory_space<hbm>>
      tpu.wait_indirect_dma semaphore(%arg12 : memref<!tpu.dma_semaphore, #tpu.memory_space<semaphore_mem>>) src(%dma_wait3A_219 : memref<10000x64xf32, #tpu.memory_space<hbm>>) dst(%dma_wait3A_213 : memref<125x64xf32, #tpu.memory_space<vmem>>)
      %dma_start3A_220 = arith.constant 2 : i32
      %dma_start3A_221 = arith.constant 0 : i32
      %dma_start3A_222 = arith.constant 0 : i32
      %dma_start3A_223 = tpu.memref_slice %arg7[%dma_start3A_220, %dma_start3A_221, %dma_start3A_222] : memref<5x125x64xf32, #tpu.memory_space<vmem>> -> memref<1x125x64xf32, #tpu.memory_space<vmem>>
      %dma_start3A_224 = tpu.memref_squeeze %dma_start3A_223 : memref<1x125x64xf32, #tpu.memory_space<vmem>> -> memref<125x64xf32, #tpu.memory_space<vmem>>
      %dma_start3A_225 = arith.constant 0 : i32
      %dma_start3A_226 = tpu.memref_slice %arg6[%add3A_208, %dma_start3A_225] : memref<80x125xi32, #tpu.memory_space<vmem>> -> memref<1x125xi32, #tpu.memory_space<vmem>>
      %dma_start3A_227 = tpu.memref_squeeze %dma_start3A_226 : memref<1x125xi32, #tpu.memory_space<vmem>> -> memref<125xi32, #tpu.memory_space<vmem>>
      %dma_start3A_228 = arith.constant 0 : i32
      %dma_start3A_229 = arith.constant 0 : i32
      %dma_start3A_230 = tpu.memref_slice %arg9[%dma_start3A_228, %dma_start3A_229] : memref<10240x64xf32, #tpu.memory_space<vmem_shared>> -> memref<10240x64xf32, #tpu.memory_space<vmem_shared>>
      tpu.enqueue_indirect_dma source(%dma_start3A_224 : memref<125x64xf32, #tpu.memory_space<vmem>>) target(%dma_start3A_230 : memref<10240x64xf32, #tpu.memory_space<vmem_shared>>) offsets(%dma_start3A_227 : memref<125xi32, #tpu.memory_space<vmem>>) semaphore(%arg17 : memref<!tpu.dma_semaphore, #tpu.memory_space<semaphore_mem>>) {add = true}
      %mul3A_231 = arith.constant 5 : i32
      %mul3A_232 = arith.muli %scan3A_152, %mul3A_231 : i32
      %add3A_233 = arith.constant 3 : i32
      %add3A_234 = arith.addi %mul3A_232, %add3A_233 : i32
      %dma_wait3A_235 = arith.constant 3 : i32
      %dma_wait3A_236 = arith.constant 0 : i32
      %dma_wait3A_237 = arith.constant 0 : i32
      %dma_wait3A_238 = tpu.memref_slice %arg7[%dma_wait3A_235, %dma_wait3A_236, %dma_wait3A_237] : memref<5x125x64xf32, #tpu.memory_space<vmem>> -> memref<1x125x64xf32, #tpu.memory_space<vmem>>
      %dma_wait3A_239 = tpu.memref_squeeze %dma_wait3A_238 : memref<1x125x64xf32, #tpu.memory_space<vmem>> -> memref<125x64xf32, #tpu.memory_space<vmem>>
      %dma_wait3A_240 = arith.constant 0 : i32
      %dma_wait3A_241 = tpu.memref_slice %arg5[%add3A_234, %dma_wait3A_240] : memref<80x125xi32, #tpu.memory_space<vmem>> -> memref<1x125xi32, #tpu.memory_space<vmem>>
      %dma_wait3A_242 = tpu.memref_squeeze %dma_wait3A_241 : memref<1x125xi32, #tpu.memory_space<vmem>> -> memref<125xi32, #tpu.memory_space<vmem>>
      %dma_wait3A_243 = arith.constant 0 : i32
      %dma_wait3A_244 = arith.constant 0 : i32
      %dma_wait3A_245 = tpu.memref_slice %arg2[%dma_wait3A_243, %dma_wait3A_244] : memref<10000x64xf32, #tpu.memory_space<hbm>> -> memref<10000x64xf32, #tpu.memory_space<hbm>>
      tpu.wait_indirect_dma semaphore(%arg13 : memref<!tpu.dma_semaphore, #tpu.memory_space<semaphore_mem>>) src(%dma_wait3A_245 : memref<10000x64xf32, #tpu.memory_space<hbm>>) dst(%dma_wait3A_239 : memref<125x64xf32, #tpu.memory_space<vmem>>)
      %dma_start3A_246 = arith.constant 3 : i32
      %dma_start3A_247 = arith.constant 0 : i32
      %dma_start3A_248 = arith.constant 0 : i32
      %dma_start3A_249 = tpu.memref_slice %arg7[%dma_start3A_246, %dma_start3A_247, %dma_start3A_248] : memref<5x125x64xf32, #tpu.memory_space<vmem>> -> memref<1x125x64xf32, #tpu.memory_space<vmem>>
      %dma_start3A_250 = tpu.memref_squeeze %dma_start3A_249 : memref<1x125x64xf32, #tpu.memory_space<vmem>> -> memref<125x64xf32, #tpu.memory_space<vmem>>
      %dma_start3A_251 = arith.constant 0 : i32
      %dma_start3A_252 = tpu.memref_slice %arg6[%add3A_234, %dma_start3A_251] : memref<80x125xi32, #tpu.memory_space<vmem>> -> memref<1x125xi32, #tpu.memory_space<vmem>>
      %dma_start3A_253 = tpu.memref_squeeze %dma_start3A_252 : memref<1x125xi32, #tpu.memory_space<vmem>> -> memref<125xi32, #tpu.memory_space<vmem>>
      %dma_start3A_254 = arith.constant 0 : i32
      %dma_start3A_255 = arith.constant 0 : i32
      %dma_start3A_256 = tpu.memref_slice %arg9[%dma_start3A_254, %dma_start3A_255] : memref<10240x64xf32, #tpu.memory_space<vmem_shared>> -> memref<10240x64xf32, #tpu.memory_space<vmem_shared>>
      tpu.enqueue_indirect_dma source(%dma_start3A_250 : memref<125x64xf32, #tpu.memory_space<vmem>>) target(%dma_start3A_256 : memref<10240x64xf32, #tpu.memory_space<vmem_shared>>) offsets(%dma_start3A_253 : memref<125xi32, #tpu.memory_space<vmem>>) semaphore(%arg18 : memref<!tpu.dma_semaphore, #tpu.memory_space<semaphore_mem>>) {add = true}
      %mul3A_257 = arith.constant 5 : i32
      %mul3A_258 = arith.muli %scan3A_152, %mul3A_257 : i32
      %add3A_259 = arith.constant 4 : i32
      %add3A_260 = arith.addi %mul3A_258, %add3A_259 : i32
      %dma_wait3A_261 = arith.constant 4 : i32
      %dma_wait3A_262 = arith.constant 0 : i32
      %dma_wait3A_263 = arith.constant 0 : i32
      %dma_wait3A_264 = tpu.memref_slice %arg7[%dma_wait3A_261, %dma_wait3A_262, %dma_wait3A_263] : memref<5x125x64xf32, #tpu.memory_space<vmem>> -> memref<1x125x64xf32, #tpu.memory_space<vmem>>
      %dma_wait3A_265 = tpu.memref_squeeze %dma_wait3A_264 : memref<1x125x64xf32, #tpu.memory_space<vmem>> -> memref<125x64xf32, #tpu.memory_space<vmem>>
      %dma_wait3A_266 = arith.constant 0 : i32
      %dma_wait3A_267 = tpu.memref_slice %arg5[%add3A_260, %dma_wait3A_266] : memref<80x125xi32, #tpu.memory_space<vmem>> -> memref<1x125xi32, #tpu.memory_space<vmem>>
      %dma_wait3A_268 = tpu.memref_squeeze %dma_wait3A_267 : memref<1x125xi32, #tpu.memory_space<vmem>> -> memref<125xi32, #tpu.memory_space<vmem>>
      %dma_wait3A_269 = arith.constant 0 : i32
      %dma_wait3A_270 = arith.constant 0 : i32
      %dma_wait3A_271 = tpu.memref_slice %arg2[%dma_wait3A_269, %dma_wait3A_270] : memref<10000x64xf32, #tpu.memory_space<hbm>> -> memref<10000x64xf32, #tpu.memory_space<hbm>>
      tpu.wait_indirect_dma semaphore(%arg14 : memref<!tpu.dma_semaphore, #tpu.memory_space<semaphore_mem>>) src(%dma_wait3A_271 : memref<10000x64xf32, #tpu.memory_space<hbm>>) dst(%dma_wait3A_265 : memref<125x64xf32, #tpu.memory_space<vmem>>)
      %dma_start3A_272 = arith.constant 4 : i32
      %dma_start3A_273 = arith.constant 0 : i32
      %dma_start3A_274 = arith.constant 0 : i32
      %dma_start3A_275 = tpu.memref_slice %arg7[%dma_start3A_272, %dma_start3A_273, %dma_start3A_274] : memref<5x125x64xf32, #tpu.memory_space<vmem>> -> memref<1x125x64xf32, #tpu.memory_space<vmem>>
      %dma_start3A_276 = tpu.memref_squeeze %dma_start3A_275 : memref<1x125x64xf32, #tpu.memory_space<vmem>> -> memref<125x64xf32, #tpu.memory_space<vmem>>
      %dma_start3A_277 = arith.constant 0 : i32
      %dma_start3A_278 = tpu.memref_slice %arg6[%add3A_260, %dma_start3A_277] : memref<80x125xi32, #tpu.memory_space<vmem>> -> memref<1x125xi32, #tpu.memory_space<vmem>>
      %dma_start3A_279 = tpu.memref_squeeze %dma_start3A_278 : memref<1x125xi32, #tpu.memory_space<vmem>> -> memref<125xi32, #tpu.memory_space<vmem>>
      %dma_start3A_280 = arith.constant 0 : i32
      %dma_start3A_281 = arith.constant 0 : i32
      %dma_start3A_282 = tpu.memref_slice %arg9[%dma_start3A_280, %dma_start3A_281] : memref<10240x64xf32, #tpu.memory_space<vmem_shared>> -> memref<10240x64xf32, #tpu.memory_space<vmem_shared>>
      tpu.enqueue_indirect_dma source(%dma_start3A_276 : memref<125x64xf32, #tpu.memory_space<vmem>>) target(%dma_start3A_282 : memref<10240x64xf32, #tpu.memory_space<vmem_shared>>) offsets(%dma_start3A_279 : memref<125xi32, #tpu.memory_space<vmem>>) semaphore(%arg19 : memref<!tpu.dma_semaphore, #tpu.memory_space<semaphore_mem>>) {add = true}
      %lt3A = arith.constant 15 : i32
      %lt3A_283 = arith.cmpi slt, %scan3A_152, %lt3A : i32
      %convert_element_type3A = arith.extui %lt3A_283 : i1 to i32
      %cond3A = arith.constant 0 : i32
      %cond3A_284 = arith.constant 1 : i32
      %cond3A_285 = arith.constant 2 : i32
      %cond3A_286 = arith.constant 3 : i32
      %cond3A_287 = arith.constant 4 : i32
      %cond3A_288 = arith.constant 0 : i32
      %cond3A_289 = arith.cmpi ne, %convert_element_type3A, %cond3A_288 : i32
      scf.if %cond3A_289 {
        %dma_wait3A_290 = arith.constant 0 : i32
        %dma_wait3A_291 = arith.constant 0 : i32
        %dma_wait3A_292 = tpu.memref_slice %arg7[%cond3A, %dma_wait3A_290, %dma_wait3A_291] : memref<5x125x64xf32, #tpu.memory_space<vmem>> -> memref<1x125x64xf32, #tpu.memory_space<vmem>>
        %dma_wait3A_293 = tpu.memref_squeeze %dma_wait3A_292 : memref<1x125x64xf32, #tpu.memory_space<vmem>> -> memref<125x64xf32, #tpu.memory_space<vmem>>
        %dma_wait3A_294 = arith.constant 0 : i32
        %dma_wait3A_295 = tpu.memref_slice %arg6[%add3A_156, %dma_wait3A_294] : memref<80x125xi32, #tpu.memory_space<vmem>> -> memref<1x125xi32, #tpu.memory_space<vmem>>
        %dma_wait3A_296 = tpu.memref_squeeze %dma_wait3A_295 : memref<1x125xi32, #tpu.memory_space<vmem>> -> memref<125xi32, #tpu.memory_space<vmem>>
        %dma_wait3A_297 = arith.constant 0 : i32
        %dma_wait3A_298 = arith.constant 0 : i32
        %dma_wait3A_299 = tpu.memref_slice %arg9[%dma_wait3A_297, %dma_wait3A_298] : memref<10240x64xf32, #tpu.memory_space<vmem_shared>> -> memref<10240x64xf32, #tpu.memory_space<vmem_shared>>
        tpu.wait_indirect_dma semaphore(%arg15 : memref<!tpu.dma_semaphore, #tpu.memory_space<semaphore_mem>>) src(%dma_wait3A_293 : memref<125x64xf32, #tpu.memory_space<vmem>>) dst(%dma_wait3A_299 : memref<10240x64xf32, #tpu.memory_space<vmem_shared>>)
        %add3A_300 = arith.constant 1 : i32
        %add3A_301 = arith.addi %scan3A_152, %add3A_300 : i32
        %mul3A_302 = arith.constant 5 : i32
        %mul3A_303 = arith.muli %add3A_301, %mul3A_302 : i32
        %add3A_304 = arith.constant 0 : i32
        %add3A_305 = arith.addi %mul3A_303, %add3A_304 : i32
        %dma_start3A_306 = arith.constant 0 : i32
        %dma_start3A_307 = arith.constant 0 : i32
        %dma_start3A_308 = arith.constant 0 : i32
        %dma_start3A_309 = tpu.memref_slice %arg7[%dma_start3A_306, %dma_start3A_307, %dma_start3A_308] : memref<5x125x64xf32, #tpu.memory_space<vmem>> -> memref<1x125x64xf32, #tpu.memory_space<vmem>>
        %dma_start3A_310 = tpu.memref_squeeze %dma_start3A_309 : memref<1x125x64xf32, #tpu.memory_space<vmem>> -> memref<125x64xf32, #tpu.memory_space<vmem>>
        %dma_start3A_311 = arith.constant 0 : i32
        %dma_start3A_312 = tpu.memref_slice %arg5[%add3A_305, %dma_start3A_311] : memref<80x125xi32, #tpu.memory_space<vmem>> -> memref<1x125xi32, #tpu.memory_space<vmem>>
        %dma_start3A_313 = tpu.memref_squeeze %dma_start3A_312 : memref<1x125xi32, #tpu.memory_space<vmem>> -> memref<125xi32, #tpu.memory_space<vmem>>
        %dma_start3A_314 = arith.constant 0 : i32
        %dma_start3A_315 = arith.constant 0 : i32
        %dma_start3A_316 = tpu.memref_slice %arg2[%dma_start3A_314, %dma_start3A_315] : memref<10000x64xf32, #tpu.memory_space<hbm>> -> memref<10000x64xf32, #tpu.memory_space<hbm>>
        tpu.enqueue_indirect_dma source(%dma_start3A_316 : memref<10000x64xf32, #tpu.memory_space<hbm>>) target(%dma_start3A_310 : memref<125x64xf32, #tpu.memory_space<vmem>>) offsets(%dma_start3A_313 : memref<125xi32, #tpu.memory_space<vmem>>) semaphore(%arg10 : memref<!tpu.dma_semaphore, #tpu.memory_space<semaphore_mem>>)
        %dma_wait3A_317 = arith.constant 0 : i32
        %dma_wait3A_318 = arith.constant 0 : i32
        %dma_wait3A_319 = tpu.memref_slice %arg7[%cond3A_284, %dma_wait3A_317, %dma_wait3A_318] : memref<5x125x64xf32, #tpu.memory_space<vmem>> -> memref<1x125x64xf32, #tpu.memory_space<vmem>>
        %dma_wait3A_320 = tpu.memref_squeeze %dma_wait3A_319 : memref<1x125x64xf32, #tpu.memory_space<vmem>> -> memref<125x64xf32, #tpu.memory_space<vmem>>
        %dma_wait3A_321 = arith.constant 0 : i32
        %dma_wait3A_322 = tpu.memref_slice %arg6[%add3A_182, %dma_wait3A_321] : memref<80x125xi32, #tpu.memory_space<vmem>> -> memref<1x125xi32, #tpu.memory_space<vmem>>
        %dma_wait3A_323 = tpu.memref_squeeze %dma_wait3A_322 : memref<1x125xi32, #tpu.memory_space<vmem>> -> memref<125xi32, #tpu.memory_space<vmem>>
        %dma_wait3A_324 = arith.constant 0 : i32
        %dma_wait3A_325 = arith.constant 0 : i32
        %dma_wait3A_326 = tpu.memref_slice %arg9[%dma_wait3A_324, %dma_wait3A_325] : memref<10240x64xf32, #tpu.memory_space<vmem_shared>> -> memref<10240x64xf32, #tpu.memory_space<vmem_shared>>
        tpu.wait_indirect_dma semaphore(%arg16 : memref<!tpu.dma_semaphore, #tpu.memory_space<semaphore_mem>>) src(%dma_wait3A_320 : memref<125x64xf32, #tpu.memory_space<vmem>>) dst(%dma_wait3A_326 : memref<10240x64xf32, #tpu.memory_space<vmem_shared>>)
        %add3A_327 = arith.constant 1 : i32
        %add3A_328 = arith.addi %scan3A_152, %add3A_327 : i32
        %mul3A_329 = arith.constant 5 : i32
        %mul3A_330 = arith.muli %add3A_328, %mul3A_329 : i32
        %add3A_331 = arith.constant 1 : i32
        %add3A_332 = arith.addi %mul3A_330, %add3A_331 : i32
        %dma_start3A_333 = arith.constant 1 : i32
        %dma_start3A_334 = arith.constant 0 : i32
        %dma_start3A_335 = arith.constant 0 : i32
        %dma_start3A_336 = tpu.memref_slice %arg7[%dma_start3A_333, %dma_start3A_334, %dma_start3A_335] : memref<5x125x64xf32, #tpu.memory_space<vmem>> -> memref<1x125x64xf32, #tpu.memory_space<vmem>>
        %dma_start3A_337 = tpu.memref_squeeze %dma_start3A_336 : memref<1x125x64xf32, #tpu.memory_space<vmem>> -> memref<125x64xf32, #tpu.memory_space<vmem>>
        %dma_start3A_338 = arith.constant 0 : i32
        %dma_start3A_339 = tpu.memref_slice %arg5[%add3A_332, %dma_start3A_338] : memref<80x125xi32, #tpu.memory_space<vmem>> -> memref<1x125xi32, #tpu.memory_space<vmem>>
        %dma_start3A_340 = tpu.memref_squeeze %dma_start3A_339 : memref<1x125xi32, #tpu.memory_space<vmem>> -> memref<125xi32, #tpu.memory_space<vmem>>
        %dma_start3A_341 = arith.constant 0 : i32
        %dma_start3A_342 = arith.constant 0 : i32
        %dma_start3A_343 = tpu.memref_slice %arg2[%dma_start3A_341, %dma_start3A_342] : memref<10000x64xf32, #tpu.memory_space<hbm>> -> memref<10000x64xf32, #tpu.memory_space<hbm>>
        tpu.enqueue_indirect_dma source(%dma_start3A_343 : memref<10000x64xf32, #tpu.memory_space<hbm>>) target(%dma_start3A_337 : memref<125x64xf32, #tpu.memory_space<vmem>>) offsets(%dma_start3A_340 : memref<125xi32, #tpu.memory_space<vmem>>) semaphore(%arg11 : memref<!tpu.dma_semaphore, #tpu.memory_space<semaphore_mem>>)
        %dma_wait3A_344 = arith.constant 0 : i32
        %dma_wait3A_345 = arith.constant 0 : i32
        %dma_wait3A_346 = tpu.memref_slice %arg7[%cond3A_285, %dma_wait3A_344, %dma_wait3A_345] : memref<5x125x64xf32, #tpu.memory_space<vmem>> -> memref<1x125x64xf32, #tpu.memory_space<vmem>>
        %dma_wait3A_347 = tpu.memref_squeeze %dma_wait3A_346 : memref<1x125x64xf32, #tpu.memory_space<vmem>> -> memref<125x64xf32, #tpu.memory_space<vmem>>
        %dma_wait3A_348 = arith.constant 0 : i32
        %dma_wait3A_349 = tpu.memref_slice %arg6[%add3A_208, %dma_wait3A_348] : memref<80x125xi32, #tpu.memory_space<vmem>> -> memref<1x125xi32, #tpu.memory_space<vmem>>
        %dma_wait3A_350 = tpu.memref_squeeze %dma_wait3A_349 : memref<1x125xi32, #tpu.memory_space<vmem>> -> memref<125xi32, #tpu.memory_space<vmem>>
        %dma_wait3A_351 = arith.constant 0 : i32
        %dma_wait3A_352 = arith.constant 0 : i32
        %dma_wait3A_353 = tpu.memref_slice %arg9[%dma_wait3A_351, %dma_wait3A_352] : memref<10240x64xf32, #tpu.memory_space<vmem_shared>> -> memref<10240x64xf32, #tpu.memory_space<vmem_shared>>
        tpu.wait_indirect_dma semaphore(%arg17 : memref<!tpu.dma_semaphore, #tpu.memory_space<semaphore_mem>>) src(%dma_wait3A_347 : memref<125x64xf32, #tpu.memory_space<vmem>>) dst(%dma_wait3A_353 : memref<10240x64xf32, #tpu.memory_space<vmem_shared>>)
        %add3A_354 = arith.constant 1 : i32
        %add3A_355 = arith.addi %scan3A_152, %add3A_354 : i32
        %mul3A_356 = arith.constant 5 : i32
        %mul3A_357 = arith.muli %add3A_355, %mul3A_356 : i32
        %add3A_358 = arith.constant 2 : i32
        %add3A_359 = arith.addi %mul3A_357, %add3A_358 : i32
        %dma_start3A_360 = arith.constant 2 : i32
        %dma_start3A_361 = arith.constant 0 : i32
        %dma_start3A_362 = arith.constant 0 : i32
        %dma_start3A_363 = tpu.memref_slice %arg7[%dma_start3A_360, %dma_start3A_361, %dma_start3A_362] : memref<5x125x64xf32, #tpu.memory_space<vmem>> -> memref<1x125x64xf32, #tpu.memory_space<vmem>>
        %dma_start3A_364 = tpu.memref_squeeze %dma_start3A_363 : memref<1x125x64xf32, #tpu.memory_space<vmem>> -> memref<125x64xf32, #tpu.memory_space<vmem>>
        %dma_start3A_365 = arith.constant 0 : i32
        %dma_start3A_366 = tpu.memref_slice %arg5[%add3A_359, %dma_start3A_365] : memref<80x125xi32, #tpu.memory_space<vmem>> -> memref<1x125xi32, #tpu.memory_space<vmem>>
        %dma_start3A_367 = tpu.memref_squeeze %dma_start3A_366 : memref<1x125xi32, #tpu.memory_space<vmem>> -> memref<125xi32, #tpu.memory_space<vmem>>
        %dma_start3A_368 = arith.constant 0 : i32
        %dma_start3A_369 = arith.constant 0 : i32
        %dma_start3A_370 = tpu.memref_slice %arg2[%dma_start3A_368, %dma_start3A_369] : memref<10000x64xf32, #tpu.memory_space<hbm>> -> memref<10000x64xf32, #tpu.memory_space<hbm>>
        tpu.enqueue_indirect_dma source(%dma_start3A_370 : memref<10000x64xf32, #tpu.memory_space<hbm>>) target(%dma_start3A_364 : memref<125x64xf32, #tpu.memory_space<vmem>>) offsets(%dma_start3A_367 : memref<125xi32, #tpu.memory_space<vmem>>) semaphore(%arg12 : memref<!tpu.dma_semaphore, #tpu.memory_space<semaphore_mem>>)
        %dma_wait3A_371 = arith.constant 0 : i32
        %dma_wait3A_372 = arith.constant 0 : i32
        %dma_wait3A_373 = tpu.memref_slice %arg7[%cond3A_286, %dma_wait3A_371, %dma_wait3A_372] : memref<5x125x64xf32, #tpu.memory_space<vmem>> -> memref<1x125x64xf32, #tpu.memory_space<vmem>>
        %dma_wait3A_374 = tpu.memref_squeeze %dma_wait3A_373 : memref<1x125x64xf32, #tpu.memory_space<vmem>> -> memref<125x64xf32, #tpu.memory_space<vmem>>
        %dma_wait3A_375 = arith.constant 0 : i32
        %dma_wait3A_376 = tpu.memref_slice %arg6[%add3A_234, %dma_wait3A_375] : memref<80x125xi32, #tpu.memory_space<vmem>> -> memref<1x125xi32, #tpu.memory_space<vmem>>
        %dma_wait3A_377 = tpu.memref_squeeze %dma_wait3A_376 : memref<1x125xi32, #tpu.memory_space<vmem>> -> memref<125xi32, #tpu.memory_space<vmem>>
        %dma_wait3A_378 = arith.constant 0 : i32
        %dma_wait3A_379 = arith.constant 0 : i32
        %dma_wait3A_380 = tpu.memref_slice %arg9[%dma_wait3A_378, %dma_wait3A_379] : memref<10240x64xf32, #tpu.memory_space<vmem_shared>> -> memref<10240x64xf32, #tpu.memory_space<vmem_shared>>
        tpu.wait_indirect_dma semaphore(%arg18 : memref<!tpu.dma_semaphore, #tpu.memory_space<semaphore_mem>>) src(%dma_wait3A_374 : memref<125x64xf32, #tpu.memory_space<vmem>>) dst(%dma_wait3A_380 : memref<10240x64xf32, #tpu.memory_space<vmem_shared>>)
        %add3A_381 = arith.constant 1 : i32
        %add3A_382 = arith.addi %scan3A_152, %add3A_381 : i32
        %mul3A_383 = arith.constant 5 : i32
        %mul3A_384 = arith.muli %add3A_382, %mul3A_383 : i32
        %add3A_385 = arith.constant 3 : i32
        %add3A_386 = arith.addi %mul3A_384, %add3A_385 : i32
        %dma_start3A_387 = arith.constant 3 : i32
        %dma_start3A_388 = arith.constant 0 : i32
        %dma_start3A_389 = arith.constant 0 : i32
        %dma_start3A_390 = tpu.memref_slice %arg7[%dma_start3A_387, %dma_start3A_388, %dma_start3A_389] : memref<5x125x64xf32, #tpu.memory_space<vmem>> -> memref<1x125x64xf32, #tpu.memory_space<vmem>>
        %dma_start3A_391 = tpu.memref_squeeze %dma_start3A_390 : memref<1x125x64xf32, #tpu.memory_space<vmem>> -> memref<125x64xf32, #tpu.memory_space<vmem>>
        %dma_start3A_392 = arith.constant 0 : i32
        %dma_start3A_393 = tpu.memref_slice %arg5[%add3A_386, %dma_start3A_392] : memref<80x125xi32, #tpu.memory_space<vmem>> -> memref<1x125xi32, #tpu.memory_space<vmem>>
        %dma_start3A_394 = tpu.memref_squeeze %dma_start3A_393 : memref<1x125xi32, #tpu.memory_space<vmem>> -> memref<125xi32, #tpu.memory_space<vmem>>
        %dma_start3A_395 = arith.constant 0 : i32
        %dma_start3A_396 = arith.constant 0 : i32
        %dma_start3A_397 = tpu.memref_slice %arg2[%dma_start3A_395, %dma_start3A_396] : memref<10000x64xf32, #tpu.memory_space<hbm>> -> memref<10000x64xf32, #tpu.memory_space<hbm>>
        tpu.enqueue_indirect_dma source(%dma_start3A_397 : memref<10000x64xf32, #tpu.memory_space<hbm>>) target(%dma_start3A_391 : memref<125x64xf32, #tpu.memory_space<vmem>>) offsets(%dma_start3A_394 : memref<125xi32, #tpu.memory_space<vmem>>) semaphore(%arg13 : memref<!tpu.dma_semaphore, #tpu.memory_space<semaphore_mem>>)
        %dma_wait3A_398 = arith.constant 0 : i32
        %dma_wait3A_399 = arith.constant 0 : i32
        %dma_wait3A_400 = tpu.memref_slice %arg7[%cond3A_287, %dma_wait3A_398, %dma_wait3A_399] : memref<5x125x64xf32, #tpu.memory_space<vmem>> -> memref<1x125x64xf32, #tpu.memory_space<vmem>>
        %dma_wait3A_401 = tpu.memref_squeeze %dma_wait3A_400 : memref<1x125x64xf32, #tpu.memory_space<vmem>> -> memref<125x64xf32, #tpu.memory_space<vmem>>
        %dma_wait3A_402 = arith.constant 0 : i32
        %dma_wait3A_403 = tpu.memref_slice %arg6[%add3A_260, %dma_wait3A_402] : memref<80x125xi32, #tpu.memory_space<vmem>> -> memref<1x125xi32, #tpu.memory_space<vmem>>
        %dma_wait3A_404 = tpu.memref_squeeze %dma_wait3A_403 : memref<1x125xi32, #tpu.memory_space<vmem>> -> memref<125xi32, #tpu.memory_space<vmem>>
        %dma_wait3A_405 = arith.constant 0 : i32
        %dma_wait3A_406 = arith.constant 0 : i32
        %dma_wait3A_407 = tpu.memref_slice %arg9[%dma_wait3A_405, %dma_wait3A_406] : memref<10240x64xf32, #tpu.memory_space<vmem_shared>> -> memref<10240x64xf32, #tpu.memory_space<vmem_shared>>
        tpu.wait_indirect_dma semaphore(%arg19 : memref<!tpu.dma_semaphore, #tpu.memory_space<semaphore_mem>>) src(%dma_wait3A_401 : memref<125x64xf32, #tpu.memory_space<vmem>>) dst(%dma_wait3A_407 : memref<10240x64xf32, #tpu.memory_space<vmem_shared>>)
        %add3A_408 = arith.constant 1 : i32
        %add3A_409 = arith.addi %scan3A_152, %add3A_408 : i32
        %mul3A_410 = arith.constant 5 : i32
        %mul3A_411 = arith.muli %add3A_409, %mul3A_410 : i32
        %add3A_412 = arith.constant 4 : i32
        %add3A_413 = arith.addi %mul3A_411, %add3A_412 : i32
        %dma_start3A_414 = arith.constant 4 : i32
        %dma_start3A_415 = arith.constant 0 : i32
        %dma_start3A_416 = arith.constant 0 : i32
        %dma_start3A_417 = tpu.memref_slice %arg7[%dma_start3A_414, %dma_start3A_415, %dma_start3A_416] : memref<5x125x64xf32, #tpu.memory_space<vmem>> -> memref<1x125x64xf32, #tpu.memory_space<vmem>>
        %dma_start3A_418 = tpu.memref_squeeze %dma_start3A_417 : memref<1x125x64xf32, #tpu.memory_space<vmem>> -> memref<125x64xf32, #tpu.memory_space<vmem>>
        %dma_start3A_419 = arith.constant 0 : i32
        %dma_start3A_420 = tpu.memref_slice %arg5[%add3A_413, %dma_start3A_419] : memref<80x125xi32, #tpu.memory_space<vmem>> -> memref<1x125xi32, #tpu.memory_space<vmem>>
        %dma_start3A_421 = tpu.memref_squeeze %dma_start3A_420 : memref<1x125xi32, #tpu.memory_space<vmem>> -> memref<125xi32, #tpu.memory_space<vmem>>
        %dma_start3A_422 = arith.constant 0 : i32
        %dma_start3A_423 = arith.constant 0 : i32
        %dma_start3A_424 = tpu.memref_slice %arg2[%dma_start3A_422, %dma_start3A_423] : memref<10000x64xf32, #tpu.memory_space<hbm>> -> memref<10000x64xf32, #tpu.memory_space<hbm>>
        tpu.enqueue_indirect_dma source(%dma_start3A_424 : memref<10000x64xf32, #tpu.memory_space<hbm>>) target(%dma_start3A_418 : memref<125x64xf32, #tpu.memory_space<vmem>>) offsets(%dma_start3A_421 : memref<125xi32, #tpu.memory_space<vmem>>) semaphore(%arg14 : memref<!tpu.dma_semaphore, #tpu.memory_space<semaphore_mem>>)
      } else {
      }
    }
    %scan3A_87 = arith.constant 16 : i32
    %dma_wait3A = arith.constant 0 : i32
    %dma_wait3A_88 = arith.constant 75 : i32
    %dma_wait3A_89 = arith.constant 0 : i32
    %dma_wait3A_90 = arith.constant 0 : i32
    %dma_wait3A_91 = tpu.memref_slice %arg7[%dma_wait3A, %dma_wait3A_89, %dma_wait3A_90] : memref<5x125x64xf32, #tpu.memory_space<vmem>> -> memref<1x125x64xf32, #tpu.memory_space<vmem>>
    %dma_wait3A_92 = tpu.memref_squeeze %dma_wait3A_91 : memref<1x125x64xf32, #tpu.memory_space<vmem>> -> memref<125x64xf32, #tpu.memory_space<vmem>>
    %dma_wait3A_93 = arith.constant 0 : i32
    %dma_wait3A_94 = tpu.memref_slice %arg6[%dma_wait3A_88, %dma_wait3A_93] : memref<80x125xi32, #tpu.memory_space<vmem>> -> memref<1x125xi32, #tpu.memory_space<vmem>>
    %dma_wait3A_95 = tpu.memref_squeeze %dma_wait3A_94 : memref<1x125xi32, #tpu.memory_space<vmem>> -> memref<125xi32, #tpu.memory_space<vmem>>
    %dma_wait3A_96 = arith.constant 0 : i32
    %dma_wait3A_97 = arith.constant 0 : i32
    %dma_wait3A_98 = tpu.memref_slice %arg9[%dma_wait3A_96, %dma_wait3A_97] : memref<10240x64xf32, #tpu.memory_space<vmem_shared>> -> memref<10240x64xf32, #tpu.memory_space<vmem_shared>>
    tpu.wait_indirect_dma semaphore(%arg15 : memref<!tpu.dma_semaphore, #tpu.memory_space<semaphore_mem>>) src(%dma_wait3A_92 : memref<125x64xf32, #tpu.memory_space<vmem>>) dst(%dma_wait3A_98 : memref<10240x64xf32, #tpu.memory_space<vmem_shared>>)
    %dma_wait3A_99 = arith.constant 1 : i32
    %dma_wait3A_100 = arith.constant 76 : i32
    %dma_wait3A_101 = arith.constant 0 : i32
    %dma_wait3A_102 = arith.constant 0 : i32
    %dma_wait3A_103 = tpu.memref_slice %arg7[%dma_wait3A_99, %dma_wait3A_101, %dma_wait3A_102] : memref<5x125x64xf32, #tpu.memory_space<vmem>> -> memref<1x125x64xf32, #tpu.memory_space<vmem>>
    %dma_wait3A_104 = tpu.memref_squeeze %dma_wait3A_103 : memref<1x125x64xf32, #tpu.memory_space<vmem>> -> memref<125x64xf32, #tpu.memory_space<vmem>>
    %dma_wait3A_105 = arith.constant 0 : i32
    %dma_wait3A_106 = tpu.memref_slice %arg6[%dma_wait3A_100, %dma_wait3A_105] : memref<80x125xi32, #tpu.memory_space<vmem>> -> memref<1x125xi32, #tpu.memory_space<vmem>>
    %dma_wait3A_107 = tpu.memref_squeeze %dma_wait3A_106 : memref<1x125xi32, #tpu.memory_space<vmem>> -> memref<125xi32, #tpu.memory_space<vmem>>
    %dma_wait3A_108 = arith.constant 0 : i32
    %dma_wait3A_109 = arith.constant 0 : i32
    %dma_wait3A_110 = tpu.memref_slice %arg9[%dma_wait3A_108, %dma_wait3A_109] : memref<10240x64xf32, #tpu.memory_space<vmem_shared>> -> memref<10240x64xf32, #tpu.memory_space<vmem_shared>>
    tpu.wait_indirect_dma semaphore(%arg16 : memref<!tpu.dma_semaphore, #tpu.memory_space<semaphore_mem>>) src(%dma_wait3A_104 : memref<125x64xf32, #tpu.memory_space<vmem>>) dst(%dma_wait3A_110 : memref<10240x64xf32, #tpu.memory_space<vmem_shared>>)
    %dma_wait3A_111 = arith.constant 2 : i32
    %dma_wait3A_112 = arith.constant 77 : i32
    %dma_wait3A_113 = arith.constant 0 : i32
    %dma_wait3A_114 = arith.constant 0 : i32
    %dma_wait3A_115 = tpu.memref_slice %arg7[%dma_wait3A_111, %dma_wait3A_113, %dma_wait3A_114] : memref<5x125x64xf32, #tpu.memory_space<vmem>> -> memref<1x125x64xf32, #tpu.memory_space<vmem>>
    %dma_wait3A_116 = tpu.memref_squeeze %dma_wait3A_115 : memref<1x125x64xf32, #tpu.memory_space<vmem>> -> memref<125x64xf32, #tpu.memory_space<vmem>>
    %dma_wait3A_117 = arith.constant 0 : i32
    %dma_wait3A_118 = tpu.memref_slice %arg6[%dma_wait3A_112, %dma_wait3A_117] : memref<80x125xi32, #tpu.memory_space<vmem>> -> memref<1x125xi32, #tpu.memory_space<vmem>>
    %dma_wait3A_119 = tpu.memref_squeeze %dma_wait3A_118 : memref<1x125xi32, #tpu.memory_space<vmem>> -> memref<125xi32, #tpu.memory_space<vmem>>
    %dma_wait3A_120 = arith.constant 0 : i32
    %dma_wait3A_121 = arith.constant 0 : i32
    %dma_wait3A_122 = tpu.memref_slice %arg9[%dma_wait3A_120, %dma_wait3A_121] : memref<10240x64xf32, #tpu.memory_space<vmem_shared>> -> memref<10240x64xf32, #tpu.memory_space<vmem_shared>>
    tpu.wait_indirect_dma semaphore(%arg17 : memref<!tpu.dma_semaphore, #tpu.memory_space<semaphore_mem>>) src(%dma_wait3A_116 : memref<125x64xf32, #tpu.memory_space<vmem>>) dst(%dma_wait3A_122 : memref<10240x64xf32, #tpu.memory_space<vmem_shared>>)
    %dma_wait3A_123 = arith.constant 3 : i32
    %dma_wait3A_124 = arith.constant 78 : i32
    %dma_wait3A_125 = arith.constant 0 : i32
    %dma_wait3A_126 = arith.constant 0 : i32
    %dma_wait3A_127 = tpu.memref_slice %arg7[%dma_wait3A_123, %dma_wait3A_125, %dma_wait3A_126] : memref<5x125x64xf32, #tpu.memory_space<vmem>> -> memref<1x125x64xf32, #tpu.memory_space<vmem>>
    %dma_wait3A_128 = tpu.memref_squeeze %dma_wait3A_127 : memref<1x125x64xf32, #tpu.memory_space<vmem>> -> memref<125x64xf32, #tpu.memory_space<vmem>>
    %dma_wait3A_129 = arith.constant 0 : i32
    %dma_wait3A_130 = tpu.memref_slice %arg6[%dma_wait3A_124, %dma_wait3A_129] : memref<80x125xi32, #tpu.memory_space<vmem>> -> memref<1x125xi32, #tpu.memory_space<vmem>>
    %dma_wait3A_131 = tpu.memref_squeeze %dma_wait3A_130 : memref<1x125xi32, #tpu.memory_space<vmem>> -> memref<125xi32, #tpu.memory_space<vmem>>
    %dma_wait3A_132 = arith.constant 0 : i32
    %dma_wait3A_133 = arith.constant 0 : i32
    %dma_wait3A_134 = tpu.memref_slice %arg9[%dma_wait3A_132, %dma_wait3A_133] : memref<10240x64xf32, #tpu.memory_space<vmem_shared>> -> memref<10240x64xf32, #tpu.memory_space<vmem_shared>>
    tpu.wait_indirect_dma semaphore(%arg18 : memref<!tpu.dma_semaphore, #tpu.memory_space<semaphore_mem>>) src(%dma_wait3A_128 : memref<125x64xf32, #tpu.memory_space<vmem>>) dst(%dma_wait3A_134 : memref<10240x64xf32, #tpu.memory_space<vmem_shared>>)
    %dma_wait3A_135 = arith.constant 4 : i32
    %dma_wait3A_136 = arith.constant 79 : i32
    %dma_wait3A_137 = arith.constant 0 : i32
    %dma_wait3A_138 = arith.constant 0 : i32
    %dma_wait3A_139 = tpu.memref_slice %arg7[%dma_wait3A_135, %dma_wait3A_137, %dma_wait3A_138] : memref<5x125x64xf32, #tpu.memory_space<vmem>> -> memref<1x125x64xf32, #tpu.memory_space<vmem>>
    %dma_wait3A_140 = tpu.memref_squeeze %dma_wait3A_139 : memref<1x125x64xf32, #tpu.memory_space<vmem>> -> memref<125x64xf32, #tpu.memory_space<vmem>>
    %dma_wait3A_141 = arith.constant 0 : i32
    %dma_wait3A_142 = tpu.memref_slice %arg6[%dma_wait3A_136, %dma_wait3A_141] : memref<80x125xi32, #tpu.memory_space<vmem>> -> memref<1x125xi32, #tpu.memory_space<vmem>>
    %dma_wait3A_143 = tpu.memref_squeeze %dma_wait3A_142 : memref<1x125xi32, #tpu.memory_space<vmem>> -> memref<125xi32, #tpu.memory_space<vmem>>
    %dma_wait3A_144 = arith.constant 0 : i32
    %dma_wait3A_145 = arith.constant 0 : i32
    %dma_wait3A_146 = tpu.memref_slice %arg9[%dma_wait3A_144, %dma_wait3A_145] : memref<10240x64xf32, #tpu.memory_space<vmem_shared>> -> memref<10240x64xf32, #tpu.memory_space<vmem_shared>>
    tpu.wait_indirect_dma semaphore(%arg19 : memref<!tpu.dma_semaphore, #tpu.memory_space<semaphore_mem>>) src(%dma_wait3A_140 : memref<125x64xf32, #tpu.memory_space<vmem>>) dst(%dma_wait3A_146 : memref<10240x64xf32, #tpu.memory_space<vmem_shared>>)
    %barrier3A_147 = arith.constant 0 : index
    tpu.barrier barrier_id(%barrier3A_147)
    %mul3A_148 = arith.constant 640 : i32
    %mul3A_149 = arith.muli %arg1, %mul3A_148 : i32
    %mul3A_150 = arith.constant 640 : i32
    %mul3A_151 = arith.muli %arg1, %mul3A_150 : i32
    "tpu.region"() ({
      %run_scoped3A_152 = tpu.sem_alloc : memref<!tpu.dma_semaphore, #tpu.memory_space<semaphore_mem>>
      %dma_start3A_153 = arith.constant 0 : i32
      %dma_start3A_154 = arith.constant 0 : i32
      %dma_start3A_155 = tpu.memref_slice %arg4[%arg0, %dma_start3A_153, %dma_start3A_154] : memref<2x10240x64xf32, #tpu.memory_space<hbm>> -> memref<1x10240x64xf32, #tpu.memory_space<hbm>>
      %dma_start3A_156 = tpu.memref_squeeze %dma_start3A_155 : memref<1x10240x64xf32, #tpu.memory_space<hbm>> -> memref<10240x64xf32, #tpu.memory_space<hbm>>
      %dma_start3A_157 = arith.constant 0 : i32
      %dma_start3A_158 = tpu.memref_slice %dma_start3A_156[%mul3A_151, %dma_start3A_157] : memref<10240x64xf32, #tpu.memory_space<hbm>> -> memref<640x64xf32, #tpu.memory_space<hbm>>
      %dma_start3A_159 = arith.constant 0 : i32
      %dma_start3A_160 = tpu.memref_slice %arg9[%mul3A_149, %dma_start3A_159] : memref<10240x64xf32, #tpu.memory_space<vmem_shared>> -> memref<640x64xf32, #tpu.memory_space<vmem_shared>>
      tpu.enqueue_dma source(%dma_start3A_160 : memref<640x64xf32, #tpu.memory_space<vmem_shared>>) target(%dma_start3A_158 : memref<640x64xf32, #tpu.memory_space<hbm>>) target_semaphore(%run_scoped3A_152 : memref<!tpu.dma_semaphore, #tpu.memory_space<semaphore_mem>>)
      %dma_wait3A_161 = arith.constant 0 : i32
      %dma_wait3A_162 = arith.constant 0 : i32
      %dma_wait3A_163 = tpu.memref_slice %arg4[%arg0, %dma_wait3A_161, %dma_wait3A_162] : memref<2x10240x64xf32, #tpu.memory_space<hbm>> -> memref<1x10240x64xf32, #tpu.memory_space<hbm>>
      %dma_wait3A_164 = tpu.memref_squeeze %dma_wait3A_163 : memref<1x10240x64xf32, #tpu.memory_space<hbm>> -> memref<10240x64xf32, #tpu.memory_space<hbm>>
      %dma_wait3A_165 = arith.constant 0 : i32
      %dma_wait3A_166 = tpu.memref_slice %dma_wait3A_164[%mul3A_151, %dma_wait3A_165] : memref<10240x64xf32, #tpu.memory_space<hbm>> -> memref<640x64xf32, #tpu.memory_space<hbm>>
      %dma_wait3A_167 = arith.constant 0 : i32
      %dma_wait3A_168 = tpu.memref_slice %arg9[%mul3A_149, %dma_wait3A_167] : memref<10240x64xf32, #tpu.memory_space<vmem_shared>> -> memref<640x64xf32, #tpu.memory_space<vmem_shared>>
      tpu.wait_dma2 semaphore(%run_scoped3A_152 : memref<!tpu.dma_semaphore, #tpu.memory_space<semaphore_mem>>) src(%dma_wait3A_168 : memref<640x64xf32, #tpu.memory_space<vmem_shared>>) dst(%dma_wait3A_166 : memref<640x64xf32, #tpu.memory_space<hbm>>)
      tpu.yield
    }) : () -> ()
    return
  }
}

#map = affine_map<(d0, d1) -> (0, 0)>
#map1 = affine_map<(d0, d1) -> (0, 0, 0, 0)>
#map2 = affine_map<(d0, d1) -> (0, 0, 0)>
module attributes {stable_mosaic.version = 14 : i64} {
  func.func @_sc_aggregate(%arg0: i32, %arg1: i32, %arg2: memref<10000x64xf32, #tpu.memory_space<hbm>>, %arg3: memref<2x32x80x125xi32, #tpu.memory_space<hbm>>, %arg4: memref<2x10240x64xf32, #tpu.memory_space<hbm>>, %arg5: memref<80x125xi32, #tpu.memory_space<vmem>>, %arg6: memref<80x125xi32, #tpu.memory_space<vmem>>, %arg7: memref<5x125x64xf32, #tpu.memory_space<vmem>>, %arg8: memref<160x64xf32, #tpu.memory_space<vmem>>, %arg9: memref<10240x64xf32, #tpu.memory_space<vmem_shared>>, %arg10: memref<!tpu.dma_semaphore, #tpu.memory_space<semaphore_mem>>, %arg11: memref<!tpu.dma_semaphore, #tpu.memory_space<semaphore_mem>>, %arg12: memref<!tpu.dma_semaphore, #tpu.memory_space<semaphore_mem>>, %arg13: memref<!tpu.dma_semaphore, #tpu.memory_space<semaphore_mem>>, %arg14: memref<!tpu.dma_semaphore, #tpu.memory_space<semaphore_mem>>, %arg15: memref<!tpu.dma_semaphore, #tpu.memory_space<semaphore_mem>>, %arg16: memref<!tpu.dma_semaphore, #tpu.memory_space<semaphore_mem>>, %arg17: memref<!tpu.dma_semaphore, #tpu.memory_space<semaphore_mem>>, %arg18: memref<!tpu.dma_semaphore, #tpu.memory_space<semaphore_mem>>, %arg19: memref<!tpu.dma_semaphore, #tpu.memory_space<semaphore_mem>>) attributes {dimension_semantics = [#tpu.dimension_semantics<core_parallel>, #tpu.dimension_semantics<subcore_parallel>], iteration_bounds = array<i64: 2, 16>, scalar_prefetch = 0 : i64, scratch_operands = 15 : i64, tpu.core_type = #tpu.core_type<sc_vector_subcore>, window_params = [{transform_indices = #map}, {transform_indices = #map1}, {transform_indices = #map2}]} {
    %mul3A = arith.constant 16 : i32
    %mul3A_0 = arith.muli %arg0, %mul3A : i32
    %add3A = arith.addi %mul3A_0, %arg1 : i32
    %scan3A = arith.constant 0 : i32
    %scan3A_1 = arith.constant 0 : i32
    %scan3A_2 = arith.constant 160 : i32
    %scan3A_3 = arith.addi %scan3A_1, %scan3A_2 : i32
    %scan3A_4 = arith.constant 1 : i32
    scf.for %scan3A_152 = %scan3A_1 to %scan3A_3 step %scan3A_4  : i32 {
      %broadcast_in_dim3A = arith.constant 0.000000e+00 : f32
      %broadcast_in_dim3A_153 = vector.broadcast %broadcast_in_dim3A : f32 to vector<16xf32>
      %swap3A = arith.index_cast %scan3A_152 : i32 to index
      %swap3A_154 = arith.constant 0 : index
      %swap3A_155 = tpu.vector_load %arg8[%swap3A, %swap3A_154] {strides = array<i32>} : memref<160x64xf32, #tpu.memory_space<vmem>>, vector<1x16xf32>,
      %swap3A_156 = vector.shape_cast %swap3A_155 : vector<1x16xf32> to vector<16xf32>
      %swap3A_157 = vector.shape_cast %broadcast_in_dim3A_153 : vector<16xf32> to vector<1x16xf32>
      tpu.vector_store %arg8[%swap3A, %swap3A_154], %swap3A_157 {strides = array<i32>} : memref<160x64xf32, #tpu.memory_space<vmem>>, vector<1x16xf32>,
      %broadcast_in_dim3A_158 = arith.constant 0.000000e+00 : f32
      %broadcast_in_dim3A_159 = vector.broadcast %broadcast_in_dim3A_158 : f32 to vector<16xf32>
      %swap3A_160 = arith.index_cast %scan3A_152 : i32 to index
      %swap3A_161 = arith.constant 16 : index
      %swap3A_162 = tpu.vector_load %arg8[%swap3A_160, %swap3A_161] {strides = array<i32>} : memref<160x64xf32, #tpu.memory_space<vmem>>, vector<1x16xf32>,
      %swap3A_163 = vector.shape_cast %swap3A_162 : vector<1x16xf32> to vector<16xf32>
      %swap3A_164 = vector.shape_cast %broadcast_in_dim3A_159 : vector<16xf32> to vector<1x16xf32>
      tpu.vector_store %arg8[%swap3A_160, %swap3A_161], %swap3A_164 {strides = array<i32>} : memref<160x64xf32, #tpu.memory_space<vmem>>, vector<1x16xf32>,
      %broadcast_in_dim3A_165 = arith.constant 0.000000e+00 : f32
      %broadcast_in_dim3A_166 = vector.broadcast %broadcast_in_dim3A_165 : f32 to vector<16xf32>
      %swap3A_167 = arith.index_cast %scan3A_152 : i32 to index
      %swap3A_168 = arith.constant 32 : index
      %swap3A_169 = tpu.vector_load %arg8[%swap3A_167, %swap3A_168] {strides = array<i32>} : memref<160x64xf32, #tpu.memory_space<vmem>>, vector<1x16xf32>,
      %swap3A_170 = vector.shape_cast %swap3A_169 : vector<1x16xf32> to vector<16xf32>
      %swap3A_171 = vector.shape_cast %broadcast_in_dim3A_166 : vector<16xf32> to vector<1x16xf32>
      tpu.vector_store %arg8[%swap3A_167, %swap3A_168], %swap3A_171 {strides = array<i32>} : memref<160x64xf32, #tpu.memory_space<vmem>>, vector<1x16xf32>,
      %broadcast_in_dim3A_172 = arith.constant 0.000000e+00 : f32
      %broadcast_in_dim3A_173 = vector.broadcast %broadcast_in_dim3A_172 : f32 to vector<16xf32>
      %swap3A_174 = arith.index_cast %scan3A_152 : i32 to index
      %swap3A_175 = arith.constant 48 : index
      %swap3A_176 = tpu.vector_load %arg8[%swap3A_174, %swap3A_175] {strides = array<i32>} : memref<160x64xf32, #tpu.memory_space<vmem>>, vector<1x16xf32>,
      %swap3A_177 = vector.shape_cast %swap3A_176 : vector<1x16xf32> to vector<16xf32>
      %swap3A_178 = vector.shape_cast %broadcast_in_dim3A_173 : vector<16xf32> to vector<1x16xf32>
      tpu.vector_store %arg8[%swap3A_174, %swap3A_175], %swap3A_178 {strides = array<i32>} : memref<160x64xf32, #tpu.memory_space<vmem>>, vector<1x16xf32>,
    }
    %scan3A_5 = arith.constant 160 : i32
    %mul3A_6 = arith.constant 640 : i32
    %mul3A_7 = arith.muli %arg1, %mul3A_6 : i32
    %add3A_8 = arith.constant 0 : i32
    %add3A_9 = arith.addi %mul3A_7, %add3A_8 : i32
    "tpu.region"() ({
      %run_scoped3A_152 = tpu.sem_alloc : memref<!tpu.dma_semaphore, #tpu.memory_space<semaphore_mem>>
      %dma_start3A_153 = arith.constant 0 : i32
      %dma_start3A_154 = tpu.memref_slice %arg9[%add3A_9, %dma_start3A_153] : memref<10240x64xf32, #tpu.memory_space<vmem_shared>> -> memref<160x64xf32, #tpu.memory_space<vmem_shared>>
      %dma_start3A_155 = arith.constant 0 : i32
      %dma_start3A_156 = tpu.memref_slice %arg9[%add3A_9, %dma_start3A_155] : memref<10240x64xf32, #tpu.memory_space<vmem_shared>> -> memref<160x64xf32, #tpu.memory_space<vmem_shared>>
      tpu.enqueue_dma source(%arg8 : memref<160x64xf32, #tpu.memory_space<vmem>>) target(%dma_start3A_156 : memref<160x64xf32, #tpu.memory_space<vmem_shared>>) target_semaphore(%run_scoped3A_152 : memref<!tpu.dma_semaphore, #tpu.memory_space<semaphore_mem>>)
      %dma_wait3A_157 = arith.constant 0 : i32
      %dma_wait3A_158 = tpu.memref_slice %arg9[%add3A_9, %dma_wait3A_157] : memref<10240x64xf32, #tpu.memory_space<vmem_shared>> -> memref<160x64xf32, #tpu.memory_space<vmem_shared>>
      %dma_wait3A_159 = arith.constant 0 : i32
      %dma_wait3A_160 = tpu.memref_slice %arg9[%add3A_9, %dma_wait3A_159] : memref<10240x64xf32, #tpu.memory_space<vmem_shared>> -> memref<160x64xf32, #tpu.memory_space<vmem_shared>>
      tpu.wait_dma2 semaphore(%run_scoped3A_152 : memref<!tpu.dma_semaphore, #tpu.memory_space<semaphore_mem>>) src(%arg8 : memref<160x64xf32, #tpu.memory_space<vmem>>) dst(%dma_wait3A_160 : memref<160x64xf32, #tpu.memory_space<vmem_shared>>)
      tpu.yield
    }) : () -> ()
    %mul3A_10 = arith.constant 640 : i32
    %mul3A_11 = arith.muli %arg1, %mul3A_10 : i32
    %add3A_12 = arith.constant 160 : i32
    %add3A_13 = arith.addi %mul3A_11, %add3A_12 : i32
    "tpu.region"() ({
      %run_scoped3A_152 = tpu.sem_alloc : memref<!tpu.dma_semaphore, #tpu.memory_space<semaphore_mem>>
      %dma_start3A_153 = arith.constant 0 : i32
      %dma_start3A_154 = tpu.memref_slice %arg9[%add3A_13, %dma_start3A_153] : memref<10240x64xf32, #tpu.memory_space<vmem_shared>> -> memref<160x64xf32, #tpu.memory_space<vmem_shared>>
      %dma_start3A_155 = arith.constant 0 : i32
      %dma_start3A_156 = tpu.memref_slice %arg9[%add3A_13, %dma_start3A_155] : memref<10240x64xf32, #tpu.memory_space<vmem_shared>> -> memref<160x64xf32, #tpu.memory_space<vmem_shared>>
      tpu.enqueue_dma source(%arg8 : memref<160x64xf32, #tpu.memory_space<vmem>>) target(%dma_start3A_156 : memref<160x64xf32, #tpu.memory_space<vmem_shared>>) target_semaphore(%run_scoped3A_152 : memref<!tpu.dma_semaphore, #tpu.memory_space<semaphore_mem>>)
      %dma_wait3A_157 = arith.constant 0 : i32
      %dma_wait3A_158 = tpu.memref_slice %arg9[%add3A_13, %dma_wait3A_157] : memref<10240x64xf32, #tpu.memory_space<vmem_shared>> -> memref<160x64xf32, #tpu.memory_space<vmem_shared>>
      %dma_wait3A_159 = arith.constant 0 : i32
      %dma_wait3A_160 = tpu.memref_slice %arg9[%add3A_13, %dma_wait3A_159] : memref<10240x64xf32, #tpu.memory_space<vmem_shared>> -> memref<160x64xf32, #tpu.memory_space<vmem_shared>>
      tpu.wait_dma2 semaphore(%run_scoped3A_152 : memref<!tpu.dma_semaphore, #tpu.memory_space<semaphore_mem>>) src(%arg8 : memref<160x64xf32, #tpu.memory_space<vmem>>) dst(%dma_wait3A_160 : memref<160x64xf32, #tpu.memory_space<vmem_shared>>)
      tpu.yield
    }) : () -> ()
    %mul3A_14 = arith.constant 640 : i32
    %mul3A_15 = arith.muli %arg1, %mul3A_14 : i32
    %add3A_16 = arith.constant 320 : i32
    %add3A_17 = arith.addi %mul3A_15, %add3A_16 : i32
    "tpu.region"() ({
      %run_scoped3A_152 = tpu.sem_alloc : memref<!tpu.dma_semaphore, #tpu.memory_space<semaphore_mem>>
      %dma_start3A_153 = arith.constant 0 : i32
      %dma_start3A_154 = tpu.memref_slice %arg9[%add3A_17, %dma_start3A_153] : memref<10240x64xf32, #tpu.memory_space<vmem_shared>> -> memref<160x64xf32, #tpu.memory_space<vmem_shared>>
      %dma_start3A_155 = arith.constant 0 : i32
      %dma_start3A_156 = tpu.memref_slice %arg9[%add3A_17, %dma_start3A_155] : memref<10240x64xf32, #tpu.memory_space<vmem_shared>> -> memref<160x64xf32, #tpu.memory_space<vmem_shared>>
      tpu.enqueue_dma source(%arg8 : memref<160x64xf32, #tpu.memory_space<vmem>>) target(%dma_start3A_156 : memref<160x64xf32, #tpu.memory_space<vmem_shared>>) target_semaphore(%run_scoped3A_152 : memref<!tpu.dma_semaphore, #tpu.memory_space<semaphore_mem>>)
      %dma_wait3A_157 = arith.constant 0 : i32
      %dma_wait3A_158 = tpu.memref_slice %arg9[%add3A_17, %dma_wait3A_157] : memref<10240x64xf32, #tpu.memory_space<vmem_shared>> -> memref<160x64xf32, #tpu.memory_space<vmem_shared>>
      %dma_wait3A_159 = arith.constant 0 : i32
      %dma_wait3A_160 = tpu.memref_slice %arg9[%add3A_17, %dma_wait3A_159] : memref<10240x64xf32, #tpu.memory_space<vmem_shared>> -> memref<160x64xf32, #tpu.memory_space<vmem_shared>>
      tpu.wait_dma2 semaphore(%run_scoped3A_152 : memref<!tpu.dma_semaphore, #tpu.memory_space<semaphore_mem>>) src(%arg8 : memref<160x64xf32, #tpu.memory_space<vmem>>) dst(%dma_wait3A_160 : memref<160x64xf32, #tpu.memory_space<vmem_shared>>)
      tpu.yield
    }) : () -> ()
    %mul3A_18 = arith.constant 640 : i32
    %mul3A_19 = arith.muli %arg1, %mul3A_18 : i32
    %add3A_20 = arith.constant 480 : i32
    %add3A_21 = arith.addi %mul3A_19, %add3A_20 : i32
    "tpu.region"() ({
      %run_scoped3A_152 = tpu.sem_alloc : memref<!tpu.dma_semaphore, #tpu.memory_space<semaphore_mem>>
      %dma_start3A_153 = arith.constant 0 : i32
      %dma_start3A_154 = tpu.memref_slice %arg9[%add3A_21, %dma_start3A_153] : memref<10240x64xf32, #tpu.memory_space<vmem_shared>> -> memref<160x64xf32, #tpu.memory_space<vmem_shared>>
      %dma_start3A_155 = arith.constant 0 : i32
      %dma_start3A_156 = tpu.memref_slice %arg9[%add3A_21, %dma_start3A_155] : memref<10240x64xf32, #tpu.memory_space<vmem_shared>> -> memref<160x64xf32, #tpu.memory_space<vmem_shared>>
      tpu.enqueue_dma source(%arg8 : memref<160x64xf32, #tpu.memory_space<vmem>>) target(%dma_start3A_156 : memref<160x64xf32, #tpu.memory_space<vmem_shared>>) target_semaphore(%run_scoped3A_152 : memref<!tpu.dma_semaphore, #tpu.memory_space<semaphore_mem>>)
      %dma_wait3A_157 = arith.constant 0 : i32
      %dma_wait3A_158 = tpu.memref_slice %arg9[%add3A_21, %dma_wait3A_157] : memref<10240x64xf32, #tpu.memory_space<vmem_shared>> -> memref<160x64xf32, #tpu.memory_space<vmem_shared>>
      %dma_wait3A_159 = arith.constant 0 : i32
      %dma_wait3A_160 = tpu.memref_slice %arg9[%add3A_21, %dma_wait3A_159] : memref<10240x64xf32, #tpu.memory_space<vmem_shared>> -> memref<160x64xf32, #tpu.memory_space<vmem_shared>>
      tpu.wait_dma2 semaphore(%run_scoped3A_152 : memref<!tpu.dma_semaphore, #tpu.memory_space<semaphore_mem>>) src(%arg8 : memref<160x64xf32, #tpu.memory_space<vmem>>) dst(%dma_wait3A_160 : memref<160x64xf32, #tpu.memory_space<vmem_shared>>)
      tpu.yield
    }) : () -> ()
    %run_scoped3A = arith.constant 0 : i32
    "tpu.region"() ({
      %run_scoped3A_152 = tpu.sem_alloc : memref<!tpu.dma_semaphore, #tpu.memory_space<semaphore_mem>>
      %dma_start3A_153 = arith.constant 0 : i32
      %dma_start3A_154 = arith.constant 0 : i32
      %dma_start3A_155 = tpu.memref_slice %arg3[%run_scoped3A, %add3A, %dma_start3A_153, %dma_start3A_154] : memref<2x32x80x125xi32, #tpu.memory_space<hbm>> -> memref<1x1x80x125xi32, #tpu.memory_space<hbm>>
      %dma_start3A_156 = tpu.memref_squeeze %dma_start3A_155 : memref<1x1x80x125xi32, #tpu.memory_space<hbm>> -> memref<80x125xi32, #tpu.memory_space<hbm>>
      %dma_start3A_157 = arith.constant 0 : i32
      %dma_start3A_158 = arith.constant 0 : i32
      %dma_start3A_159 = tpu.memref_slice %arg3[%run_scoped3A, %add3A, %dma_start3A_157, %dma_start3A_158] : memref<2x32x80x125xi32, #tpu.memory_space<hbm>> -> memref<1x1x80x125xi32, #tpu.memory_space<hbm>>
      %dma_start3A_160 = tpu.memref_squeeze %dma_start3A_159 : memref<1x1x80x125xi32, #tpu.memory_space<hbm>> -> memref<80x125xi32, #tpu.memory_space<hbm>>
      tpu.enqueue_dma source(%dma_start3A_160 : memref<80x125xi32, #tpu.memory_space<hbm>>) target(%arg5 : memref<80x125xi32, #tpu.memory_space<vmem>>) target_semaphore(%run_scoped3A_152 : memref<!tpu.dma_semaphore, #tpu.memory_space<semaphore_mem>>)
      %dma_wait3A_161 = arith.constant 0 : i32
      %dma_wait3A_162 = arith.constant 0 : i32
      %dma_wait3A_163 = tpu.memref_slice %arg3[%run_scoped3A, %add3A, %dma_wait3A_161, %dma_wait3A_162] : memref<2x32x80x125xi32, #tpu.memory_space<hbm>> -> memref<1x1x80x125xi32, #tpu.memory_space<hbm>>
      %dma_wait3A_164 = tpu.memref_squeeze %dma_wait3A_163 : memref<1x1x80x125xi32, #tpu.memory_space<hbm>> -> memref<80x125xi32, #tpu.memory_space<hbm>>
      %dma_wait3A_165 = arith.constant 0 : i32
      %dma_wait3A_166 = arith.constant 0 : i32
      %dma_wait3A_167 = tpu.memref_slice %arg3[%run_scoped3A, %add3A, %dma_wait3A_165, %dma_wait3A_166] : memref<2x32x80x125xi32, #tpu.memory_space<hbm>> -> memref<1x1x80x125xi32, #tpu.memory_space<hbm>>
      %dma_wait3A_168 = tpu.memref_squeeze %dma_wait3A_167 : memref<1x1x80x125xi32, #tpu.memory_space<hbm>> -> memref<80x125xi32, #tpu.memory_space<hbm>>
      tpu.wait_dma2 semaphore(%run_scoped3A_152 : memref<!tpu.dma_semaphore, #tpu.memory_space<semaphore_mem>>) src(%dma_wait3A_168 : memref<80x125xi32, #tpu.memory_space<hbm>>) dst(%arg5 : memref<80x125xi32, #tpu.memory_space<vmem>>)
      tpu.yield
    }) : () -> ()
    %run_scoped3A_22 = arith.constant 1 : i32
    "tpu.region"() ({
      %run_scoped3A_152 = tpu.sem_alloc : memref<!tpu.dma_semaphore, #tpu.memory_space<semaphore_mem>>
      %dma_start3A_153 = arith.constant 0 : i32
      %dma_start3A_154 = arith.constant 0 : i32
      %dma_start3A_155 = tpu.memref_slice %arg3[%run_scoped3A_22, %add3A, %dma_start3A_153, %dma_start3A_154] : memref<2x32x80x125xi32, #tpu.memory_space<hbm>> -> memref<1x1x80x125xi32, #tpu.memory_space<hbm>>
      %dma_start3A_156 = tpu.memref_squeeze %dma_start3A_155 : memref<1x1x80x125xi32, #tpu.memory_space<hbm>> -> memref<80x125xi32, #tpu.memory_space<hbm>>
      %dma_start3A_157 = arith.constant 0 : i32
      %dma_start3A_158 = arith.constant 0 : i32
      %dma_start3A_159 = tpu.memref_slice %arg3[%run_scoped3A_22, %add3A, %dma_start3A_157, %dma_start3A_158] : memref<2x32x80x125xi32, #tpu.memory_space<hbm>> -> memref<1x1x80x125xi32, #tpu.memory_space<hbm>>
      %dma_start3A_160 = tpu.memref_squeeze %dma_start3A_159 : memref<1x1x80x125xi32, #tpu.memory_space<hbm>> -> memref<80x125xi32, #tpu.memory_space<hbm>>
      tpu.enqueue_dma source(%dma_start3A_160 : memref<80x125xi32, #tpu.memory_space<hbm>>) target(%arg6 : memref<80x125xi32, #tpu.memory_space<vmem>>) target_semaphore(%run_scoped3A_152 : memref<!tpu.dma_semaphore, #tpu.memory_space<semaphore_mem>>)
      %dma_wait3A_161 = arith.constant 0 : i32
      %dma_wait3A_162 = arith.constant 0 : i32
      %dma_wait3A_163 = tpu.memref_slice %arg3[%run_scoped3A_22, %add3A, %dma_wait3A_161, %dma_wait3A_162] : memref<2x32x80x125xi32, #tpu.memory_space<hbm>> -> memref<1x1x80x125xi32, #tpu.memory_space<hbm>>
      %dma_wait3A_164 = tpu.memref_squeeze %dma_wait3A_163 : memref<1x1x80x125xi32, #tpu.memory_space<hbm>> -> memref<80x125xi32, #tpu.memory_space<hbm>>
      %dma_wait3A_165 = arith.constant 0 : i32
      %dma_wait3A_166 = arith.constant 0 : i32
      %dma_wait3A_167 = tpu.memref_slice %arg3[%run_scoped3A_22, %add3A, %dma_wait3A_165, %dma_wait3A_166] : memref<2x32x80x125xi32, #tpu.memory_space<hbm>> -> memref<1x1x80x125xi32, #tpu.memory_space<hbm>>
      %dma_wait3A_168 = tpu.memref_squeeze %dma_wait3A_167 : memref<1x1x80x125xi32, #tpu.memory_space<hbm>> -> memref<80x125xi32, #tpu.memory_space<hbm>>
      tpu.wait_dma2 semaphore(%run_scoped3A_152 : memref<!tpu.dma_semaphore, #tpu.memory_space<semaphore_mem>>) src(%dma_wait3A_168 : memref<80x125xi32, #tpu.memory_space<hbm>>) dst(%arg6 : memref<80x125xi32, #tpu.memory_space<vmem>>)
      tpu.yield
    }) : () -> ()
    %barrier3A = arith.constant 0 : index
    tpu.barrier barrier_id(%barrier3A)
    %dma_start3A = arith.constant 0 : i32
    %dma_start3A_23 = arith.constant 0 : i32
    %dma_start3A_24 = arith.constant 0 : i32
    %dma_start3A_25 = arith.constant 0 : i32
    %dma_start3A_26 = tpu.memref_slice %arg7[%dma_start3A_23, %dma_start3A_24, %dma_start3A_25] : memref<5x125x64xf32, #tpu.memory_space<vmem>> -> memref<1x125x64xf32, #tpu.memory_space<vmem>>
    %dma_start3A_27 = tpu.memref_squeeze %dma_start3A_26 : memref<1x125x64xf32, #tpu.memory_space<vmem>> -> memref<125x64xf32, #tpu.memory_space<vmem>>
    %dma_start3A_28 = arith.constant 0 : i32
    %dma_start3A_29 = tpu.memref_slice %arg5[%dma_start3A, %dma_start3A_28] : memref<80x125xi32, #tpu.memory_space<vmem>> -> memref<1x125xi32, #tpu.memory_space<vmem>>
    %dma_start3A_30 = tpu.memref_squeeze %dma_start3A_29 : memref<1x125xi32, #tpu.memory_space<vmem>> -> memref<125xi32, #tpu.memory_space<vmem>>
    %dma_start3A_31 = arith.constant 0 : i32
    %dma_start3A_32 = arith.constant 0 : i32
    %dma_start3A_33 = tpu.memref_slice %arg2[%dma_start3A_31, %dma_start3A_32] : memref<10000x64xf32, #tpu.memory_space<hbm>> -> memref<10000x64xf32, #tpu.memory_space<hbm>>
    tpu.enqueue_indirect_dma source(%dma_start3A_33 : memref<10000x64xf32, #tpu.memory_space<hbm>>) target(%dma_start3A_27 : memref<125x64xf32, #tpu.memory_space<vmem>>) offsets(%dma_start3A_30 : memref<125xi32, #tpu.memory_space<vmem>>) semaphore(%arg10 : memref<!tpu.dma_semaphore, #tpu.memory_space<semaphore_mem>>)
    %dma_start3A_34 = arith.constant 1 : i32
    %dma_start3A_35 = arith.constant 1 : i32
    %dma_start3A_36 = arith.constant 0 : i32
    %dma_start3A_37 = arith.constant 0 : i32
    %dma_start3A_38 = tpu.memref_slice %arg7[%dma_start3A_35, %dma_start3A_36, %dma_start3A_37] : memref<5x125x64xf32, #tpu.memory_space<vmem>> -> memref<1x125x64xf32, #tpu.memory_space<vmem>>
    %dma_start3A_39 = tpu.memref_squeeze %dma_start3A_38 : memref<1x125x64xf32, #tpu.memory_space<vmem>> -> memref<125x64xf32, #tpu.memory_space<vmem>>
    %dma_start3A_40 = arith.constant 0 : i32
    %dma_start3A_41 = tpu.memref_slice %arg5[%dma_start3A_34, %dma_start3A_40] : memref<80x125xi32, #tpu.memory_space<vmem>> -> memref<1x125xi32, #tpu.memory_space<vmem>>
    %dma_start3A_42 = tpu.memref_squeeze %dma_start3A_41 : memref<1x125xi32, #tpu.memory_space<vmem>> -> memref<125xi32, #tpu.memory_space<vmem>>
    %dma_start3A_43 = arith.constant 0 : i32
    %dma_start3A_44 = arith.constant 0 : i32
    %dma_start3A_45 = tpu.memref_slice %arg2[%dma_start3A_43, %dma_start3A_44] : memref<10000x64xf32, #tpu.memory_space<hbm>> -> memref<10000x64xf32, #tpu.memory_space<hbm>>
    tpu.enqueue_indirect_dma source(%dma_start3A_45 : memref<10000x64xf32, #tpu.memory_space<hbm>>) target(%dma_start3A_39 : memref<125x64xf32, #tpu.memory_space<vmem>>) offsets(%dma_start3A_42 : memref<125xi32, #tpu.memory_space<vmem>>) semaphore(%arg11 : memref<!tpu.dma_semaphore, #tpu.memory_space<semaphore_mem>>)
    %dma_start3A_46 = arith.constant 2 : i32
    %dma_start3A_47 = arith.constant 2 : i32
    %dma_start3A_48 = arith.constant 0 : i32
    %dma_start3A_49 = arith.constant 0 : i32
    %dma_start3A_50 = tpu.memref_slice %arg7[%dma_start3A_47, %dma_start3A_48, %dma_start3A_49] : memref<5x125x64xf32, #tpu.memory_space<vmem>> -> memref<1x125x64xf32, #tpu.memory_space<vmem>>
    %dma_start3A_51 = tpu.memref_squeeze %dma_start3A_50 : memref<1x125x64xf32, #tpu.memory_space<vmem>> -> memref<125x64xf32, #tpu.memory_space<vmem>>
    %dma_start3A_52 = arith.constant 0 : i32
    %dma_start3A_53 = tpu.memref_slice %arg5[%dma_start3A_46, %dma_start3A_52] : memref<80x125xi32, #tpu.memory_space<vmem>> -> memref<1x125xi32, #tpu.memory_space<vmem>>
    %dma_start3A_54 = tpu.memref_squeeze %dma_start3A_53 : memref<1x125xi32, #tpu.memory_space<vmem>> -> memref<125xi32, #tpu.memory_space<vmem>>
    %dma_start3A_55 = arith.constant 0 : i32
    %dma_start3A_56 = arith.constant 0 : i32
    %dma_start3A_57 = tpu.memref_slice %arg2[%dma_start3A_55, %dma_start3A_56] : memref<10000x64xf32, #tpu.memory_space<hbm>> -> memref<10000x64xf32, #tpu.memory_space<hbm>>
    tpu.enqueue_indirect_dma source(%dma_start3A_57 : memref<10000x64xf32, #tpu.memory_space<hbm>>) target(%dma_start3A_51 : memref<125x64xf32, #tpu.memory_space<vmem>>) offsets(%dma_start3A_54 : memref<125xi32, #tpu.memory_space<vmem>>) semaphore(%arg12 : memref<!tpu.dma_semaphore, #tpu.memory_space<semaphore_mem>>)
    %dma_start3A_58 = arith.constant 3 : i32
    %dma_start3A_59 = arith.constant 3 : i32
    %dma_start3A_60 = arith.constant 0 : i32
    %dma_start3A_61 = arith.constant 0 : i32
    %dma_start3A_62 = tpu.memref_slice %arg7[%dma_start3A_59, %dma_start3A_60, %dma_start3A_61] : memref<5x125x64xf32, #tpu.memory_space<vmem>> -> memref<1x125x64xf32, #tpu.memory_space<vmem>>
    %dma_start3A_63 = tpu.memref_squeeze %dma_start3A_62 : memref<1x125x64xf32, #tpu.memory_space<vmem>> -> memref<125x64xf32, #tpu.memory_space<vmem>>
    %dma_start3A_64 = arith.constant 0 : i32
    %dma_start3A_65 = tpu.memref_slice %arg5[%dma_start3A_58, %dma_start3A_64] : memref<80x125xi32, #tpu.memory_space<vmem>> -> memref<1x125xi32, #tpu.memory_space<vmem>>
    %dma_start3A_66 = tpu.memref_squeeze %dma_start3A_65 : memref<1x125xi32, #tpu.memory_space<vmem>> -> memref<125xi32, #tpu.memory_space<vmem>>
    %dma_start3A_67 = arith.constant 0 : i32
    %dma_start3A_68 = arith.constant 0 : i32
    %dma_start3A_69 = tpu.memref_slice %arg2[%dma_start3A_67, %dma_start3A_68] : memref<10000x64xf32, #tpu.memory_space<hbm>> -> memref<10000x64xf32, #tpu.memory_space<hbm>>
    tpu.enqueue_indirect_dma source(%dma_start3A_69 : memref<10000x64xf32, #tpu.memory_space<hbm>>) target(%dma_start3A_63 : memref<125x64xf32, #tpu.memory_space<vmem>>) offsets(%dma_start3A_66 : memref<125xi32, #tpu.memory_space<vmem>>) semaphore(%arg13 : memref<!tpu.dma_semaphore, #tpu.memory_space<semaphore_mem>>)
    %dma_start3A_70 = arith.constant 4 : i32
    %dma_start3A_71 = arith.constant 4 : i32
    %dma_start3A_72 = arith.constant 0 : i32
    %dma_start3A_73 = arith.constant 0 : i32
    %dma_start3A_74 = tpu.memref_slice %arg7[%dma_start3A_71, %dma_start3A_72, %dma_start3A_73] : memref<5x125x64xf32, #tpu.memory_space<vmem>> -> memref<1x125x64xf32, #tpu.memory_space<vmem>>
    %dma_start3A_75 = tpu.memref_squeeze %dma_start3A_74 : memref<1x125x64xf32, #tpu.memory_space<vmem>> -> memref<125x64xf32, #tpu.memory_space<vmem>>
    %dma_start3A_76 = arith.constant 0 : i32
    %dma_start3A_77 = tpu.memref_slice %arg5[%dma_start3A_70, %dma_start3A_76] : memref<80x125xi32, #tpu.memory_space<vmem>> -> memref<1x125xi32, #tpu.memory_space<vmem>>
    %dma_start3A_78 = tpu.memref_squeeze %dma_start3A_77 : memref<1x125xi32, #tpu.memory_space<vmem>> -> memref<125xi32, #tpu.memory_space<vmem>>
    %dma_start3A_79 = arith.constant 0 : i32
    %dma_start3A_80 = arith.constant 0 : i32
    %dma_start3A_81 = tpu.memref_slice %arg2[%dma_start3A_79, %dma_start3A_80] : memref<10000x64xf32, #tpu.memory_space<hbm>> -> memref<10000x64xf32, #tpu.memory_space<hbm>>
    tpu.enqueue_indirect_dma source(%dma_start3A_81 : memref<10000x64xf32, #tpu.memory_space<hbm>>) target(%dma_start3A_75 : memref<125x64xf32, #tpu.memory_space<vmem>>) offsets(%dma_start3A_78 : memref<125xi32, #tpu.memory_space<vmem>>) semaphore(%arg14 : memref<!tpu.dma_semaphore, #tpu.memory_space<semaphore_mem>>)
    %scan3A_82 = arith.constant 0 : i32
    %scan3A_83 = arith.constant 0 : i32
    %scan3A_84 = arith.constant 16 : i32
    %scan3A_85 = arith.addi %scan3A_83, %scan3A_84 : i32
    %scan3A_86 = arith.constant 1 : i32
    scf.for %scan3A_152 = %scan3A_83 to %scan3A_85 step %scan3A_86  : i32 {
      %mul3A_153 = arith.constant 5 : i32
      %mul3A_154 = arith.muli %scan3A_152, %mul3A_153 : i32
      %add3A_155 = arith.constant 0 : i32
      %add3A_156 = arith.addi %mul3A_154, %add3A_155 : i32
      %dma_wait3A_157 = arith.constant 0 : i32
      %dma_wait3A_158 = arith.constant 0 : i32
      %dma_wait3A_159 = arith.constant 0 : i32
      %dma_wait3A_160 = tpu.memref_slice %arg7[%dma_wait3A_157, %dma_wait3A_158, %dma_wait3A_159] : memref<5x125x64xf32, #tpu.memory_space<vmem>> -> memref<1x125x64xf32, #tpu.memory_space<vmem>>
      %dma_wait3A_161 = tpu.memref_squeeze %dma_wait3A_160 : memref<1x125x64xf32, #tpu.memory_space<vmem>> -> memref<125x64xf32, #tpu.memory_space<vmem>>
      %dma_wait3A_162 = arith.constant 0 : i32
      %dma_wait3A_163 = tpu.memref_slice %arg5[%add3A_156, %dma_wait3A_162] : memref<80x125xi32, #tpu.memory_space<vmem>> -> memref<1x125xi32, #tpu.memory_space<vmem>>
      %dma_wait3A_164 = tpu.memref_squeeze %dma_wait3A_163 : memref<1x125xi32, #tpu.memory_space<vmem>> -> memref<125xi32, #tpu.memory_space<vmem>>
      %dma_wait3A_165 = arith.constant 0 : i32
      %dma_wait3A_166 = arith.constant 0 : i32
      %dma_wait3A_167 = tpu.memref_slice %arg2[%dma_wait3A_165, %dma_wait3A_166] : memref<10000x64xf32, #tpu.memory_space<hbm>> -> memref<10000x64xf32, #tpu.memory_space<hbm>>
      tpu.wait_indirect_dma semaphore(%arg10 : memref<!tpu.dma_semaphore, #tpu.memory_space<semaphore_mem>>) src(%dma_wait3A_167 : memref<10000x64xf32, #tpu.memory_space<hbm>>) dst(%dma_wait3A_161 : memref<125x64xf32, #tpu.memory_space<vmem>>)
      %dma_start3A_168 = arith.constant 0 : i32
      %dma_start3A_169 = arith.constant 0 : i32
      %dma_start3A_170 = arith.constant 0 : i32
      %dma_start3A_171 = tpu.memref_slice %arg7[%dma_start3A_168, %dma_start3A_169, %dma_start3A_170] : memref<5x125x64xf32, #tpu.memory_space<vmem>> -> memref<1x125x64xf32, #tpu.memory_space<vmem>>
      %dma_start3A_172 = tpu.memref_squeeze %dma_start3A_171 : memref<1x125x64xf32, #tpu.memory_space<vmem>> -> memref<125x64xf32, #tpu.memory_space<vmem>>
      %dma_start3A_173 = arith.constant 0 : i32
      %dma_start3A_174 = tpu.memref_slice %arg6[%add3A_156, %dma_start3A_173] : memref<80x125xi32, #tpu.memory_space<vmem>> -> memref<1x125xi32, #tpu.memory_space<vmem>>
      %dma_start3A_175 = tpu.memref_squeeze %dma_start3A_174 : memref<1x125xi32, #tpu.memory_space<vmem>> -> memref<125xi32, #tpu.memory_space<vmem>>
      %dma_start3A_176 = arith.constant 0 : i32
      %dma_start3A_177 = arith.constant 0 : i32
      %dma_start3A_178 = tpu.memref_slice %arg9[%dma_start3A_176, %dma_start3A_177] : memref<10240x64xf32, #tpu.memory_space<vmem_shared>> -> memref<10240x64xf32, #tpu.memory_space<vmem_shared>>
      tpu.enqueue_indirect_dma source(%dma_start3A_172 : memref<125x64xf32, #tpu.memory_space<vmem>>) target(%dma_start3A_178 : memref<10240x64xf32, #tpu.memory_space<vmem_shared>>) offsets(%dma_start3A_175 : memref<125xi32, #tpu.memory_space<vmem>>) semaphore(%arg15 : memref<!tpu.dma_semaphore, #tpu.memory_space<semaphore_mem>>) {add = true}
      %mul3A_179 = arith.constant 5 : i32
      %mul3A_180 = arith.muli %scan3A_152, %mul3A_179 : i32
      %add3A_181 = arith.constant 1 : i32
      %add3A_182 = arith.addi %mul3A_180, %add3A_181 : i32
      %dma_wait3A_183 = arith.constant 1 : i32
      %dma_wait3A_184 = arith.constant 0 : i32
      %dma_wait3A_185 = arith.constant 0 : i32
      %dma_wait3A_186 = tpu.memref_slice %arg7[%dma_wait3A_183, %dma_wait3A_184, %dma_wait3A_185] : memref<5x125x64xf32, #tpu.memory_space<vmem>> -> memref<1x125x64xf32, #tpu.memory_space<vmem>>
      %dma_wait3A_187 = tpu.memref_squeeze %dma_wait3A_186 : memref<1x125x64xf32, #tpu.memory_space<vmem>> -> memref<125x64xf32, #tpu.memory_space<vmem>>
      %dma_wait3A_188 = arith.constant 0 : i32
      %dma_wait3A_189 = tpu.memref_slice %arg5[%add3A_182, %dma_wait3A_188] : memref<80x125xi32, #tpu.memory_space<vmem>> -> memref<1x125xi32, #tpu.memory_space<vmem>>
      %dma_wait3A_190 = tpu.memref_squeeze %dma_wait3A_189 : memref<1x125xi32, #tpu.memory_space<vmem>> -> memref<125xi32, #tpu.memory_space<vmem>>
      %dma_wait3A_191 = arith.constant 0 : i32
      %dma_wait3A_192 = arith.constant 0 : i32
      %dma_wait3A_193 = tpu.memref_slice %arg2[%dma_wait3A_191, %dma_wait3A_192] : memref<10000x64xf32, #tpu.memory_space<hbm>> -> memref<10000x64xf32, #tpu.memory_space<hbm>>
      tpu.wait_indirect_dma semaphore(%arg11 : memref<!tpu.dma_semaphore, #tpu.memory_space<semaphore_mem>>) src(%dma_wait3A_193 : memref<10000x64xf32, #tpu.memory_space<hbm>>) dst(%dma_wait3A_187 : memref<125x64xf32, #tpu.memory_space<vmem>>)
      %dma_start3A_194 = arith.constant 1 : i32
      %dma_start3A_195 = arith.constant 0 : i32
      %dma_start3A_196 = arith.constant 0 : i32
      %dma_start3A_197 = tpu.memref_slice %arg7[%dma_start3A_194, %dma_start3A_195, %dma_start3A_196] : memref<5x125x64xf32, #tpu.memory_space<vmem>> -> memref<1x125x64xf32, #tpu.memory_space<vmem>>
      %dma_start3A_198 = tpu.memref_squeeze %dma_start3A_197 : memref<1x125x64xf32, #tpu.memory_space<vmem>> -> memref<125x64xf32, #tpu.memory_space<vmem>>
      %dma_start3A_199 = arith.constant 0 : i32
      %dma_start3A_200 = tpu.memref_slice %arg6[%add3A_182, %dma_start3A_199] : memref<80x125xi32, #tpu.memory_space<vmem>> -> memref<1x125xi32, #tpu.memory_space<vmem>>
      %dma_start3A_201 = tpu.memref_squeeze %dma_start3A_200 : memref<1x125xi32, #tpu.memory_space<vmem>> -> memref<125xi32, #tpu.memory_space<vmem>>
      %dma_start3A_202 = arith.constant 0 : i32
      %dma_start3A_203 = arith.constant 0 : i32
      %dma_start3A_204 = tpu.memref_slice %arg9[%dma_start3A_202, %dma_start3A_203] : memref<10240x64xf32, #tpu.memory_space<vmem_shared>> -> memref<10240x64xf32, #tpu.memory_space<vmem_shared>>
      tpu.enqueue_indirect_dma source(%dma_start3A_198 : memref<125x64xf32, #tpu.memory_space<vmem>>) target(%dma_start3A_204 : memref<10240x64xf32, #tpu.memory_space<vmem_shared>>) offsets(%dma_start3A_201 : memref<125xi32, #tpu.memory_space<vmem>>) semaphore(%arg16 : memref<!tpu.dma_semaphore, #tpu.memory_space<semaphore_mem>>) {add = true}
      %mul3A_205 = arith.constant 5 : i32
      %mul3A_206 = arith.muli %scan3A_152, %mul3A_205 : i32
      %add3A_207 = arith.constant 2 : i32
      %add3A_208 = arith.addi %mul3A_206, %add3A_207 : i32
      %dma_wait3A_209 = arith.constant 2 : i32
      %dma_wait3A_210 = arith.constant 0 : i32
      %dma_wait3A_211 = arith.constant 0 : i32
      %dma_wait3A_212 = tpu.memref_slice %arg7[%dma_wait3A_209, %dma_wait3A_210, %dma_wait3A_211] : memref<5x125x64xf32, #tpu.memory_space<vmem>> -> memref<1x125x64xf32, #tpu.memory_space<vmem>>
      %dma_wait3A_213 = tpu.memref_squeeze %dma_wait3A_212 : memref<1x125x64xf32, #tpu.memory_space<vmem>> -> memref<125x64xf32, #tpu.memory_space<vmem>>
      %dma_wait3A_214 = arith.constant 0 : i32
      %dma_wait3A_215 = tpu.memref_slice %arg5[%add3A_208, %dma_wait3A_214] : memref<80x125xi32, #tpu.memory_space<vmem>> -> memref<1x125xi32, #tpu.memory_space<vmem>>
      %dma_wait3A_216 = tpu.memref_squeeze %dma_wait3A_215 : memref<1x125xi32, #tpu.memory_space<vmem>> -> memref<125xi32, #tpu.memory_space<vmem>>
      %dma_wait3A_217 = arith.constant 0 : i32
      %dma_wait3A_218 = arith.constant 0 : i32
      %dma_wait3A_219 = tpu.memref_slice %arg2[%dma_wait3A_217, %dma_wait3A_218] : memref<10000x64xf32, #tpu.memory_space<hbm>> -> memref<10000x64xf32, #tpu.memory_space<hbm>>
      tpu.wait_indirect_dma semaphore(%arg12 : memref<!tpu.dma_semaphore, #tpu.memory_space<semaphore_mem>>) src(%dma_wait3A_219 : memref<10000x64xf32, #tpu.memory_space<hbm>>) dst(%dma_wait3A_213 : memref<125x64xf32, #tpu.memory_space<vmem>>)
      %dma_start3A_220 = arith.constant 2 : i32
      %dma_start3A_221 = arith.constant 0 : i32
      %dma_start3A_222 = arith.constant 0 : i32
      %dma_start3A_223 = tpu.memref_slice %arg7[%dma_start3A_220, %dma_start3A_221, %dma_start3A_222] : memref<5x125x64xf32, #tpu.memory_space<vmem>> -> memref<1x125x64xf32, #tpu.memory_space<vmem>>
      %dma_start3A_224 = tpu.memref_squeeze %dma_start3A_223 : memref<1x125x64xf32, #tpu.memory_space<vmem>> -> memref<125x64xf32, #tpu.memory_space<vmem>>
      %dma_start3A_225 = arith.constant 0 : i32
      %dma_start3A_226 = tpu.memref_slice %arg6[%add3A_208, %dma_start3A_225] : memref<80x125xi32, #tpu.memory_space<vmem>> -> memref<1x125xi32, #tpu.memory_space<vmem>>
      %dma_start3A_227 = tpu.memref_squeeze %dma_start3A_226 : memref<1x125xi32, #tpu.memory_space<vmem>> -> memref<125xi32, #tpu.memory_space<vmem>>
      %dma_start3A_228 = arith.constant 0 : i32
      %dma_start3A_229 = arith.constant 0 : i32
      %dma_start3A_230 = tpu.memref_slice %arg9[%dma_start3A_228, %dma_start3A_229] : memref<10240x64xf32, #tpu.memory_space<vmem_shared>> -> memref<10240x64xf32, #tpu.memory_space<vmem_shared>>
      tpu.enqueue_indirect_dma source(%dma_start3A_224 : memref<125x64xf32, #tpu.memory_space<vmem>>) target(%dma_start3A_230 : memref<10240x64xf32, #tpu.memory_space<vmem_shared>>) offsets(%dma_start3A_227 : memref<125xi32, #tpu.memory_space<vmem>>) semaphore(%arg17 : memref<!tpu.dma_semaphore, #tpu.memory_space<semaphore_mem>>) {add = true}
      %mul3A_231 = arith.constant 5 : i32
      %mul3A_232 = arith.muli %scan3A_152, %mul3A_231 : i32
      %add3A_233 = arith.constant 3 : i32
      %add3A_234 = arith.addi %mul3A_232, %add3A_233 : i32
      %dma_wait3A_235 = arith.constant 3 : i32
      %dma_wait3A_236 = arith.constant 0 : i32
      %dma_wait3A_237 = arith.constant 0 : i32
      %dma_wait3A_238 = tpu.memref_slice %arg7[%dma_wait3A_235, %dma_wait3A_236, %dma_wait3A_237] : memref<5x125x64xf32, #tpu.memory_space<vmem>> -> memref<1x125x64xf32, #tpu.memory_space<vmem>>
      %dma_wait3A_239 = tpu.memref_squeeze %dma_wait3A_238 : memref<1x125x64xf32, #tpu.memory_space<vmem>> -> memref<125x64xf32, #tpu.memory_space<vmem>>
      %dma_wait3A_240 = arith.constant 0 : i32
      %dma_wait3A_241 = tpu.memref_slice %arg5[%add3A_234, %dma_wait3A_240] : memref<80x125xi32, #tpu.memory_space<vmem>> -> memref<1x125xi32, #tpu.memory_space<vmem>>
      %dma_wait3A_242 = tpu.memref_squeeze %dma_wait3A_241 : memref<1x125xi32, #tpu.memory_space<vmem>> -> memref<125xi32, #tpu.memory_space<vmem>>
      %dma_wait3A_243 = arith.constant 0 : i32
      %dma_wait3A_244 = arith.constant 0 : i32
      %dma_wait3A_245 = tpu.memref_slice %arg2[%dma_wait3A_243, %dma_wait3A_244] : memref<10000x64xf32, #tpu.memory_space<hbm>> -> memref<10000x64xf32, #tpu.memory_space<hbm>>
      tpu.wait_indirect_dma semaphore(%arg13 : memref<!tpu.dma_semaphore, #tpu.memory_space<semaphore_mem>>) src(%dma_wait3A_245 : memref<10000x64xf32, #tpu.memory_space<hbm>>) dst(%dma_wait3A_239 : memref<125x64xf32, #tpu.memory_space<vmem>>)
      %dma_start3A_246 = arith.constant 3 : i32
      %dma_start3A_247 = arith.constant 0 : i32
      %dma_start3A_248 = arith.constant 0 : i32
      %dma_start3A_249 = tpu.memref_slice %arg7[%dma_start3A_246, %dma_start3A_247, %dma_start3A_248] : memref<5x125x64xf32, #tpu.memory_space<vmem>> -> memref<1x125x64xf32, #tpu.memory_space<vmem>>
      %dma_start3A_250 = tpu.memref_squeeze %dma_start3A_249 : memref<1x125x64xf32, #tpu.memory_space<vmem>> -> memref<125x64xf32, #tpu.memory_space<vmem>>
      %dma_start3A_251 = arith.constant 0 : i32
      %dma_start3A_252 = tpu.memref_slice %arg6[%add3A_234, %dma_start3A_251] : memref<80x125xi32, #tpu.memory_space<vmem>> -> memref<1x125xi32, #tpu.memory_space<vmem>>
      %dma_start3A_253 = tpu.memref_squeeze %dma_start3A_252 : memref<1x125xi32, #tpu.memory_space<vmem>> -> memref<125xi32, #tpu.memory_space<vmem>>
      %dma_start3A_254 = arith.constant 0 : i32
      %dma_start3A_255 = arith.constant 0 : i32
      %dma_start3A_256 = tpu.memref_slice %arg9[%dma_start3A_254, %dma_start3A_255] : memref<10240x64xf32, #tpu.memory_space<vmem_shared>> -> memref<10240x64xf32, #tpu.memory_space<vmem_shared>>
      tpu.enqueue_indirect_dma source(%dma_start3A_250 : memref<125x64xf32, #tpu.memory_space<vmem>>) target(%dma_start3A_256 : memref<10240x64xf32, #tpu.memory_space<vmem_shared>>) offsets(%dma_start3A_253 : memref<125xi32, #tpu.memory_space<vmem>>) semaphore(%arg18 : memref<!tpu.dma_semaphore, #tpu.memory_space<semaphore_mem>>) {add = true}
      %mul3A_257 = arith.constant 5 : i32
      %mul3A_258 = arith.muli %scan3A_152, %mul3A_257 : i32
      %add3A_259 = arith.constant 4 : i32
      %add3A_260 = arith.addi %mul3A_258, %add3A_259 : i32
      %dma_wait3A_261 = arith.constant 4 : i32
      %dma_wait3A_262 = arith.constant 0 : i32
      %dma_wait3A_263 = arith.constant 0 : i32
      %dma_wait3A_264 = tpu.memref_slice %arg7[%dma_wait3A_261, %dma_wait3A_262, %dma_wait3A_263] : memref<5x125x64xf32, #tpu.memory_space<vmem>> -> memref<1x125x64xf32, #tpu.memory_space<vmem>>
      %dma_wait3A_265 = tpu.memref_squeeze %dma_wait3A_264 : memref<1x125x64xf32, #tpu.memory_space<vmem>> -> memref<125x64xf32, #tpu.memory_space<vmem>>
      %dma_wait3A_266 = arith.constant 0 : i32
      %dma_wait3A_267 = tpu.memref_slice %arg5[%add3A_260, %dma_wait3A_266] : memref<80x125xi32, #tpu.memory_space<vmem>> -> memref<1x125xi32, #tpu.memory_space<vmem>>
      %dma_wait3A_268 = tpu.memref_squeeze %dma_wait3A_267 : memref<1x125xi32, #tpu.memory_space<vmem>> -> memref<125xi32, #tpu.memory_space<vmem>>
      %dma_wait3A_269 = arith.constant 0 : i32
      %dma_wait3A_270 = arith.constant 0 : i32
      %dma_wait3A_271 = tpu.memref_slice %arg2[%dma_wait3A_269, %dma_wait3A_270] : memref<10000x64xf32, #tpu.memory_space<hbm>> -> memref<10000x64xf32, #tpu.memory_space<hbm>>
      tpu.wait_indirect_dma semaphore(%arg14 : memref<!tpu.dma_semaphore, #tpu.memory_space<semaphore_mem>>) src(%dma_wait3A_271 : memref<10000x64xf32, #tpu.memory_space<hbm>>) dst(%dma_wait3A_265 : memref<125x64xf32, #tpu.memory_space<vmem>>)
      %dma_start3A_272 = arith.constant 4 : i32
      %dma_start3A_273 = arith.constant 0 : i32
      %dma_start3A_274 = arith.constant 0 : i32
      %dma_start3A_275 = tpu.memref_slice %arg7[%dma_start3A_272, %dma_start3A_273, %dma_start3A_274] : memref<5x125x64xf32, #tpu.memory_space<vmem>> -> memref<1x125x64xf32, #tpu.memory_space<vmem>>
      %dma_start3A_276 = tpu.memref_squeeze %dma_start3A_275 : memref<1x125x64xf32, #tpu.memory_space<vmem>> -> memref<125x64xf32, #tpu.memory_space<vmem>>
      %dma_start3A_277 = arith.constant 0 : i32
      %dma_start3A_278 = tpu.memref_slice %arg6[%add3A_260, %dma_start3A_277] : memref<80x125xi32, #tpu.memory_space<vmem>> -> memref<1x125xi32, #tpu.memory_space<vmem>>
      %dma_start3A_279 = tpu.memref_squeeze %dma_start3A_278 : memref<1x125xi32, #tpu.memory_space<vmem>> -> memref<125xi32, #tpu.memory_space<vmem>>
      %dma_start3A_280 = arith.constant 0 : i32
      %dma_start3A_281 = arith.constant 0 : i32
      %dma_start3A_282 = tpu.memref_slice %arg9[%dma_start3A_280, %dma_start3A_281] : memref<10240x64xf32, #tpu.memory_space<vmem_shared>> -> memref<10240x64xf32, #tpu.memory_space<vmem_shared>>
      tpu.enqueue_indirect_dma source(%dma_start3A_276 : memref<125x64xf32, #tpu.memory_space<vmem>>) target(%dma_start3A_282 : memref<10240x64xf32, #tpu.memory_space<vmem_shared>>) offsets(%dma_start3A_279 : memref<125xi32, #tpu.memory_space<vmem>>) semaphore(%arg19 : memref<!tpu.dma_semaphore, #tpu.memory_space<semaphore_mem>>) {add = true}
      %lt3A = arith.constant 15 : i32
      %lt3A_283 = arith.cmpi slt, %scan3A_152, %lt3A : i32
      %convert_element_type3A = arith.extui %lt3A_283 : i1 to i32
      %cond3A = arith.constant 0 : i32
      %cond3A_284 = arith.constant 1 : i32
      %cond3A_285 = arith.constant 2 : i32
      %cond3A_286 = arith.constant 3 : i32
      %cond3A_287 = arith.constant 4 : i32
      %cond3A_288 = arith.constant 0 : i32
      %cond3A_289 = arith.cmpi ne, %convert_element_type3A, %cond3A_288 : i32
      scf.if %cond3A_289 {
        %dma_wait3A_290 = arith.constant 0 : i32
        %dma_wait3A_291 = arith.constant 0 : i32
        %dma_wait3A_292 = tpu.memref_slice %arg7[%cond3A, %dma_wait3A_290, %dma_wait3A_291] : memref<5x125x64xf32, #tpu.memory_space<vmem>> -> memref<1x125x64xf32, #tpu.memory_space<vmem>>
        %dma_wait3A_293 = tpu.memref_squeeze %dma_wait3A_292 : memref<1x125x64xf32, #tpu.memory_space<vmem>> -> memref<125x64xf32, #tpu.memory_space<vmem>>
        %dma_wait3A_294 = arith.constant 0 : i32
        %dma_wait3A_295 = tpu.memref_slice %arg6[%add3A_156, %dma_wait3A_294] : memref<80x125xi32, #tpu.memory_space<vmem>> -> memref<1x125xi32, #tpu.memory_space<vmem>>
        %dma_wait3A_296 = tpu.memref_squeeze %dma_wait3A_295 : memref<1x125xi32, #tpu.memory_space<vmem>> -> memref<125xi32, #tpu.memory_space<vmem>>
        %dma_wait3A_297 = arith.constant 0 : i32
        %dma_wait3A_298 = arith.constant 0 : i32
        %dma_wait3A_299 = tpu.memref_slice %arg9[%dma_wait3A_297, %dma_wait3A_298] : memref<10240x64xf32, #tpu.memory_space<vmem_shared>> -> memref<10240x64xf32, #tpu.memory_space<vmem_shared>>
        tpu.wait_indirect_dma semaphore(%arg15 : memref<!tpu.dma_semaphore, #tpu.memory_space<semaphore_mem>>) src(%dma_wait3A_293 : memref<125x64xf32, #tpu.memory_space<vmem>>) dst(%dma_wait3A_299 : memref<10240x64xf32, #tpu.memory_space<vmem_shared>>)
        %add3A_300 = arith.constant 1 : i32
        %add3A_301 = arith.addi %scan3A_152, %add3A_300 : i32
        %mul3A_302 = arith.constant 5 : i32
        %mul3A_303 = arith.muli %add3A_301, %mul3A_302 : i32
        %add3A_304 = arith.constant 0 : i32
        %add3A_305 = arith.addi %mul3A_303, %add3A_304 : i32
        %dma_start3A_306 = arith.constant 0 : i32
        %dma_start3A_307 = arith.constant 0 : i32
        %dma_start3A_308 = arith.constant 0 : i32
        %dma_start3A_309 = tpu.memref_slice %arg7[%dma_start3A_306, %dma_start3A_307, %dma_start3A_308] : memref<5x125x64xf32, #tpu.memory_space<vmem>> -> memref<1x125x64xf32, #tpu.memory_space<vmem>>
        %dma_start3A_310 = tpu.memref_squeeze %dma_start3A_309 : memref<1x125x64xf32, #tpu.memory_space<vmem>> -> memref<125x64xf32, #tpu.memory_space<vmem>>
        %dma_start3A_311 = arith.constant 0 : i32
        %dma_start3A_312 = tpu.memref_slice %arg5[%add3A_305, %dma_start3A_311] : memref<80x125xi32, #tpu.memory_space<vmem>> -> memref<1x125xi32, #tpu.memory_space<vmem>>
        %dma_start3A_313 = tpu.memref_squeeze %dma_start3A_312 : memref<1x125xi32, #tpu.memory_space<vmem>> -> memref<125xi32, #tpu.memory_space<vmem>>
        %dma_start3A_314 = arith.constant 0 : i32
        %dma_start3A_315 = arith.constant 0 : i32
        %dma_start3A_316 = tpu.memref_slice %arg2[%dma_start3A_314, %dma_start3A_315] : memref<10000x64xf32, #tpu.memory_space<hbm>> -> memref<10000x64xf32, #tpu.memory_space<hbm>>
        tpu.enqueue_indirect_dma source(%dma_start3A_316 : memref<10000x64xf32, #tpu.memory_space<hbm>>) target(%dma_start3A_310 : memref<125x64xf32, #tpu.memory_space<vmem>>) offsets(%dma_start3A_313 : memref<125xi32, #tpu.memory_space<vmem>>) semaphore(%arg10 : memref<!tpu.dma_semaphore, #tpu.memory_space<semaphore_mem>>)
        %dma_wait3A_317 = arith.constant 0 : i32
        %dma_wait3A_318 = arith.constant 0 : i32
        %dma_wait3A_319 = tpu.memref_slice %arg7[%cond3A_284, %dma_wait3A_317, %dma_wait3A_318] : memref<5x125x64xf32, #tpu.memory_space<vmem>> -> memref<1x125x64xf32, #tpu.memory_space<vmem>>
        %dma_wait3A_320 = tpu.memref_squeeze %dma_wait3A_319 : memref<1x125x64xf32, #tpu.memory_space<vmem>> -> memref<125x64xf32, #tpu.memory_space<vmem>>
        %dma_wait3A_321 = arith.constant 0 : i32
        %dma_wait3A_322 = tpu.memref_slice %arg6[%add3A_182, %dma_wait3A_321] : memref<80x125xi32, #tpu.memory_space<vmem>> -> memref<1x125xi32, #tpu.memory_space<vmem>>
        %dma_wait3A_323 = tpu.memref_squeeze %dma_wait3A_322 : memref<1x125xi32, #tpu.memory_space<vmem>> -> memref<125xi32, #tpu.memory_space<vmem>>
        %dma_wait3A_324 = arith.constant 0 : i32
        %dma_wait3A_325 = arith.constant 0 : i32
        %dma_wait3A_326 = tpu.memref_slice %arg9[%dma_wait3A_324, %dma_wait3A_325] : memref<10240x64xf32, #tpu.memory_space<vmem_shared>> -> memref<10240x64xf32, #tpu.memory_space<vmem_shared>>
        tpu.wait_indirect_dma semaphore(%arg16 : memref<!tpu.dma_semaphore, #tpu.memory_space<semaphore_mem>>) src(%dma_wait3A_320 : memref<125x64xf32, #tpu.memory_space<vmem>>) dst(%dma_wait3A_326 : memref<10240x64xf32, #tpu.memory_space<vmem_shared>>)
        %add3A_327 = arith.constant 1 : i32
        %add3A_328 = arith.addi %scan3A_152, %add3A_327 : i32
        %mul3A_329 = arith.constant 5 : i32
        %mul3A_330 = arith.muli %add3A_328, %mul3A_329 : i32
        %add3A_331 = arith.constant 1 : i32
        %add3A_332 = arith.addi %mul3A_330, %add3A_331 : i32
        %dma_start3A_333 = arith.constant 1 : i32
        %dma_start3A_334 = arith.constant 0 : i32
        %dma_start3A_335 = arith.constant 0 : i32
        %dma_start3A_336 = tpu.memref_slice %arg7[%dma_start3A_333, %dma_start3A_334, %dma_start3A_335] : memref<5x125x64xf32, #tpu.memory_space<vmem>> -> memref<1x125x64xf32, #tpu.memory_space<vmem>>
        %dma_start3A_337 = tpu.memref_squeeze %dma_start3A_336 : memref<1x125x64xf32, #tpu.memory_space<vmem>> -> memref<125x64xf32, #tpu.memory_space<vmem>>
        %dma_start3A_338 = arith.constant 0 : i32
        %dma_start3A_339 = tpu.memref_slice %arg5[%add3A_332, %dma_start3A_338] : memref<80x125xi32, #tpu.memory_space<vmem>> -> memref<1x125xi32, #tpu.memory_space<vmem>>
        %dma_start3A_340 = tpu.memref_squeeze %dma_start3A_339 : memref<1x125xi32, #tpu.memory_space<vmem>> -> memref<125xi32, #tpu.memory_space<vmem>>
        %dma_start3A_341 = arith.constant 0 : i32
        %dma_start3A_342 = arith.constant 0 : i32
        %dma_start3A_343 = tpu.memref_slice %arg2[%dma_start3A_341, %dma_start3A_342] : memref<10000x64xf32, #tpu.memory_space<hbm>> -> memref<10000x64xf32, #tpu.memory_space<hbm>>
        tpu.enqueue_indirect_dma source(%dma_start3A_343 : memref<10000x64xf32, #tpu.memory_space<hbm>>) target(%dma_start3A_337 : memref<125x64xf32, #tpu.memory_space<vmem>>) offsets(%dma_start3A_340 : memref<125xi32, #tpu.memory_space<vmem>>) semaphore(%arg11 : memref<!tpu.dma_semaphore, #tpu.memory_space<semaphore_mem>>)
        %dma_wait3A_344 = arith.constant 0 : i32
        %dma_wait3A_345 = arith.constant 0 : i32
        %dma_wait3A_346 = tpu.memref_slice %arg7[%cond3A_285, %dma_wait3A_344, %dma_wait3A_345] : memref<5x125x64xf32, #tpu.memory_space<vmem>> -> memref<1x125x64xf32, #tpu.memory_space<vmem>>
        %dma_wait3A_347 = tpu.memref_squeeze %dma_wait3A_346 : memref<1x125x64xf32, #tpu.memory_space<vmem>> -> memref<125x64xf32, #tpu.memory_space<vmem>>
        %dma_wait3A_348 = arith.constant 0 : i32
        %dma_wait3A_349 = tpu.memref_slice %arg6[%add3A_208, %dma_wait3A_348] : memref<80x125xi32, #tpu.memory_space<vmem>> -> memref<1x125xi32, #tpu.memory_space<vmem>>
        %dma_wait3A_350 = tpu.memref_squeeze %dma_wait3A_349 : memref<1x125xi32, #tpu.memory_space<vmem>> -> memref<125xi32, #tpu.memory_space<vmem>>
        %dma_wait3A_351 = arith.constant 0 : i32
        %dma_wait3A_352 = arith.constant 0 : i32
        %dma_wait3A_353 = tpu.memref_slice %arg9[%dma_wait3A_351, %dma_wait3A_352] : memref<10240x64xf32, #tpu.memory_space<vmem_shared>> -> memref<10240x64xf32, #tpu.memory_space<vmem_shared>>
        tpu.wait_indirect_dma semaphore(%arg17 : memref<!tpu.dma_semaphore, #tpu.memory_space<semaphore_mem>>) src(%dma_wait3A_347 : memref<125x64xf32, #tpu.memory_space<vmem>>) dst(%dma_wait3A_353 : memref<10240x64xf32, #tpu.memory_space<vmem_shared>>)
        %add3A_354 = arith.constant 1 : i32
        %add3A_355 = arith.addi %scan3A_152, %add3A_354 : i32
        %mul3A_356 = arith.constant 5 : i32
        %mul3A_357 = arith.muli %add3A_355, %mul3A_356 : i32
        %add3A_358 = arith.constant 2 : i32
        %add3A_359 = arith.addi %mul3A_357, %add3A_358 : i32
        %dma_start3A_360 = arith.constant 2 : i32
        %dma_start3A_361 = arith.constant 0 : i32
        %dma_start3A_362 = arith.constant 0 : i32
        %dma_start3A_363 = tpu.memref_slice %arg7[%dma_start3A_360, %dma_start3A_361, %dma_start3A_362] : memref<5x125x64xf32, #tpu.memory_space<vmem>> -> memref<1x125x64xf32, #tpu.memory_space<vmem>>
        %dma_start3A_364 = tpu.memref_squeeze %dma_start3A_363 : memref<1x125x64xf32, #tpu.memory_space<vmem>> -> memref<125x64xf32, #tpu.memory_space<vmem>>
        %dma_start3A_365 = arith.constant 0 : i32
        %dma_start3A_366 = tpu.memref_slice %arg5[%add3A_359, %dma_start3A_365] : memref<80x125xi32, #tpu.memory_space<vmem>> -> memref<1x125xi32, #tpu.memory_space<vmem>>
        %dma_start3A_367 = tpu.memref_squeeze %dma_start3A_366 : memref<1x125xi32, #tpu.memory_space<vmem>> -> memref<125xi32, #tpu.memory_space<vmem>>
        %dma_start3A_368 = arith.constant 0 : i32
        %dma_start3A_369 = arith.constant 0 : i32
        %dma_start3A_370 = tpu.memref_slice %arg2[%dma_start3A_368, %dma_start3A_369] : memref<10000x64xf32, #tpu.memory_space<hbm>> -> memref<10000x64xf32, #tpu.memory_space<hbm>>
        tpu.enqueue_indirect_dma source(%dma_start3A_370 : memref<10000x64xf32, #tpu.memory_space<hbm>>) target(%dma_start3A_364 : memref<125x64xf32, #tpu.memory_space<vmem>>) offsets(%dma_start3A_367 : memref<125xi32, #tpu.memory_space<vmem>>) semaphore(%arg12 : memref<!tpu.dma_semaphore, #tpu.memory_space<semaphore_mem>>)
        %dma_wait3A_371 = arith.constant 0 : i32
        %dma_wait3A_372 = arith.constant 0 : i32
        %dma_wait3A_373 = tpu.memref_slice %arg7[%cond3A_286, %dma_wait3A_371, %dma_wait3A_372] : memref<5x125x64xf32, #tpu.memory_space<vmem>> -> memref<1x125x64xf32, #tpu.memory_space<vmem>>
        %dma_wait3A_374 = tpu.memref_squeeze %dma_wait3A_373 : memref<1x125x64xf32, #tpu.memory_space<vmem>> -> memref<125x64xf32, #tpu.memory_space<vmem>>
        %dma_wait3A_375 = arith.constant 0 : i32
        %dma_wait3A_376 = tpu.memref_slice %arg6[%add3A_234, %dma_wait3A_375] : memref<80x125xi32, #tpu.memory_space<vmem>> -> memref<1x125xi32, #tpu.memory_space<vmem>>
        %dma_wait3A_377 = tpu.memref_squeeze %dma_wait3A_376 : memref<1x125xi32, #tpu.memory_space<vmem>> -> memref<125xi32, #tpu.memory_space<vmem>>
        %dma_wait3A_378 = arith.constant 0 : i32
        %dma_wait3A_379 = arith.constant 0 : i32
        %dma_wait3A_380 = tpu.memref_slice %arg9[%dma_wait3A_378, %dma_wait3A_379] : memref<10240x64xf32, #tpu.memory_space<vmem_shared>> -> memref<10240x64xf32, #tpu.memory_space<vmem_shared>>
        tpu.wait_indirect_dma semaphore(%arg18 : memref<!tpu.dma_semaphore, #tpu.memory_space<semaphore_mem>>) src(%dma_wait3A_374 : memref<125x64xf32, #tpu.memory_space<vmem>>) dst(%dma_wait3A_380 : memref<10240x64xf32, #tpu.memory_space<vmem_shared>>)
        %add3A_381 = arith.constant 1 : i32
        %add3A_382 = arith.addi %scan3A_152, %add3A_381 : i32
        %mul3A_383 = arith.constant 5 : i32
        %mul3A_384 = arith.muli %add3A_382, %mul3A_383 : i32
        %add3A_385 = arith.constant 3 : i32
        %add3A_386 = arith.addi %mul3A_384, %add3A_385 : i32
        %dma_start3A_387 = arith.constant 3 : i32
        %dma_start3A_388 = arith.constant 0 : i32
        %dma_start3A_389 = arith.constant 0 : i32
        %dma_start3A_390 = tpu.memref_slice %arg7[%dma_start3A_387, %dma_start3A_388, %dma_start3A_389] : memref<5x125x64xf32, #tpu.memory_space<vmem>> -> memref<1x125x64xf32, #tpu.memory_space<vmem>>
        %dma_start3A_391 = tpu.memref_squeeze %dma_start3A_390 : memref<1x125x64xf32, #tpu.memory_space<vmem>> -> memref<125x64xf32, #tpu.memory_space<vmem>>
        %dma_start3A_392 = arith.constant 0 : i32
        %dma_start3A_393 = tpu.memref_slice %arg5[%add3A_386, %dma_start3A_392] : memref<80x125xi32, #tpu.memory_space<vmem>> -> memref<1x125xi32, #tpu.memory_space<vmem>>
        %dma_start3A_394 = tpu.memref_squeeze %dma_start3A_393 : memref<1x125xi32, #tpu.memory_space<vmem>> -> memref<125xi32, #tpu.memory_space<vmem>>
        %dma_start3A_395 = arith.constant 0 : i32
        %dma_start3A_396 = arith.constant 0 : i32
        %dma_start3A_397 = tpu.memref_slice %arg2[%dma_start3A_395, %dma_start3A_396] : memref<10000x64xf32, #tpu.memory_space<hbm>> -> memref<10000x64xf32, #tpu.memory_space<hbm>>
        tpu.enqueue_indirect_dma source(%dma_start3A_397 : memref<10000x64xf32, #tpu.memory_space<hbm>>) target(%dma_start3A_391 : memref<125x64xf32, #tpu.memory_space<vmem>>) offsets(%dma_start3A_394 : memref<125xi32, #tpu.memory_space<vmem>>) semaphore(%arg13 : memref<!tpu.dma_semaphore, #tpu.memory_space<semaphore_mem>>)
        %dma_wait3A_398 = arith.constant 0 : i32
        %dma_wait3A_399 = arith.constant 0 : i32
        %dma_wait3A_400 = tpu.memref_slice %arg7[%cond3A_287, %dma_wait3A_398, %dma_wait3A_399] : memref<5x125x64xf32, #tpu.memory_space<vmem>> -> memref<1x125x64xf32, #tpu.memory_space<vmem>>
        %dma_wait3A_401 = tpu.memref_squeeze %dma_wait3A_400 : memref<1x125x64xf32, #tpu.memory_space<vmem>> -> memref<125x64xf32, #tpu.memory_space<vmem>>
        %dma_wait3A_402 = arith.constant 0 : i32
        %dma_wait3A_403 = tpu.memref_slice %arg6[%add3A_260, %dma_wait3A_402] : memref<80x125xi32, #tpu.memory_space<vmem>> -> memref<1x125xi32, #tpu.memory_space<vmem>>
        %dma_wait3A_404 = tpu.memref_squeeze %dma_wait3A_403 : memref<1x125xi32, #tpu.memory_space<vmem>> -> memref<125xi32, #tpu.memory_space<vmem>>
        %dma_wait3A_405 = arith.constant 0 : i32
        %dma_wait3A_406 = arith.constant 0 : i32
        %dma_wait3A_407 = tpu.memref_slice %arg9[%dma_wait3A_405, %dma_wait3A_406] : memref<10240x64xf32, #tpu.memory_space<vmem_shared>> -> memref<10240x64xf32, #tpu.memory_space<vmem_shared>>
        tpu.wait_indirect_dma semaphore(%arg19 : memref<!tpu.dma_semaphore, #tpu.memory_space<semaphore_mem>>) src(%dma_wait3A_401 : memref<125x64xf32, #tpu.memory_space<vmem>>) dst(%dma_wait3A_407 : memref<10240x64xf32, #tpu.memory_space<vmem_shared>>)
        %add3A_408 = arith.constant 1 : i32
        %add3A_409 = arith.addi %scan3A_152, %add3A_408 : i32
        %mul3A_410 = arith.constant 5 : i32
        %mul3A_411 = arith.muli %add3A_409, %mul3A_410 : i32
        %add3A_412 = arith.constant 4 : i32
        %add3A_413 = arith.addi %mul3A_411, %add3A_412 : i32
        %dma_start3A_414 = arith.constant 4 : i32
        %dma_start3A_415 = arith.constant 0 : i32
        %dma_start3A_416 = arith.constant 0 : i32
        %dma_start3A_417 = tpu.memref_slice %arg7[%dma_start3A_414, %dma_start3A_415, %dma_start3A_416] : memref<5x125x64xf32, #tpu.memory_space<vmem>> -> memref<1x125x64xf32, #tpu.memory_space<vmem>>
        %dma_start3A_418 = tpu.memref_squeeze %dma_start3A_417 : memref<1x125x64xf32, #tpu.memory_space<vmem>> -> memref<125x64xf32, #tpu.memory_space<vmem>>
        %dma_start3A_419 = arith.constant 0 : i32
        %dma_start3A_420 = tpu.memref_slice %arg5[%add3A_413, %dma_start3A_419] : memref<80x125xi32, #tpu.memory_space<vmem>> -> memref<1x125xi32, #tpu.memory_space<vmem>>
        %dma_start3A_421 = tpu.memref_squeeze %dma_start3A_420 : memref<1x125xi32, #tpu.memory_space<vmem>> -> memref<125xi32, #tpu.memory_space<vmem>>
        %dma_start3A_422 = arith.constant 0 : i32
        %dma_start3A_423 = arith.constant 0 : i32
        %dma_start3A_424 = tpu.memref_slice %arg2[%dma_start3A_422, %dma_start3A_423] : memref<10000x64xf32, #tpu.memory_space<hbm>> -> memref<10000x64xf32, #tpu.memory_space<hbm>>
        tpu.enqueue_indirect_dma source(%dma_start3A_424 : memref<10000x64xf32, #tpu.memory_space<hbm>>) target(%dma_start3A_418 : memref<125x64xf32, #tpu.memory_space<vmem>>) offsets(%dma_start3A_421 : memref<125xi32, #tpu.memory_space<vmem>>) semaphore(%arg14 : memref<!tpu.dma_semaphore, #tpu.memory_space<semaphore_mem>>)
      } else {
      }
    }
    %scan3A_87 = arith.constant 16 : i32
    %dma_wait3A = arith.constant 0 : i32
    %dma_wait3A_88 = arith.constant 75 : i32
    %dma_wait3A_89 = arith.constant 0 : i32
    %dma_wait3A_90 = arith.constant 0 : i32
    %dma_wait3A_91 = tpu.memref_slice %arg7[%dma_wait3A, %dma_wait3A_89, %dma_wait3A_90] : memref<5x125x64xf32, #tpu.memory_space<vmem>> -> memref<1x125x64xf32, #tpu.memory_space<vmem>>
    %dma_wait3A_92 = tpu.memref_squeeze %dma_wait3A_91 : memref<1x125x64xf32, #tpu.memory_space<vmem>> -> memref<125x64xf32, #tpu.memory_space<vmem>>
    %dma_wait3A_93 = arith.constant 0 : i32
    %dma_wait3A_94 = tpu.memref_slice %arg6[%dma_wait3A_88, %dma_wait3A_93] : memref<80x125xi32, #tpu.memory_space<vmem>> -> memref<1x125xi32, #tpu.memory_space<vmem>>
    %dma_wait3A_95 = tpu.memref_squeeze %dma_wait3A_94 : memref<1x125xi32, #tpu.memory_space<vmem>> -> memref<125xi32, #tpu.memory_space<vmem>>
    %dma_wait3A_96 = arith.constant 0 : i32
    %dma_wait3A_97 = arith.constant 0 : i32
    %dma_wait3A_98 = tpu.memref_slice %arg9[%dma_wait3A_96, %dma_wait3A_97] : memref<10240x64xf32, #tpu.memory_space<vmem_shared>> -> memref<10240x64xf32, #tpu.memory_space<vmem_shared>>
    tpu.wait_indirect_dma semaphore(%arg15 : memref<!tpu.dma_semaphore, #tpu.memory_space<semaphore_mem>>) src(%dma_wait3A_92 : memref<125x64xf32, #tpu.memory_space<vmem>>) dst(%dma_wait3A_98 : memref<10240x64xf32, #tpu.memory_space<vmem_shared>>)
    %dma_wait3A_99 = arith.constant 1 : i32
    %dma_wait3A_100 = arith.constant 76 : i32
    %dma_wait3A_101 = arith.constant 0 : i32
    %dma_wait3A_102 = arith.constant 0 : i32
    %dma_wait3A_103 = tpu.memref_slice %arg7[%dma_wait3A_99, %dma_wait3A_101, %dma_wait3A_102] : memref<5x125x64xf32, #tpu.memory_space<vmem>> -> memref<1x125x64xf32, #tpu.memory_space<vmem>>
    %dma_wait3A_104 = tpu.memref_squeeze %dma_wait3A_103 : memref<1x125x64xf32, #tpu.memory_space<vmem>> -> memref<125x64xf32, #tpu.memory_space<vmem>>
    %dma_wait3A_105 = arith.constant 0 : i32
    %dma_wait3A_106 = tpu.memref_slice %arg6[%dma_wait3A_100, %dma_wait3A_105] : memref<80x125xi32, #tpu.memory_space<vmem>> -> memref<1x125xi32, #tpu.memory_space<vmem>>
    %dma_wait3A_107 = tpu.memref_squeeze %dma_wait3A_106 : memref<1x125xi32, #tpu.memory_space<vmem>> -> memref<125xi32, #tpu.memory_space<vmem>>
    %dma_wait3A_108 = arith.constant 0 : i32
    %dma_wait3A_109 = arith.constant 0 : i32
    %dma_wait3A_110 = tpu.memref_slice %arg9[%dma_wait3A_108, %dma_wait3A_109] : memref<10240x64xf32, #tpu.memory_space<vmem_shared>> -> memref<10240x64xf32, #tpu.memory_space<vmem_shared>>
    tpu.wait_indirect_dma semaphore(%arg16 : memref<!tpu.dma_semaphore, #tpu.memory_space<semaphore_mem>>) src(%dma_wait3A_104 : memref<125x64xf32, #tpu.memory_space<vmem>>) dst(%dma_wait3A_110 : memref<10240x64xf32, #tpu.memory_space<vmem_shared>>)
    %dma_wait3A_111 = arith.constant 2 : i32
    %dma_wait3A_112 = arith.constant 77 : i32
    %dma_wait3A_113 = arith.constant 0 : i32
    %dma_wait3A_114 = arith.constant 0 : i32
    %dma_wait3A_115 = tpu.memref_slice %arg7[%dma_wait3A_111, %dma_wait3A_113, %dma_wait3A_114] : memref<5x125x64xf32, #tpu.memory_space<vmem>> -> memref<1x125x64xf32, #tpu.memory_space<vmem>>
    %dma_wait3A_116 = tpu.memref_squeeze %dma_wait3A_115 : memref<1x125x64xf32, #tpu.memory_space<vmem>> -> memref<125x64xf32, #tpu.memory_space<vmem>>
    %dma_wait3A_117 = arith.constant 0 : i32
    %dma_wait3A_118 = tpu.memref_slice %arg6[%dma_wait3A_112, %dma_wait3A_117] : memref<80x125xi32, #tpu.memory_space<vmem>> -> memref<1x125xi32, #tpu.memory_space<vmem>>
    %dma_wait3A_119 = tpu.memref_squeeze %dma_wait3A_118 : memref<1x125xi32, #tpu.memory_space<vmem>> -> memref<125xi32, #tpu.memory_space<vmem>>
    %dma_wait3A_120 = arith.constant 0 : i32
    %dma_wait3A_121 = arith.constant 0 : i32
    %dma_wait3A_122 = tpu.memref_slice %arg9[%dma_wait3A_120, %dma_wait3A_121] : memref<10240x64xf32, #tpu.memory_space<vmem_shared>> -> memref<10240x64xf32, #tpu.memory_space<vmem_shared>>
    tpu.wait_indirect_dma semaphore(%arg17 : memref<!tpu.dma_semaphore, #tpu.memory_space<semaphore_mem>>) src(%dma_wait3A_116 : memref<125x64xf32, #tpu.memory_space<vmem>>) dst(%dma_wait3A_122 : memref<10240x64xf32, #tpu.memory_space<vmem_shared>>)
    %dma_wait3A_123 = arith.constant 3 : i32
    %dma_wait3A_124 = arith.constant 78 : i32
    %dma_wait3A_125 = arith.constant 0 : i32
    %dma_wait3A_126 = arith.constant 0 : i32
    %dma_wait3A_127 = tpu.memref_slice %arg7[%dma_wait3A_123, %dma_wait3A_125, %dma_wait3A_126] : memref<5x125x64xf32, #tpu.memory_space<vmem>> -> memref<1x125x64xf32, #tpu.memory_space<vmem>>
    %dma_wait3A_128 = tpu.memref_squeeze %dma_wait3A_127 : memref<1x125x64xf32, #tpu.memory_space<vmem>> -> memref<125x64xf32, #tpu.memory_space<vmem>>
    %dma_wait3A_129 = arith.constant 0 : i32
    %dma_wait3A_130 = tpu.memref_slice %arg6[%dma_wait3A_124, %dma_wait3A_129] : memref<80x125xi32, #tpu.memory_space<vmem>> -> memref<1x125xi32, #tpu.memory_space<vmem>>
    %dma_wait3A_131 = tpu.memref_squeeze %dma_wait3A_130 : memref<1x125xi32, #tpu.memory_space<vmem>> -> memref<125xi32, #tpu.memory_space<vmem>>
    %dma_wait3A_132 = arith.constant 0 : i32
    %dma_wait3A_133 = arith.constant 0 : i32
    %dma_wait3A_134 = tpu.memref_slice %arg9[%dma_wait3A_132, %dma_wait3A_133] : memref<10240x64xf32, #tpu.memory_space<vmem_shared>> -> memref<10240x64xf32, #tpu.memory_space<vmem_shared>>
    tpu.wait_indirect_dma semaphore(%arg18 : memref<!tpu.dma_semaphore, #tpu.memory_space<semaphore_mem>>) src(%dma_wait3A_128 : memref<125x64xf32, #tpu.memory_space<vmem>>) dst(%dma_wait3A_134 : memref<10240x64xf32, #tpu.memory_space<vmem_shared>>)
    %dma_wait3A_135 = arith.constant 4 : i32
    %dma_wait3A_136 = arith.constant 79 : i32
    %dma_wait3A_137 = arith.constant 0 : i32
    %dma_wait3A_138 = arith.constant 0 : i32
    %dma_wait3A_139 = tpu.memref_slice %arg7[%dma_wait3A_135, %dma_wait3A_137, %dma_wait3A_138] : memref<5x125x64xf32, #tpu.memory_space<vmem>> -> memref<1x125x64xf32, #tpu.memory_space<vmem>>
    %dma_wait3A_140 = tpu.memref_squeeze %dma_wait3A_139 : memref<1x125x64xf32, #tpu.memory_space<vmem>> -> memref<125x64xf32, #tpu.memory_space<vmem>>
    %dma_wait3A_141 = arith.constant 0 : i32
    %dma_wait3A_142 = tpu.memref_slice %arg6[%dma_wait3A_136, %dma_wait3A_141] : memref<80x125xi32, #tpu.memory_space<vmem>> -> memref<1x125xi32, #tpu.memory_space<vmem>>
    %dma_wait3A_143 = tpu.memref_squeeze %dma_wait3A_142 : memref<1x125xi32, #tpu.memory_space<vmem>> -> memref<125xi32, #tpu.memory_space<vmem>>
    %dma_wait3A_144 = arith.constant 0 : i32
    %dma_wait3A_145 = arith.constant 0 : i32
    %dma_wait3A_146 = tpu.memref_slice %arg9[%dma_wait3A_144, %dma_wait3A_145] : memref<10240x64xf32, #tpu.memory_space<vmem_shared>> -> memref<10240x64xf32, #tpu.memory_space<vmem_shared>>
    tpu.wait_indirect_dma semaphore(%arg19 : memref<!tpu.dma_semaphore, #tpu.memory_space<semaphore_mem>>) src(%dma_wait3A_140 : memref<125x64xf32, #tpu.memory_space<vmem>>) dst(%dma_wait3A_146 : memref<10240x64xf32, #tpu.memory_space<vmem_shared>>)
    %barrier3A_147 = arith.constant 0 : index
    tpu.barrier barrier_id(%barrier3A_147)
    %mul3A_148 = arith.constant 640 : i32
    %mul3A_149 = arith.muli %arg1, %mul3A_148 : i32
    %mul3A_150 = arith.constant 640 : i32
    %mul3A_151 = arith.muli %arg1, %mul3A_150 : i32
    "tpu.region"() ({
      %run_scoped3A_152 = tpu.sem_alloc : memref<!tpu.dma_semaphore, #tpu.memory_space<semaphore_mem>>
      %dma_start3A_153 = arith.constant 0 : i32
      %dma_start3A_154 = arith.constant 0 : i32
      %dma_start3A_155 = tpu.memref_slice %arg4[%arg0, %dma_start3A_153, %dma_start3A_154] : memref<2x10240x64xf32, #tpu.memory_space<hbm>> -> memref<1x10240x64xf32, #tpu.memory_space<hbm>>
      %dma_start3A_156 = tpu.memref_squeeze %dma_start3A_155 : memref<1x10240x64xf32, #tpu.memory_space<hbm>> -> memref<10240x64xf32, #tpu.memory_space<hbm>>
      %dma_start3A_157 = arith.constant 0 : i32
      %dma_start3A_158 = tpu.memref_slice %dma_start3A_156[%mul3A_151, %dma_start3A_157] : memref<10240x64xf32, #tpu.memory_space<hbm>> -> memref<640x64xf32, #tpu.memory_space<hbm>>
      %dma_start3A_159 = arith.constant 0 : i32
      %dma_start3A_160 = tpu.memref_slice %arg9[%mul3A_149, %dma_start3A_159] : memref<10240x64xf32, #tpu.memory_space<vmem_shared>> -> memref<640x64xf32, #tpu.memory_space<vmem_shared>>
      tpu.enqueue_dma source(%dma_start3A_160 : memref<640x64xf32, #tpu.memory_space<vmem_shared>>) target(%dma_start3A_158 : memref<640x64xf32, #tpu.memory_space<hbm>>) target_semaphore(%run_scoped3A_152 : memref<!tpu.dma_semaphore, #tpu.memory_space<semaphore_mem>>)
      %dma_wait3A_161 = arith.constant 0 : i32
      %dma_wait3A_162 = arith.constant 0 : i32
      %dma_wait3A_163 = tpu.memref_slice %arg4[%arg0, %dma_wait3A_161, %dma_wait3A_162] : memref<2x10240x64xf32, #tpu.memory_space<hbm>> -> memref<1x10240x64xf32, #tpu.memory_space<hbm>>
      %dma_wait3A_164 = tpu.memref_squeeze %dma_wait3A_163 : memref<1x10240x64xf32, #tpu.memory_space<hbm>> -> memref<10240x64xf32, #tpu.memory_space<hbm>>
      %dma_wait3A_165 = arith.constant 0 : i32
      %dma_wait3A_166 = tpu.memref_slice %dma_wait3A_164[%mul3A_151, %dma_wait3A_165] : memref<10240x64xf32, #tpu.memory_space<hbm>> -> memref<640x64xf32, #tpu.memory_space<hbm>>
      %dma_wait3A_167 = arith.constant 0 : i32
      %dma_wait3A_168 = tpu.memref_slice %arg9[%mul3A_149, %dma_wait3A_167] : memref<10240x64xf32, #tpu.memory_space<vmem_shared>> -> memref<640x64xf32, #tpu.memory_space<vmem_shared>>
      tpu.wait_dma2 semaphore(%run_scoped3A_152 : memref<!tpu.dma_semaphore, #tpu.memory_space<semaphore_mem>>) src(%dma_wait3A_168 : memref<640x64xf32, #tpu.memory_space<vmem_shared>>) dst(%dma_wait3A_166 : memref<640x64xf32, #tpu.memory_space<hbm>>)
      tpu.yield
    }) : () -> ()
    return
  }
}

module attributes {stable_mosaic.version = 14 : i64} {
  func.func @_tc_embed(%arg0: i32, %arg1: memref<1000x128xf32, #tpu.memory_space<vmem>>, %arg2: memref<128x64xf32, #tpu.memory_space<vmem>>, %arg3: memref<2x1000x16xf32, #tpu.memory_space<vmem>>, %arg4: memref<1000x64xf32, #tpu.memory_space<vmem>>) attributes {dimension_semantics = [#tpu.dimension_semantics<arbitrary>], iteration_bounds = array<i64: 10>, scalar_prefetch = 0 : i64, scratch_operands = 0 : i64, tpu.core_type = #tpu.core_type<tc>, window_params = [{transform_indices = @transform_0, window_bounds = array<i64: 1000, 128>}, {pipeline_mode = #tpu.pipeline_mode<synchronous>, transform_indices = @transform_1, window_bounds = array<i64: 128, 64>}, {transform_indices = @transform_2, window_bounds = array<i64: 2, 1000, 16>}, {transform_indices = @transform_3, window_bounds = array<i64: 1000, 64>}]} {
    %get3A = arith.constant 0 : index
    %get3A_0 = arith.constant 0 : index
    %get3A_1 = arith.constant 0 : index
    %get3A_2 = vector.load %arg3[%get3A, %get3A_0, %get3A_1] : memref<2x1000x16xf32, #tpu.memory_space<vmem>>, vector<1x1000x1xf32>
    %get3A_3 = vector.shape_cast %get3A_2 : vector<1x1000x1xf32> to vector<1000x1xf32>
    %get3A_4 = arith.constant 1 : index
    %get3A_5 = arith.constant 0 : index
    %get3A_6 = arith.constant 0 : index
    %get3A_7 = vector.load %arg3[%get3A_4, %get3A_5, %get3A_6] : memref<2x1000x16xf32, #tpu.memory_space<vmem>>, vector<1x1000x1xf32>
    %get3A_8 = vector.shape_cast %get3A_7 : vector<1x1000x1xf32> to vector<1000x1xf32>
    %add3A = arith.addf %get3A_3, %get3A_8 : vector<1000x1xf32>
    %add3A_9 = arith.constant 1.000000e+00 : f32
    %add3A_10 = vector.broadcast %add3A_9 : f32 to vector<1000x1xf32>
    %add3A_11 = arith.addf %add3A, %add3A_10 : vector<1000x1xf32>
    %rsqrt3A = math.rsqrt %add3A_11 : vector<1000x1xf32>
    %get3A_12 = arith.constant 0 : index
    %get3A_13 = arith.constant 0 : index
    %get3A_14 = vector.load %arg1[%get3A_12, %get3A_13] : memref<1000x128xf32, #tpu.memory_space<vmem>>, vector<1000x128xf32>
    %get3A_15 = arith.constant 0 : index
    %get3A_16 = arith.constant 0 : index
    %get3A_17 = vector.load %arg2[%get3A_15, %get3A_16] : memref<128x64xf32, #tpu.memory_space<vmem>>, vector<128x64xf32>
    %dot_general3A = arith.constant dense<0.000000e+00> : vector<1000x64xf32>
    %dot_general3A_18 = tpu.matmul %get3A_14, %get3A_17, %dot_general3A {dimension_numbers = #tpu.dot_dimension_numbers<[1], [0], [0], [1], [0, 0, 1, 1], [], []>, transpose_lhs_hint = false} : vector<1000x128xf32>, vector<128x64xf32>, vector<1000x64xf32> -> vector<1000x64xf32>
    %mul3A = vector.broadcast %rsqrt3A : vector<1000x1xf32> to vector<1000x64xf32>
    %mul3A_19 = arith.mulf %dot_general3A_18, %mul3A : vector<1000x64xf32>
    %swap3A = arith.constant 0 : index
    %swap3A_20 = arith.constant 0 : index
    %swap3A_21 = vector.load %arg4[%swap3A, %swap3A_20] : memref<1000x64xf32, #tpu.memory_space<vmem>>, vector<1000x64xf32>
    tpu.vector_store %arg4[%swap3A, %swap3A_20], %mul3A_19 {strides = array<i32>} : memref<1000x64xf32, #tpu.memory_space<vmem>>, vector<1000x64xf32>,
    return
  }
  func.func @transform_0(%arg0: i32) -> (i32, i32) {
    %c0_i32 = arith.constant 0 : i32
    %c0_i32_0 = arith.constant 0 : i32
    return %arg0, %c0_i32 : i32, i32
  }
  func.func @transform_1(%arg0: i32) -> (i32, i32) {
    %c0_i32 = arith.constant 0 : i32
    %c0_i32_0 = arith.constant 0 : i32
    %c0_i32_1 = arith.constant 0 : i32
    return %c0_i32, %c0_i32_0 : i32, i32
  }
  func.func @transform_2(%arg0: i32) -> (i32, i32, i32) {
    %c0_i32 = arith.constant 0 : i32
    %c0_i32_0 = arith.constant 0 : i32
    %c0_i32_1 = arith.constant 0 : i32
    return %c0_i32, %arg0, %c0_i32_0 : i32, i32, i32
  }
  func.func @transform_3(%arg0: i32) -> (i32, i32) {
    %c0_i32 = arith.constant 0 : i32
    %c0_i32_0 = arith.constant 0 : i32
    return %arg0, %c0_i32 : i32, i32
  }
}

module attributes {stable_mosaic.version = 14 : i64} {
  func.func @_tc_mid(%arg0: i32, %arg1: memref<2x1000x64xf32, #tpu.memory_space<vmem>>, %arg2: memref<1000x64xf32, #tpu.memory_space<vmem>>, %arg3: memref<2x1000x16xf32, #tpu.memory_space<vmem>>, %arg4: memref<1000x64xf32, #tpu.memory_space<vmem>>) attributes {dimension_semantics = [#tpu.dimension_semantics<arbitrary>], iteration_bounds = array<i64: 10>, scalar_prefetch = 0 : i64, scratch_operands = 0 : i64, tpu.core_type = #tpu.core_type<tc>, window_params = [{transform_indices = @transform_0, window_bounds = array<i64: 2, 1000, 64>}, {transform_indices = @transform_1, window_bounds = array<i64: 1000, 64>}, {transform_indices = @transform_2, window_bounds = array<i64: 2, 1000, 16>}, {transform_indices = @transform_3, window_bounds = array<i64: 1000, 64>}]} {
    %get3A = arith.constant 0 : index
    %get3A_0 = arith.constant 0 : index
    %get3A_1 = arith.constant 0 : index
    %get3A_2 = vector.load %arg3[%get3A, %get3A_0, %get3A_1] : memref<2x1000x16xf32, #tpu.memory_space<vmem>>, vector<1x1000x1xf32>
    %get3A_3 = vector.shape_cast %get3A_2 : vector<1x1000x1xf32> to vector<1000x1xf32>
    %get3A_4 = arith.constant 1 : index
    %get3A_5 = arith.constant 0 : index
    %get3A_6 = arith.constant 0 : index
    %get3A_7 = vector.load %arg3[%get3A_4, %get3A_5, %get3A_6] : memref<2x1000x16xf32, #tpu.memory_space<vmem>>, vector<1x1000x1xf32>
    %get3A_8 = vector.shape_cast %get3A_7 : vector<1x1000x1xf32> to vector<1000x1xf32>
    %add3A = arith.addf %get3A_3, %get3A_8 : vector<1000x1xf32>
    %add3A_9 = arith.constant 1.000000e+00 : f32
    %add3A_10 = vector.broadcast %add3A_9 : f32 to vector<1000x1xf32>
    %add3A_11 = arith.addf %add3A, %add3A_10 : vector<1000x1xf32>
    %rsqrt3A = math.rsqrt %add3A_11 : vector<1000x1xf32>
    %get3A_12 = arith.constant 0 : index
    %get3A_13 = arith.constant 0 : index
    %get3A_14 = arith.constant 0 : index
    %get3A_15 = vector.load %arg1[%get3A_12, %get3A_13, %get3A_14] : memref<2x1000x64xf32, #tpu.memory_space<vmem>>, vector<1x1000x64xf32>
    %get3A_16 = vector.shape_cast %get3A_15 : vector<1x1000x64xf32> to vector<1000x64xf32>
    %get3A_17 = arith.constant 1 : index
    %get3A_18 = arith.constant 0 : index
    %get3A_19 = arith.constant 0 : index
    %get3A_20 = vector.load %arg1[%get3A_17, %get3A_18, %get3A_19] : memref<2x1000x64xf32, #tpu.memory_space<vmem>>, vector<1x1000x64xf32>
    %get3A_21 = vector.shape_cast %get3A_20 : vector<1x1000x64xf32> to vector<1000x64xf32>
    %add3A_22 = arith.addf %get3A_16, %get3A_21 : vector<1000x64xf32>
    %get3A_23 = arith.constant 0 : index
    %get3A_24 = arith.constant 0 : index
    %get3A_25 = vector.load %arg2[%get3A_23, %get3A_24] : memref<1000x64xf32, #tpu.memory_space<vmem>>, vector<1000x64xf32>
    %add3A_26 = arith.addf %add3A_22, %get3A_25 : vector<1000x64xf32>
    %mul3A = vector.broadcast %rsqrt3A : vector<1000x1xf32> to vector<1000x64xf32>
    %mul3A_27 = arith.mulf %add3A_26, %mul3A : vector<1000x64xf32>
    %max3A = arith.constant 0.000000e+00 : f32
    %max3A_28 = vector.broadcast %max3A : f32 to vector<1000x64xf32>
    %max3A_29 = arith.maximumf %mul3A_27, %max3A_28 : vector<1000x64xf32>
    %mul3A_30 = vector.broadcast %rsqrt3A : vector<1000x1xf32> to vector<1000x64xf32>
    %mul3A_31 = arith.mulf %max3A_29, %mul3A_30 : vector<1000x64xf32>
    %swap3A = arith.constant 0 : index
    %swap3A_32 = arith.constant 0 : index
    %swap3A_33 = vector.load %arg4[%swap3A, %swap3A_32] : memref<1000x64xf32, #tpu.memory_space<vmem>>, vector<1000x64xf32>
    tpu.vector_store %arg4[%swap3A, %swap3A_32], %mul3A_31 {strides = array<i32>} : memref<1000x64xf32, #tpu.memory_space<vmem>>, vector<1000x64xf32>,
    return
  }
  func.func @transform_0(%arg0: i32) -> (i32, i32, i32) {
    %c0_i32 = arith.constant 0 : i32
    %c0_i32_0 = arith.constant 0 : i32
    %c0_i32_1 = arith.constant 0 : i32
    return %c0_i32, %arg0, %c0_i32_0 : i32, i32, i32
  }
  func.func @transform_1(%arg0: i32) -> (i32, i32) {
    %c0_i32 = arith.constant 0 : i32
    %c0_i32_0 = arith.constant 0 : i32
    return %arg0, %c0_i32 : i32, i32
  }
  func.func @transform_2(%arg0: i32) -> (i32, i32, i32) {
    %c0_i32 = arith.constant 0 : i32
    %c0_i32_0 = arith.constant 0 : i32
    %c0_i32_1 = arith.constant 0 : i32
    return %c0_i32, %arg0, %c0_i32_0 : i32, i32, i32
  }
  func.func @transform_3(%arg0: i32) -> (i32, i32) {
    %c0_i32 = arith.constant 0 : i32
    %c0_i32_0 = arith.constant 0 : i32
    return %arg0, %c0_i32 : i32, i32
  }
}

module attributes {stable_mosaic.version = 14 : i64} {
  func.func @_tc_latent(%arg0: i32, %arg1: memref<2x1000x64xf32, #tpu.memory_space<vmem>>, %arg2: memref<1000x64xf32, #tpu.memory_space<vmem>>, %arg3: memref<2x1000x16xf32, #tpu.memory_space<vmem>>, %arg4: memref<64x32xf32, #tpu.memory_space<vmem>>, %arg5: memref<64x32xf32, #tpu.memory_space<vmem>>, %arg6: memref<1000x32xf32, #tpu.memory_space<vmem>>, %arg7: memref<1000x32xf32, #tpu.memory_space<vmem>>) attributes {dimension_semantics = [#tpu.dimension_semantics<arbitrary>], iteration_bounds = array<i64: 10>, scalar_prefetch = 0 : i64, scratch_operands = 0 : i64, tpu.core_type = #tpu.core_type<tc>, window_params = [{transform_indices = @transform_0, window_bounds = array<i64: 2, 1000, 64>}, {transform_indices = @transform_1, window_bounds = array<i64: 1000, 64>}, {transform_indices = @transform_2, window_bounds = array<i64: 2, 1000, 16>}, {pipeline_mode = #tpu.pipeline_mode<synchronous>, transform_indices = @transform_3, window_bounds = array<i64: 64, 32>}, {pipeline_mode = #tpu.pipeline_mode<synchronous>, transform_indices = @transform_4, window_bounds = array<i64: 64, 32>}, {transform_indices = @transform_5, window_bounds = array<i64: 1000, 32>}, {transform_indices = @transform_6, window_bounds = array<i64: 1000, 32>}]} {
    %get3A = arith.constant 0 : index
    %get3A_0 = arith.constant 0 : index
    %get3A_1 = arith.constant 0 : index
    %get3A_2 = vector.load %arg3[%get3A, %get3A_0, %get3A_1] : memref<2x1000x16xf32, #tpu.memory_space<vmem>>, vector<1x1000x1xf32>
    %get3A_3 = vector.shape_cast %get3A_2 : vector<1x1000x1xf32> to vector<1000x1xf32>
    %get3A_4 = arith.constant 1 : index
    %get3A_5 = arith.constant 0 : index
    %get3A_6 = arith.constant 0 : index
    %get3A_7 = vector.load %arg3[%get3A_4, %get3A_5, %get3A_6] : memref<2x1000x16xf32, #tpu.memory_space<vmem>>, vector<1x1000x1xf32>
    %get3A_8 = vector.shape_cast %get3A_7 : vector<1x1000x1xf32> to vector<1000x1xf32>
    %add3A = arith.addf %get3A_3, %get3A_8 : vector<1000x1xf32>
    %add3A_9 = arith.constant 1.000000e+00 : f32
    %add3A_10 = vector.broadcast %add3A_9 : f32 to vector<1000x1xf32>
    %add3A_11 = arith.addf %add3A, %add3A_10 : vector<1000x1xf32>
    %rsqrt3A = math.rsqrt %add3A_11 : vector<1000x1xf32>
    %get3A_12 = arith.constant 0 : index
    %get3A_13 = arith.constant 0 : index
    %get3A_14 = arith.constant 0 : index
    %get3A_15 = vector.load %arg1[%get3A_12, %get3A_13, %get3A_14] : memref<2x1000x64xf32, #tpu.memory_space<vmem>>, vector<1x1000x64xf32>
    %get3A_16 = vector.shape_cast %get3A_15 : vector<1x1000x64xf32> to vector<1000x64xf32>
    %get3A_17 = arith.constant 1 : index
    %get3A_18 = arith.constant 0 : index
    %get3A_19 = arith.constant 0 : index
    %get3A_20 = vector.load %arg1[%get3A_17, %get3A_18, %get3A_19] : memref<2x1000x64xf32, #tpu.memory_space<vmem>>, vector<1x1000x64xf32>
    %get3A_21 = vector.shape_cast %get3A_20 : vector<1x1000x64xf32> to vector<1000x64xf32>
    %add3A_22 = arith.addf %get3A_16, %get3A_21 : vector<1000x64xf32>
    %get3A_23 = arith.constant 0 : index
    %get3A_24 = arith.constant 0 : index
    %get3A_25 = vector.load %arg2[%get3A_23, %get3A_24] : memref<1000x64xf32, #tpu.memory_space<vmem>>, vector<1000x64xf32>
    %add3A_26 = arith.addf %add3A_22, %get3A_25 : vector<1000x64xf32>
    %mul3A = vector.broadcast %rsqrt3A : vector<1000x1xf32> to vector<1000x64xf32>
    %mul3A_27 = arith.mulf %add3A_26, %mul3A : vector<1000x64xf32>
    %get3A_28 = arith.constant 0 : index
    %get3A_29 = arith.constant 0 : index
    %get3A_30 = vector.load %arg4[%get3A_28, %get3A_29] : memref<64x32xf32, #tpu.memory_space<vmem>>, vector<64x32xf32>
    %dot_general3A = arith.constant dense<0.000000e+00> : vector<1000x32xf32>
    %dot_general3A_31 = tpu.matmul %mul3A_27, %get3A_30, %dot_general3A {dimension_numbers = #tpu.dot_dimension_numbers<[1], [0], [0], [1], [0, 0, 1, 1], [], []>, transpose_lhs_hint = false} : vector<1000x64xf32>, vector<64x32xf32>, vector<1000x32xf32> -> vector<1000x32xf32>
    %swap3A = arith.constant 0 : index
    %swap3A_32 = arith.constant 0 : index
    %swap3A_33 = vector.load %arg6[%swap3A, %swap3A_32] : memref<1000x32xf32, #tpu.memory_space<vmem>>, vector<1000x32xf32>
    tpu.vector_store %arg6[%swap3A, %swap3A_32], %dot_general3A_31 {strides = array<i32>} : memref<1000x32xf32, #tpu.memory_space<vmem>>, vector<1000x32xf32>,
    %get3A_34 = arith.constant 0 : index
    %get3A_35 = arith.constant 0 : index
    %get3A_36 = vector.load %arg5[%get3A_34, %get3A_35] : memref<64x32xf32, #tpu.memory_space<vmem>>, vector<64x32xf32>
    %dot_general3A_37 = arith.constant dense<0.000000e+00> : vector<1000x32xf32>
    %dot_general3A_38 = tpu.matmul %mul3A_27, %get3A_36, %dot_general3A_37 {dimension_numbers = #tpu.dot_dimension_numbers<[1], [0], [0], [1], [0, 0, 1, 1], [], []>, transpose_lhs_hint = false} : vector<1000x64xf32>, vector<64x32xf32>, vector<1000x32xf32> -> vector<1000x32xf32>
    %swap3A_39 = arith.constant 0 : index
    %swap3A_40 = arith.constant 0 : index
    %swap3A_41 = vector.load %arg7[%swap3A_39, %swap3A_40] : memref<1000x32xf32, #tpu.memory_space<vmem>>, vector<1000x32xf32>
    tpu.vector_store %arg7[%swap3A_39, %swap3A_40], %dot_general3A_38 {strides = array<i32>} : memref<1000x32xf32, #tpu.memory_space<vmem>>, vector<1000x32xf32>,
    return
  }
  func.func @transform_0(%arg0: i32) -> (i32, i32, i32) {
    %c0_i32 = arith.constant 0 : i32
    %c0_i32_0 = arith.constant 0 : i32
    %c0_i32_1 = arith.constant 0 : i32
    return %c0_i32, %arg0, %c0_i32_0 : i32, i32, i32
  }
  func.func @transform_1(%arg0: i32) -> (i32, i32) {
    %c0_i32 = arith.constant 0 : i32
    %c0_i32_0 = arith.constant 0 : i32
    return %arg0, %c0_i32 : i32, i32
  }
  func.func @transform_2(%arg0: i32) -> (i32, i32, i32) {
    %c0_i32 = arith.constant 0 : i32
    %c0_i32_0 = arith.constant 0 : i32
    %c0_i32_1 = arith.constant 0 : i32
    return %c0_i32, %arg0, %c0_i32_0 : i32, i32, i32
  }
  func.func @transform_3(%arg0: i32) -> (i32, i32) {
    %c0_i32 = arith.constant 0 : i32
    %c0_i32_0 = arith.constant 0 : i32
    %c0_i32_1 = arith.constant 0 : i32
    return %c0_i32, %c0_i32_0 : i32, i32
  }
  func.func @transform_4(%arg0: i32) -> (i32, i32) {
    %c0_i32 = arith.constant 0 : i32
    %c0_i32_0 = arith.constant 0 : i32
    %c0_i32_1 = arith.constant 0 : i32
    return %c0_i32, %c0_i32_0 : i32, i32
  }
  func.func @transform_5(%arg0: i32) -> (i32, i32) {
    %c0_i32 = arith.constant 0 : i32
    %c0_i32_0 = arith.constant 0 : i32
    return %arg0, %c0_i32 : i32, i32
  }
  func.func @transform_6(%arg0: i32) -> (i32, i32) {
    %c0_i32 = arith.constant 0 : i32
    %c0_i32_0 = arith.constant 0 : i32
    return %arg0, %c0_i32 : i32, i32
  }
}

module attributes {stable_mosaic.version = 14 : i64} {
  func.func @_tc_decoder(%arg0: i32, %arg1: memref<128x32xf32, #tpu.memory_space<vmem>>, %arg2: memref<10000x32xf32, #tpu.memory_space<vmem>>, %arg3: memref<128x10000xf32, #tpu.memory_space<vmem>>) attributes {dimension_semantics = [#tpu.dimension_semantics<arbitrary>], iteration_bounds = array<i64: 79>, scalar_prefetch = 0 : i64, scratch_operands = 0 : i64, tpu.core_type = #tpu.core_type<tc>, window_params = [{transform_indices = @transform_0, window_bounds = array<i64: 128, 32>}, {pipeline_mode = #tpu.pipeline_mode<synchronous>, transform_indices = @transform_1, window_bounds = array<i64: 10000, 32>}, {transform_indices = @transform_2, window_bounds = array<i64: 128, 10000>}]} {
    %get3A = arith.constant 0 : index
    %get3A_0 = arith.constant 0 : index
    %get3A_1 = vector.load %arg1[%get3A, %get3A_0] : memref<128x32xf32, #tpu.memory_space<vmem>>, vector<128x32xf32>
    %get3A_2 = arith.constant 0 : index
    %get3A_3 = arith.constant 0 : index
    %get3A_4 = vector.load %arg2[%get3A_2, %get3A_3] : memref<10000x32xf32, #tpu.memory_space<vmem>>, vector<10000x32xf32>
    %dot_general3A = arith.constant dense<0.000000e+00> : vector<128x10000xf32>
    %dot_general3A_5 = tpu.matmul %get3A_1, %get3A_4, %dot_general3A {dimension_numbers = #tpu.dot_dimension_numbers<[1], [1], [0], [0], [0, 0, 1, 0], [], []>, transpose_lhs_hint = false} : vector<128x32xf32>, vector<10000x32xf32>, vector<128x10000xf32> -> vector<128x10000xf32>
    %mul3A = arith.constant 5.000000e-01 : f32
    %mul3A_6 = vector.broadcast %mul3A : f32 to vector<128x10000xf32>
    %mul3A_7 = arith.mulf %mul3A_6, %dot_general3A_5 : vector<128x10000xf32>
    %tanh3A = math.tanh %mul3A_7 : vector<128x10000xf32>
    %mul3A_8 = arith.constant 5.000000e-01 : f32
    %mul3A_9 = vector.broadcast %mul3A_8 : f32 to vector<128x10000xf32>
    %mul3A_10 = arith.mulf %mul3A_9, %tanh3A : vector<128x10000xf32>
    %add3A = arith.constant 5.000000e-01 : f32
    %add3A_11 = vector.broadcast %add3A : f32 to vector<128x10000xf32>
    %add3A_12 = arith.addf %mul3A_10, %add3A_11 : vector<128x10000xf32>
    %swap3A = arith.constant 0 : index
    %swap3A_13 = arith.constant 0 : index
    %swap3A_14 = vector.load %arg3[%swap3A, %swap3A_13] : memref<128x10000xf32, #tpu.memory_space<vmem>>, vector<128x10000xf32>
    tpu.vector_store %arg3[%swap3A, %swap3A_13], %add3A_12 {strides = array<i32>} : memref<128x10000xf32, #tpu.memory_space<vmem>>, vector<128x10000xf32>,
    return
  }
  func.func @transform_0(%arg0: i32) -> (i32, i32) {
    %c0_i32 = arith.constant 0 : i32
    %c0_i32_0 = arith.constant 0 : i32
    return %arg0, %c0_i32 : i32, i32
  }
  func.func @transform_1(%arg0: i32) -> (i32, i32) {
    %c0_i32 = arith.constant 0 : i32
    %c0_i32_0 = arith.constant 0 : i32
    %c0_i32_1 = arith.constant 0 : i32
    return %c0_i32, %c0_i32_0 : i32, i32
  }
  func.func @transform_2(%arg0: i32) -> (i32, i32) {
    %c0_i32 = arith.constant 0 : i32
    %c0_i32_0 = arith.constant 0 : i32
    return %arg0, %c0_i32 : i32, i32
  }
}

</mosaic_0001>

<sc_bundles>
// kernel: kernel.12.cloned.1.call-start
scs
__scs_entry_jumppad:
0x0: {  	(pc) =	sbr.rel $0x88, $3  }
0x1: {  	(tag) =	ssettag $0x0;
	lr =	simm.s32 $0x1  }
0x2: {  	[smem:$0x3F9C] =	sst lr;
	_ =	strace $0xD0000000  }
0x3: {  	_ = 	snop  }
0x4: {  	_ = 	snop  }
0x5: {  	_ = 	snop  }
0x6: {  	_ = 	snop  }
0x7: {  	_ = 	snop  }
__scs_overlays_trampoline_lowered:
0x8: {  	[smem:$0x3FAB] =	sst s0  }
0x9: {  	[smem:$0x3FAC] =	sst s1  }
0xa: {  	[smem:$0x3FAD] =	sst s2  }
0xb: {  	[smem:$0x3FAE] =	sst s3  }
0xc: {  	[smem:$0x3FAF] =	sst s4  }
0xd: {  	[smem:$0x3FB0] =	sst s5  }
0xe: {  	[smem:$0x3FB1] =	sst s6  }
0xf: {  	[smem:$0x3FB2] =	sst s7  }
0x10: {  	[smem:$0x3FB3] =	sst s8  }
0x11: {  	[smem:$0x3FB4] =	sst s9;
	s0 =	simm.s32 @!p0 $0x0  }
0x12: {  	s1 =	sld [smem:$0x3F9A];
	s0 =	simm.s32 @p0 $0x1  }
0x13: {  	[smem:$0x3FB5] =	sst s0;
	s0 =	simm.s32 @!p1 $0x0  }
0x14: {  	s2 =	sld [smem:$0x3F99];
	s0 =	simm.s32 @p1 $0x1  }
0x15: {  	[smem:$0x3FB6] =	sst s0;
	s0 =	simm.s32 @!p2 $0x0  }
0x16: {  	s3 =	sld [smem:$0x3FDB];
	s0 =	simm.s32 @p2 $0x1  }
0x17: {  	s4 =	simm.s32 $0x1BF5;
	[smem:$0x3FB8] =	sst s0  }
0x18: {  	s0 =	sld [smem:$0x3F9B];
	_ =	swait.ge [sflag:s4], $0x0  }
0x19: {  	s7 =	sld [smem:$0x3F9C]  }
0x1a: {  	s8 =	sadd.s32 $0xFFFFE003, lr  }
0x1b: {  	s9 =	sadd.s32 $0xFFFFFEF7, lr;
	s5 =	simm.s32 $0xFFFFFFFF;
	p2 =	slt.u32 s8, $0xFFFFF086  }
0x1c: {  	p1 =	slt.u32 s9, $0xF7A;
	s5 =	simm.s32 @!p2 $0x0  }
0x1d: {  	s5 =	simm.s32 @p1 $0x1;
	p0 =	seq.s32 s7, s2  }
0x1e: {  	s7 =	smul.u32 @!p0 $0xF7A, s2;
	p2 =	seq.s32 @!p0 s5, $0x0  }
0x1f: {  	s9 =	smul.u32 $0xF7A, s1;
	s8 =	simm.s32 @!p0 $0x1BF5;
	p2 =	por !p2, p0  }
0x20: {  	[sflag:s8] =	ssyncset.s32 @!p0 $0xFFFFF086;
	s6 =	sadd.s32 @!p0 s3, s7;
	s7 =	simm.s32 @!p0 $0x108  }
0x21: {  	s3 =	sadd.s32 s3, s9;
	s6 =	sadd.s32 @!p0 $0x88, s6;
	s7 =	simm.s32 @p2 $0x1082  }
0x22: {  	[simem:s7], [sflag:s8] =	dma.local @!p0 [hbm:s6], $0xF7A  }
0x23: {  	s9 =	sor.u32 $0xD0000000, s2;
	s6 =	simm.s32 $0x108;
	_ =	swait.ge @!p0 [sflag:s8], $0x0  }
0x24: {  	s3 =	sadd.s32 $0x88, s3;
	s6 =	simm.s32 @!p1 $0x1082;
	[sflag:s4] =	ssyncset.s32 $0xFFFFF086  }
0x25: {  	[simem:s6], [sflag:s4] =	dma.local [hbm:s3], $0xF7A  }
0x26: {  	[smem:$0x3F9C] =	sst s1;
	(tag) =	ssettag s2;
	_ =	strace s9  }
0x27: {  	s1 =	sld [smem:$0x3FAC]  }
0x28: {  	s2 =	sld [smem:$0x3FAD]  }
0x29: {  	s4 =	sld [smem:$0x3FAF]  }
0x2a: {  	p0 =	seq.s32 s5, $0x0;
	s5 =	sld [smem:$0x3FB0]  }
0x2b: {  	s6 =	sld [smem:$0x3FB1]  }
0x2c: {  	s7 =	sld [smem:$0x3FB2]  }
0x2d: {  	s3 =	simm.s32 $0x108;
	s8 =	sld [smem:$0x3FB3]  }
0x2e: {  	s3 =	simm.s32 @!p0 $0x1082;
	s9 =	sld [smem:$0x3FB4]  }
0x2f: {  	lr =	sadd.s32 s0, s3;
	s0 =	sld [smem:$0x3FAB]  }
0x30: {  	s3 =	sld [smem:$0x3FAE]  }
0x31: {  	[smem:$0x3FB7] =	sst s10  }
0x32: {  	s10 =	sld [smem:$0x3FB5];
	_ =	sdelay $0x3  }
0x33: {  	p0 =	seq.s32 s10, $0x1;
	s10 =	sld [smem:$0x3FB7];
	_ =	sdelay $0x3  }
0x34: {  	[smem:$0x3FB7] =	sst s10  }
0x35: {  	s10 =	sld [smem:$0x3FB6];
	_ =	sdelay $0x3  }
0x36: {  	p1 =	seq.s32 s10, $0x1;
	s10 =	sld [smem:$0x3FB7];
	_ =	sdelay $0x3  }
0x37: {  	[smem:$0x3FB7] =	sst s10  }
0x38: {  	s10 =	sld [smem:$0x3FB8]  }
0x39: {  	_ = 	snop;
	(pc) =	sbr.ind lr, $3  }
0x3a: {  	_ = 	snop  }
0x3b: {  	_ = 	snop  }
0x3c: {  	p2 =	seq.s32 s10, $0x1;
	s10 =	sld [smem:$0x3FB7]  }
0x3d: {  	_ =	shalt  }
0x3e: {  	_ =	shalt  }
0x3f: {  	_ =	shalt  }
0x40: {  	_ =	shalt  }
0x41: {  	_ =	shalt  }
0x42: {  	_ =	shalt  }
0x43: {  	_ =	shalt  }
0x44: {  	_ =	shalt  }
0x45: {  	_ =	shalt  }
0x46: {  	_ =	shalt  }
0x47: {  	_ =	shalt  }
0x48: {  	_ =	shalt  }
0x49: {  	_ =	shalt  }
0x4a: {  	_ =	shalt  }
0x4b: {  	_ =	shalt  }
0x4c: {  	_ =	shalt  }
0x4d: {  	_ =	shalt  }
0x4e: {  	_ =	shalt  }
0x4f: {  	_ =	shalt  }
0x50: {  	_ =	shalt  }
0x51: {  	_ =	shalt  }
0x52: {  	_ =	shalt  }
0x53: {  	_ =	shalt  }
0x54: {  	_ =	shalt  }
0x55: {  	_ =	shalt  }
0x56: {  	_ =	shalt  }
0x57: {  	_ =	shalt  }
0x58: {  	_ =	shalt  }
0x59: {  	_ =	shalt  }
0x5a: {  	_ =	shalt  }
0x5b: {  	_ =	shalt  }
0x5c: {  	_ =	shalt  }
0x5d: {  	_ =	shalt  }
0x5e: {  	_ =	shalt  }
0x5f: {  	_ =	shalt  }
0x60: {  	_ =	shalt  }
0x61: {  	_ =	shalt  }
0x62: {  	_ =	shalt  }
0x63: {  	_ =	shalt  }
0x64: {  	_ =	shalt  }
0x65: {  	_ =	shalt  }
0x66: {  	_ =	shalt  }
0x67: {  	_ =	shalt  }
0x68: {  	_ =	shalt  }
0x69: {  	_ =	shalt  }
0x6a: {  	_ =	shalt  }
0x6b: {  	_ =	shalt  }
0x6c: {  	_ =	shalt  }
0x6d: {  	_ =	shalt  }
0x6e: {  	_ =	shalt  }
0x6f: {  	_ =	shalt  }
0x70: {  	_ =	shalt  }
0x71: {  	_ =	shalt  }
0x72: {  	_ =	shalt  }
0x73: {  	_ =	shalt  }
0x74: {  	_ =	shalt  }
0x75: {  	_ =	shalt  }
0x76: {  	_ =	shalt  }
0x77: {  	_ =	shalt  }
0x78: {  	_ =	shalt  }
0x79: {  	_ =	shalt  }
0x7a: {  	_ =	shalt  }
0x7b: {  	_ =	shalt  }
0x7c: {  	_ =	shalt  }
0x7d: {  	_ =	shalt  }
0x7e: {  	_ =	shalt  }
0x7f: {  	_ =	shalt  }
0x80: {  	_ =	shalt  }
0x81: {  	_ =	shalt  }
0x82: {  	_ =	shalt  }
0x83: {  	_ =	shalt  }
0x84: {  	_ =	shalt  }
0x85: {  	_ =	shalt  }
0x86: {  	_ =	shalt  }
0x87: {  	_ =	shalt  }
.Lfunc_end0:
.L_simem_size_0:
called_computation.1_lowered:
.L_overlay_start_0:
0x88: {  	s2 =	sld [smem:$0x3FD9]  }
0x89: {  	s3 =	sld [smem:$0x3FFE];
	_ =	sdelay $0x1  }
0x8a: {  	s1 =	srdreg.scid  }
0x8b: {  	s0 =	sand.u32 $0x1, s1  }
0x8c: {  	s16 =	sshll.u32 s0, $0xA;
	s2 =	sadd.s32 s3, s2  }
0x8d: {  	s2 =	sadd.s32 s2, s16  }
0x8e: {  	[smem:$0x3FC3] =	sst s2  }
0x8f: {  	_ = 	snop  }
0x90: {  	(tm) =	ssettm $0x1  }
0x91: {  	s17 =	sld [smem:$0x3FFB];
	_ =	sdelay $0x3  }
0x92: {  	_ =	strace s17  }
0x93: {  	s2 =	sld [smem:$0x3FFC];
	_ =	sdelay $0x3  }
0x94: {  	_ =	strace s2  }
0x95: {  	s2 =	sld [smem:$0x3FFD];
	_ =	sdelay $0x3  }
0x96: {  	_ =	strace s2  }
0x97: {  	_ =	strace $0x8FFFFFFF  }
0x98: {  	s18 =	sld [smem:$0x3FDB];
	_ =	sdelay $0x1  }
0x99: {  	s19 =	simm.s32 $_scs_section_size  }
0x9a: {  	s4 =	simm.s32 $_size__tile_overlayer_lowered;
	s5 =	simm.s32 $_tile_overlayer_lowered  }
0x9b: {  	s22 =	simm.s32 $0x1BFF;
	s21 =	sshll.u32 s5, $0x1;
	s2 =	sadd.s32 s19, s18  }
0x9c: {  	s6 =	simm.s32 $0x0;
	s20 =	sshll.u32 s4, $0x1;
	s4 =	sadd.s32 s21, s2  }
0x9d: {  	[timem:s6], [sflag:s22] =	dma.local [hbm:s4], s20  }
0x9e: {  	_ =	swait.ge [sflag:s22], s20  }
0x9f: {  	s3 =	ssub.s32 $0x0, s20;
	[sflag:s22] =	ssyncset.done $0x0  }
0xa0: {  	[sflag:s22] =	ssyncadd.s32 s3;
	_ =	sdelay $0x1  }
0xa1: {  	s23 =	simm.s32 $0x1B8B  }
0xa2: {  	_ =	swait.ge [sflag:s23], $0x1  }
0xa3: {  	[sflag:s23] =	ssyncset.done $0x0  }
0xa4: {  	s25 =	simm.s32 $0x1B8E;
	s24 =	sld [smem:$0x3FFE];
	[sflag:s23] =	ssyncadd.s32 $0xFFFFFFFF  }
0xa5: {  	s26 =	simm.s32 $execute0_lowered;
	[smem:$0x3FD2] =	sst s25  }
0xa6: {  	s4 =	sshll.u32 s26, $0x1;
	_ =	strace $0x80000049;
	[dreg:$0x1] =	wrdreg $0xFFFFFFFF  }
0xa7: {  	s28 =	simm.s32 $_size_execute0_lowered;
	s2 =	sadd.s32 s2, s4;
	[dreg:$0x0] =	wrdreg $0x0  }
0xa8: {  	s4 =	sshll.u32 s28, $0x1;
	[dreg:$0x2] =	wrdreg s2  }
0xa9: {  	[dreg:$0x3] =	wrdreg s4  }
0xaa: {  	[dreg:$0x4] =	wrdreg $0xC0  }
0xab: {  	_ =	task [dreg:s6], $0x5FFFF  }
0xac: {  	[dreg:$0x1] =	wrdreg $0xFFFFFFFF  }
0xad: {  	[dreg:$0x0] =	wrdreg $0x60  }
0xae: {  	[dreg:$0x2] =	wrdreg s24  }
0xaf: {  	[dreg:$0x3] =	wrdreg $0x114400  }
0xb0: {  	[dreg:$0x4] =	wrdreg $0x9  }
0xb1: {  	_ =	task.clear_ibuf [dreg:s6], $0x5FFFF;
	_ =	strace $0x90000049  }
0xb2: {  	s29 =	simm.s32 $0x9;
	_ =	strace $0x8000004B  }
0xb3: {  	_ =	swait.ge [sflag:s29], $0x1  }
0xb4: {  	[sflag:s29] =	ssyncadd.s32 $0xFFFFFFFF  }
0xb5: {  	_ =	strace $0x9000004B  }
0xb6: {  	_ =	sfence  }
0xb7: {  	s30 =	sld [smem:$0x0];
	_ =	sdelay $0x2  }
0xb8: {  	s31 =	sshll.u32 s1, $0xD;
	s1 =	sshrl.u32 s1, $0x2  }
0xb9: {  	s3 =	sand.u32 $0x4000, s31;
	s1 =	sadd.s32 s1, s30  }
0xba: {  	s0 =	sor.u32 s3, s0;
	s1 =	sshll.u32 s1, $0x11  }
0xbb: {  	s0 =	sor.u32 s1, s0  }
0xbc: {  	s0 =	sadd.s32 $0x8F2B, s0  }
0xbd: {  	[sflag:s0] =	ssyncadd.remote.s32 $0x1  }
0xbe: {  	_ =	sfence.sel $0xFFFF  }
0xbf: {  	[dreg:$0x0] =	wrdreg $0xFFFFFFFF;
	(pc) =	sbr.abs _section_cstart, $3  }
0xc0: {  	[dreg:$0x1] =	wrdreg $0xFFFFFFFF  }
0xc1: {  	_ =	task.clear_ibuf [dreg:s6], $0x2FFFF;
	_ =	strace $0x9FFFFFFF  }
0xc2: {  	(tm) =	ssettm $0x7FFFFFFF  }
0xc3: {  	_ =	shalt  }
tec
execute0_lowered:
.L_overlay_start_1:
0x0: {  	(tag) =	ssettag $0x1  }
0x1: {  	s0 =	srdreg.scid;
	s1 =	rddreg [dreg:$0x0]  }
0x2: {  	s7 =	stileid.u32;
	s2 =	rddreg [dreg:$0x1]  }
0x3: {  	s12 =	simm.s32 $0xEC40;
	s13 =	simm.s32 $0xB;
	s15 =	simm.s32 $0x7D  }
0x4: {  	s16 =	simm.s32 $0x5000;
	s18 =	simm.s32 $0x6F40;
	s20 =	simm.s32 $0x8E80  }
0x5: {  	s22 =	simm.s32 $0xADC0;
	s28 =	simm.s32 $0x2;
	s29 =	simm.s32 $0x3  }
0x6: {  	s30 =	simm.s32 $0x4;
	s31 =	simm.s32 $0x5;
	s6 =	smul.u32 $0x28000, s7  }
0x7: {  	s17 =	simm.s32 $0x9;
	s0 =	sand.u32 $0x1, s0;
	s11 =	smul.u32 $0xA000, s7  }
0x8: {  	s19 =	simm.s32 $0xA;
	s3 =	sshll.u32 s0, $0x4;
	s25 =	smul.u32 $0x14000, s0  }
0x9: {  	s0 =	ssub.s32 $0x2, s0;
	s4 =	sor.u32 s7, s3;
	s3 =	simm.s32 $0x0  }
0xa: {  	s6 =	sshrl.u32 s6, $0x2;
	s26 =	sshrl.u32 s0, $0x1;
	s14 =	sshrl.u32 s11, $0x3  }
0xb: {  	s4 =	smul.u32 $0x2800, s4;
	[smem:$0x7FF] =	sst s3;
	s8 =	sadd.s32 s6, s2  }
0xc: {  	s0 =	ssub.s32 s0, s26;
	s26 =	simm.s32 $0x1;
	_ =	strace $0x8000004A  }
0xd: {  	s6 =	sadd.s32 $0x2800, s8;
	s7 =	sadd.s32 $0x5000, s8;
	s8 =	sadd.s32 $0x7800, s8  }
0xe: {  	s5 =	sshrl.u32 s4, $0x3;
	s4 =	sadd.s32 $0x3D400, s1;
	[dreg:$0x3] =	wrdreg s6  }
0xf: {  	s10 =	sadd.s32 s5, s1;
	s1 =	sadd.s32 s25, s1;
	s5 =	sadd.s32 s11, s2  }
0x10: {  	s11 =	smax.u32 s0, $0x1;
	s25 =	simm.s32 $0xCD00;
	s0 =	simm.s32 $0x8  }
0x11: {  	s9 =	sadd.s32 $0x2200, s10;
	s10 =	sadd.s32 $0xC200, s10;
	s1 =	sadd.s32 $0x50E00, s1  }
0x12: {  	v0 =	vimm.f32 $0.0e+00;
	s24 =	sadd.s32 s14, s1;
	s1 =	simm.s32 $0x6;
	s14 =	simm.s32 $0x7  }
.LBB2_1:
0x13: {  	s23 =	simm.s32 $0x100;
	s21 =	simm.s32 $0x0  }
.LBB2_2:
0x14: {  	p0 =	sne.s32 s23, $0x9F00;
	[tilespmem:s21+$0xEC70] =	vst v0;
	s6 =	smov.u32 s23;
	s23 =	sadd.s32 $0x100, s23  }
.Ltmp0:
0x15: {  	[tilespmem:s21+$0xEC60] =	vst v0;
	(pc) =	sbr.rel @p0 .LBB2_2-.Ltmp0, $3  }
0x16: {  	[tilespmem:s21+$0xEC40] =	vst v0  }
0x17: {  	[tilespmem:s21+$0xEC50] =	vst v0;
	_ =	sdelay $0x1  }
0x18: {  	s21 =	sshra.s32 s6, $0x2  }
0x19: {  	[tilespmem:s21+$0xEC70] =	vst v0  }
0x1a: {  	[tilespmem:s21+$0xEC60] =	vst v0  }
0x1b: {  	[tilespmem:s21+$0xEC40] =	vst v0  }
0x1c: {  	[tilespmem:s21+$0xEC50] =	vst v0  }
0x1d: {  	[spmem:s5] =	stream.linear.scatter [tilespmem:s12], [sflag:$0xB], $0x2800, $0x38;
	[tilespmem:$0x1B440] =	vst v63  }
0x1e: {  	_ =	swait.ge [sflag:s13], $0x2800  }
0x1f: {  	[sflag:s13] =	ssyncset.done $0x0  }
0x20: {  	s6 =	rddreg [dreg:$0x3];
	[sflag:s13] =	ssyncadd.s32 $0xFFFFD800  }
0x21: {  	[spmem:s6] =	stream.linear.scatter [tilespmem:s12], [sflag:$0xB], $0x2800, $0x38;
	[tilespmem:$0x1B440] =	vst v63  }
0x22: {  	_ =	swait.ge [sflag:s13], $0x2800  }
0x23: {  	[sflag:s13] =	ssyncset.done $0x0  }
0x24: {  	[sflag:s13] =	ssyncadd.s32 $0xFFFFD800  }
0x25: {  	[spmem:s7] =	stream.linear.scatter [tilespmem:s12], [sflag:$0xB], $0x2800, $0x38;
	[tilespmem:$0x1B440] =	vst v63  }
0x26: {  	_ =	swait.ge [sflag:s13], $0x2800  }
0x27: {  	[sflag:s13] =	ssyncset.done $0x0  }
0x28: {  	[sflag:s13] =	ssyncadd.s32 $0xFFFFD800  }
0x29: {  	[spmem:s8] =	stream.linear.scatter [tilespmem:s12], [sflag:$0xB], $0x2800, $0x38;
	[tilespmem:$0x1B440] =	vst v63  }
0x2a: {  	_ =	swait.ge [sflag:s13], $0x2800  }
0x2b: {  	[sflag:s13] =	ssyncset.done $0x0  }
0x2c: {  	s6 =	simm.s32 $0x0;
	[sflag:s13] =	ssyncadd.s32 $0xFFFFD800  }
0x2d: {  	[tilespmem:s6], [sflag:$0xB] =	stream.linear.gather [hbm4b:s9+s6], $0x2800, $0x38;
	[tilespmem:$0x1B440] =	vst v63  }
0x2e: {  	_ =	swait.ge [sflag:s13], $0x2800  }
0x2f: {  	[sflag:s13] =	ssyncset.done $0x0  }
0x30: {  	s23 =	simm.s32 $0x2800;
	[sflag:s13] =	ssyncadd.s32 $0xFFFFD800  }
0x31: {  	[tilespmem:s23], [sflag:$0xB] =	stream.linear.gather [hbm4b:s10+s6], $0x2800, $0x38;
	[tilespmem:$0x1B440] =	vst v63  }
0x32: {  	_ =	swait.ge [sflag:s13], $0x2800  }
0x33: {  	[sflag:s13] =	ssyncset.done $0x0  }
0x34: {  	[sflag:s13] =	ssyncadd.s32 $0xFFFFD800  }
0x35: {  	[bflag:$0x0] =	sbarrier.arrive $0xFFFF  }
0x36: {  	[tilespmem:s16], [sflag:$0x1] =	stream.indirect.gather [hbm4b:s4+s15], $0x40, s6, s15, $0xb8;
	[tilespmem:$0x1B440] =	vst v63  }
0x37: {  	s23 =	simm.s32 $0x80  }
0x38: {  	[tilespmem:s18], [sflag:$0x2] =	stream.indirect.gather [hbm4b:s4+s15], $0x40, s23, s15, $0xb8;
	[tilespmem:$0x1B440] =	vst v63  }
0x39: {  	s21 =	simm.s32 $0x100  }
0x3a: {  	[tilespmem:s20], [sflag:$0x3] =	stream.indirect.gather [hbm4b:s4+s15], $0x40, s21, s15, $0xb8;
	[tilespmem:$0x1B440] =	vst v63  }
0x3b: {  	s23 =	simm.s32 $0x180  }
0x3c: {  	[tilespmem:s22], [sflag:$0x4] =	stream.indirect.gather [hbm4b:s4+s15], $0x40, s23, s15, $0xb8;
	[tilespmem:$0x1B440] =	vst v63  }
0x3d: {  	s21 =	simm.s32 $0x200  }
0x3e: {  	[tilespmem:s25], [sflag:$0x5] =	stream.indirect.gather [hbm4b:s4+s15], $0x40, s21, s15, $0xb8;
	[tilespmem:$0x1B440] =	vst v63  }
0x3f: {  	_ =	swait.ge [sflag:s26], $0x1F40  }
0x40: {  	[sflag:s26] =	ssyncset.done $0x0  }
0x41: {  	s23 =	simm.s32 $0x2800;
	[sflag:s26] =	ssyncadd.s32 $0xFFFFE0C0  }
0x42: {  	[spmem:s2] =	stream.indirect.scatter.add.f32 [tilespmem:s16], [sflag:$0x6], $0x40, s23, s15, $0xb8;
	[tilespmem:$0x1B440] =	vst v63  }
0x43: {  	_ =	swait.ge [sflag:s28], $0x1F40  }
0x44: {  	[sflag:s28] =	ssyncset.done $0x0  }
0x45: {  	s21 =	simm.s32 $0x2880;
	[sflag:s28] =	ssyncadd.s32 $0xFFFFE0C0  }
0x46: {  	[spmem:s2] =	stream.indirect.scatter.add.f32 [tilespmem:s18], [sflag:$0x7], $0x40, s21, s15, $0xb8;
	[tilespmem:$0x1B440] =	vst v63  }
0x47: {  	_ =	swait.ge [sflag:s29], $0x1F40  }
0x48: {  	[sflag:s29] =	ssyncset.done $0x0  }
0x49: {  	s23 =	simm.s32 $0x2900;
	[sflag:s29] =	ssyncadd.s32 $0xFFFFE0C0  }
0x4a: {  	[spmem:s2] =	stream.indirect.scatter.add.f32 [tilespmem:s20], [sflag:$0x8], $0x40, s23, s15, $0xb8;
	[tilespmem:$0x1B440] =	vst v63  }
0x4b: {  	_ =	swait.ge [sflag:s30], $0x1F40  }
0x4c: {  	[sflag:s30] =	ssyncset.done $0x0  }
0x4d: {  	s21 =	simm.s32 $0x2980;
	[sflag:s30] =	ssyncadd.s32 $0xFFFFE0C0  }
0x4e: {  	[spmem:s2] =	stream.indirect.scatter.add.f32 [tilespmem:s22], [sflag:$0x9], $0x40, s21, s15, $0xb8;
	[tilespmem:$0x1B440] =	vst v63  }
0x4f: {  	_ =	swait.ge [sflag:s31], $0x1F40  }
0x50: {  	[sflag:s31] =	ssyncset.done $0x0  }
0x51: {  	s23 =	simm.s32 $0x2A00;
	[sflag:s31] =	ssyncadd.s32 $0xFFFFE0C0  }
0x52: {  	[spmem:s2] =	stream.indirect.scatter.add.f32 [tilespmem:s25], [sflag:$0xA], $0x40, s23, s15, $0xb8;
	[tilespmem:$0x1B440] =	vst v63  }
0x53: {  	_ =	swait.ge [sflag:s1], $0x1F40  }
0x54: {  	[sflag:s1] =	ssyncset.done $0x0  }
0x55: {  	s21 =	simm.s32 $0x280;
	[sflag:s1] =	ssyncadd.s32 $0xFFFFE0C0  }
0x56: {  	[tilespmem:s16], [sflag:$0x1] =	stream.indirect.gather [hbm4b:s4+s15], $0x40, s21, s15, $0xb8;
	[tilespmem:$0x1B440] =	vst v63  }
0x57: {  	_ =	swait.ge [sflag:s14], $0x1F40  }
0x58: {  	[sflag:s14] =	ssyncset.done $0x0  }
0x59: {  	s23 =	simm.s32 $0x300;
	[sflag:s14] =	ssyncadd.s32 $0xFFFFE0C0  }
0x5a: {  	[tilespmem:s18], [sflag:$0x2] =	stream.indirect.gather [hbm4b:s4+s15], $0x40, s23, s15, $0xb8;
	[tilespmem:$0x1B440] =	vst v63  }
0x5b: {  	_ =	swait.ge [sflag:s0], $0x1F40  }
0x5c: {  	[sflag:s0] =	ssyncset.done $0x0  }
0x5d: {  	s21 =	simm.s32 $0x380;
	[sflag:s0] =	ssyncadd.s32 $0xFFFFE0C0  }
0x5e: {  	[tilespmem:s20], [sflag:$0x3] =	stream.indirect.gather [hbm4b:s4+s15], $0x40, s21, s15, $0xb8;
	[tilespmem:$0x1B440] =	vst v63  }
0x5f: {  	_ =	swait.ge [sflag:s17], $0x1F40  }
0x60: {  	[sflag:s17] =	ssyncset.done $0x0  }
0x61: {  	s23 =	simm.s32 $0x400;
	[sflag:s17] =	ssyncadd.s32 $0xFFFFE0C0  }
0x62: {  	[tilespmem:s22], [sflag:$0x4] =	stream.indirect.gather [hbm4b:s4+s15], $0x40, s23, s15, $0xb8;
	[tilespmem:$0x1B440] =	vst v63  }
0x63: {  	_ =	swait.ge [sflag:s19], $0x1F40  }
0x64: {  	[sflag:s19] =	ssyncset.done $0x0  }
0x65: {  	s21 =	simm.s32 $0x480;
	s23 =	simm.s32 $0xA00;
	[sflag:s19] =	ssyncadd.s32 $0xFFFFE0C0  }
.LBB2_4:
0x66: {  	[tilespmem:s25], [sflag:$0x5] =	stream.indirect.gather [hbm4b:s4+s15], $0x40, s21, s15, $0xb8;
	[tilespmem:$0x1B440] =	vst v63  }
0x67: {  	s6 =	smov.u32 s23  }
0x68: {  	p0 =	sne.s32 s23, $0x8C00;
	s23 =	sadd.s32 $0xA00, s23;
	_ =	swait.ge [sflag:s26], $0x1F40  }
0x69: {  	s21 =	sshra.s32 s6, $0x2;
	[sflag:s26] =	ssyncset.done $0x0  }
0x6a: {  	s6 =	sadd.s32 $0x2800, s21;
	[sflag:s26] =	ssyncadd.s32 $0xFFFFE0C0  }
0x6b: {  	[spmem:s2] =	stream.indirect.scatter.add.f32 [tilespmem:s16], [sflag:$0x6], $0x40, s6, s15, $0xb8;
	[tilespmem:$0x1B440] =	vst v63  }
0x6c: {  	_ =	swait.ge [sflag:s28], $0x1F40  }
0x6d: {  	[sflag:s28] =	ssyncset.done $0x0  }
0x6e: {  	s6 =	sadd.s32 $0x2880, s21;
	[sflag:s28] =	ssyncadd.s32 $0xFFFFE0C0  }
0x6f: {  	[spmem:s2] =	stream.indirect.scatter.add.f32 [tilespmem:s18], [sflag:$0x7], $0x40, s6, s15, $0xb8;
	[tilespmem:$0x1B440] =	vst v63  }
0x70: {  	_ =	swait.ge [sflag:s29], $0x1F40  }
0x71: {  	[sflag:s29] =	ssyncset.done $0x0  }
0x72: {  	s6 =	sadd.s32 $0x2900, s21;
	[sflag:s29] =	ssyncadd.s32 $0xFFFFE0C0  }
0x73: {  	[spmem:s2] =	stream.indirect.scatter.add.f32 [tilespmem:s20], [sflag:$0x8], $0x40, s6, s15, $0xb8;
	[tilespmem:$0x1B440] =	vst v63  }
0x74: {  	_ =	swait.ge [sflag:s30], $0x1F40  }
0x75: {  	[sflag:s30] =	ssyncset.done $0x0  }
0x76: {  	s6 =	sadd.s32 $0x2980, s21;
	[sflag:s30] =	ssyncadd.s32 $0xFFFFE0C0  }
0x77: {  	[spmem:s2] =	stream.indirect.scatter.add.f32 [tilespmem:s22], [sflag:$0x9], $0x40, s6, s15, $0xb8;
	[tilespmem:$0x1B440] =	vst v63  }
0x78: {  	_ =	swait.ge [sflag:s31], $0x1F40  }
0x79: {  	[sflag:s31] =	ssyncset.done $0x0  }
0x7a: {  	s6 =	sadd.s32 $0x2A00, s21;
	[sflag:s31] =	ssyncadd.s32 $0xFFFFE0C0  }
0x7b: {  	[spmem:s2] =	stream.indirect.scatter.add.f32 [tilespmem:s25], [sflag:$0xA], $0x40, s6, s15, $0xb8;
	[tilespmem:$0x1B440] =	vst v63  }
0x7c: {  	_ =	swait.ge [sflag:s1], $0x1F40  }
0x7d: {  	[sflag:s1] =	ssyncset.done $0x0  }
0x7e: {  	s6 =	sadd.s32 $0x280, s21;
	[sflag:s1] =	ssyncadd.s32 $0xFFFFE0C0  }
0x7f: {  	[tilespmem:s16], [sflag:$0x1] =	stream.indirect.gather [hbm4b:s4+s15], $0x40, s6, s15, $0xb8;
	[tilespmem:$0x1B440] =	vst v63  }
0x80: {  	_ =	swait.ge [sflag:s14], $0x1F40  }
0x81: {  	[sflag:s14] =	ssyncset.done $0x0  }
0x82: {  	s6 =	sadd.s32 $0x300, s21;
	[sflag:s14] =	ssyncadd.s32 $0xFFFFE0C0  }
0x83: {  	[tilespmem:s18], [sflag:$0x2] =	stream.indirect.gather [hbm4b:s4+s15], $0x40, s6, s15, $0xb8;
	[tilespmem:$0x1B440] =	vst v63  }
0x84: {  	_ =	swait.ge [sflag:s0], $0x1F40  }
0x85: {  	[sflag:s0] =	ssyncset.done $0x0  }
0x86: {  	s6 =	sadd.s32 $0x380, s21;
	[sflag:s0] =	ssyncadd.s32 $0xFFFFE0C0  }
0x87: {  	[tilespmem:s20], [sflag:$0x3] =	stream.indirect.gather [hbm4b:s4+s15], $0x40, s6, s15, $0xb8;
	[tilespmem:$0x1B440] =	vst v63  }
0x88: {  	_ =	swait.ge [sflag:s17], $0x1F40  }
0x89: {  	[sflag:s17] =	ssyncset.done $0x0  }
.Ltmp1:
0x8a: {  	s6 =	sadd.s32 $0x400, s21;
	[sflag:s17] =	ssyncadd.s32 $0xFFFFE0C0;
	(pc) =	sbr.rel @p0 .LBB2_4-.Ltmp1, $4  }
0x8b: {  	[tilespmem:s22], [sflag:$0x4] =	stream.indirect.gather [hbm4b:s4+s15], $0x40, s6, s15, $0xb8;
	[tilespmem:$0x1B440] =	vst v63  }
0x8c: {  	_ =	swait.ge [sflag:s19], $0x1F40  }
0x8d: {  	[sflag:s19] =	ssyncset.done $0x0  }
0x8e: {  	s21 =	sadd.s32 $0x480, s21;
	[sflag:s19] =	ssyncadd.s32 $0xFFFFE0C0  }
0x8f: {  	[tilespmem:s25], [sflag:$0x5] =	stream.indirect.gather [hbm4b:s4+s15], $0x40, s21, s15, $0xb8;
	[tilespmem:$0x1B440] =	vst v63  }
0x90: {  	_ =	swait.ge [sflag:s26], $0x1F40  }
0x91: {  	[sflag:s26] =	ssyncset.done $0x0  }
0x92: {  	s6 =	simm.s32 $0x4D80;
	[sflag:s26] =	ssyncadd.s32 $0xFFFFE0C0  }
0x93: {  	[spmem:s2] =	stream.indirect.scatter.add.f32 [tilespmem:s16], [sflag:$0x6], $0x40, s6, s15, $0xb8;
	[tilespmem:$0x1B440] =	vst v63  }
0x94: {  	_ =	swait.ge [sflag:s28], $0x1F40  }
0x95: {  	[sflag:s28] =	ssyncset.done $0x0  }
0x96: {  	s21 =	simm.s32 $0x4E00;
	[sflag:s28] =	ssyncadd.s32 $0xFFFFE0C0  }
0x97: {  	[spmem:s2] =	stream.indirect.scatter.add.f32 [tilespmem:s18], [sflag:$0x7], $0x40, s21, s15, $0xb8;
	[tilespmem:$0x1B440] =	vst v63  }
0x98: {  	_ =	swait.ge [sflag:s29], $0x1F40  }
0x99: {  	[sflag:s29] =	ssyncset.done $0x0  }
0x9a: {  	s23 =	simm.s32 $0x4E80;
	[sflag:s29] =	ssyncadd.s32 $0xFFFFE0C0  }
0x9b: {  	[spmem:s2] =	stream.indirect.scatter.add.f32 [tilespmem:s20], [sflag:$0x8], $0x40, s23, s15, $0xb8;
	[tilespmem:$0x1B440] =	vst v63  }
0x9c: {  	_ =	swait.ge [sflag:s30], $0x1F40  }
0x9d: {  	[sflag:s30] =	ssyncset.done $0x0  }
0x9e: {  	s21 =	simm.s32 $0x4F00;
	[sflag:s30] =	ssyncadd.s32 $0xFFFFE0C0  }
0x9f: {  	[spmem:s2] =	stream.indirect.scatter.add.f32 [tilespmem:s22], [sflag:$0x9], $0x40, s21, s15, $0xb8;
	[tilespmem:$0x1B440] =	vst v63  }
0xa0: {  	_ =	swait.ge [sflag:s31], $0x1F40  }
0xa1: {  	[sflag:s31] =	ssyncset.done $0x0  }
0xa2: {  	s23 =	simm.s32 $0x4F80;
	[sflag:s31] =	ssyncadd.s32 $0xFFFFE0C0  }
0xa3: {  	[spmem:s2] =	stream.indirect.scatter.add.f32 [tilespmem:s25], [sflag:$0xA], $0x40, s23, s15, $0xb8;
	[tilespmem:$0x1B440] =	vst v63  }
0xa4: {  	_ =	swait.ge [sflag:s1], $0x1F40  }
0xa5: {  	[sflag:s1] =	ssyncset.done $0x0  }
0xa6: {  	[sflag:s1] =	ssyncadd.s32 $0xFFFFE0C0  }
0xa7: {  	_ =	swait.ge [sflag:s14], $0x1F40  }
0xa8: {  	[sflag:s14] =	ssyncset.done $0x0  }
0xa9: {  	[sflag:s14] =	ssyncadd.s32 $0xFFFFE0C0  }
0xaa: {  	_ =	swait.ge [sflag:s0], $0x1F40  }
0xab: {  	[sflag:s0] =	ssyncset.done $0x0  }
0xac: {  	[sflag:s0] =	ssyncadd.s32 $0xFFFFE0C0  }
0xad: {  	_ =	swait.ge [sflag:s17], $0x1F40  }
0xae: {  	[sflag:s17] =	ssyncset.done $0x0  }
0xaf: {  	[sflag:s17] =	ssyncadd.s32 $0xFFFFE0C0  }
0xb0: {  	s21 =	stileid.u32;
	_ =	swait.ge [sflag:s19], $0x1F40  }
0xb1: {  	s3 =	sadd.s32 $0x1, s3;
	s6 =	sshll.u32 s21, $0x6;
	[sflag:s19] =	ssyncset.done $0x0  }
0xb2: {  	p0 =	sne.s32 s3, s11;
	s6 =	sor.u32 $0x1C0B, s6;
	[sflag:s19] =	ssyncadd.s32 $0xFFFFE0C0  }
.Ltmp2:
0xb3: {  	s23 =	sshrl.u32 s5, $0x3;
	[bflag:$0x0] =	sbarrier.arrive $0xFFFF;
	(pc) =	sbr.rel @p0 .LBB2_1-.Ltmp2, $4  }
0xb4: {  	[hbm:s24], [sflag:s6] =	dma.local [spmem:s23], $0x1400  }
0xb5: {  	_ =	swait.ge [sflag:s13], $0x1400  }
0xb6: {  	[sflag:s13] =	ssyncset.done $0x0  }
0xb7: {  	[sflag:s13] =	ssyncadd.s32 $0xFFFFEC00  }
0xb8: {  	_ =	sfence.sel $0x180000  }
0xb9: {  	[bflag:$0x0] =	sbarrier.arrive $0xFFFF  }
0xba: {  	_ =	strace $0x9000004A  }
0xbb: {  	s0 =	stileid.u32;
	[bflag:$0x2] =	sbarrier.arrive $0xFFFF  }
0xbc: {  	p0 =	sne.s32 s0, $0x0;
	s0 =	rddreg [dreg:$0x2]  }
0xbd: {  	s0 =	sadd.s32 @!p0 $0x100000, s0  }
0xbe: {  	[sflag:s0] =	ssyncadd.tile.s32 @!p0 $0x1;
	_ =	shalt  }
.Lfunc_end2:
_tile_overlayer_lowered:
.L_overlay_start_2:
0xbf: {  	(tag) =	ssettag $0x2  }
0xc0: {  	s0 =	rddreg [dreg:$0x0];
	s2 =	stileid.u32  }
0xc1: {  	s1 =	rddreg [dreg:$0x1];
	p0 =	sne.s32 s2, $0x0  }
0xc2: {  	s3 =	rddreg [dreg:$0x2];
	[bflag:$0x3] =	sbarrier.arrive $0xFFFF;
	s2 =	simm.s32 @!p0 $0x1C0B  }
0xc3: {  	[timem:s3], [sflag:s2] =	dma.local @!p0 [hbm:s0], s1  }
0xc4: {  	s0 =	simm.s32 @!p0 $0xB  }
0xc5: {  	_ =	swait.ge @!p0 [sflag:s0], s1  }
0xc6: {  	s1 =	ssub.s32 @!p0 $0x0, s1;
	[sflag:s0] =	ssyncset.done @!p0 $0x0  }
0xc7: {  	[sflag:s0] =	ssyncadd.s32 @!p0 s1  }
0xc8: {  	[bflag:$0x3] =	sbarrier.arrive $0xFFFF  }
0xc9: {  	_ =	shalt  }

// kernel: kernel.15.cloned.1.call-start
scs
__scs_entry_jumppad:
0x0: {  	(pc) =	sbr.rel $0x88, $3  }
0x1: {  	(tag) =	ssettag $0x0;
	lr =	simm.s32 $0x1  }
0x2: {  	[smem:$0x3F9C] =	sst lr;
	_ =	strace $0xD0000000  }
0x3: {  	_ = 	snop  }
0x4: {  	_ = 	snop  }
0x5: {  	_ = 	snop  }
0x6: {  	_ = 	snop  }
0x7: {  	_ = 	snop  }
__scs_overlays_trampoline_lowered:
0x8: {  	[smem:$0x3FAB] =	sst s0  }
0x9: {  	[smem:$0x3FAC] =	sst s1  }
0xa: {  	[smem:$0x3FAD] =	sst s2  }
0xb: {  	[smem:$0x3FAE] =	sst s3  }
0xc: {  	[smem:$0x3FAF] =	sst s4  }
0xd: {  	[smem:$0x3FB0] =	sst s5  }
0xe: {  	[smem:$0x3FB1] =	sst s6  }
0xf: {  	[smem:$0x3FB2] =	sst s7  }
0x10: {  	[smem:$0x3FB3] =	sst s8  }
0x11: {  	[smem:$0x3FB4] =	sst s9;
	s0 =	simm.s32 @!p0 $0x0  }
0x12: {  	s1 =	sld [smem:$0x3F9A];
	s0 =	simm.s32 @p0 $0x1  }
0x13: {  	[smem:$0x3FB5] =	sst s0;
	s0 =	simm.s32 @!p1 $0x0  }
0x14: {  	s2 =	sld [smem:$0x3F99];
	s0 =	simm.s32 @p1 $0x1  }
0x15: {  	[smem:$0x3FB6] =	sst s0;
	s0 =	simm.s32 @!p2 $0x0  }
0x16: {  	s3 =	sld [smem:$0x3FDB];
	s0 =	simm.s32 @p2 $0x1  }
0x17: {  	s4 =	simm.s32 $0x1BF5;
	[smem:$0x3FB8] =	sst s0  }
0x18: {  	s0 =	sld [smem:$0x3F9B];
	_ =	swait.ge [sflag:s4], $0x0  }
0x19: {  	s7 =	sld [smem:$0x3F9C]  }
0x1a: {  	s8 =	sadd.s32 $0xFFFFE003, lr  }
0x1b: {  	s9 =	sadd.s32 $0xFFFFFEF7, lr;
	s5 =	simm.s32 $0xFFFFFFFF;
	p2 =	slt.u32 s8, $0xFFFFF086  }
0x1c: {  	p1 =	slt.u32 s9, $0xF7A;
	s5 =	simm.s32 @!p2 $0x0  }
0x1d: {  	s5 =	simm.s32 @p1 $0x1;
	p0 =	seq.s32 s7, s2  }
0x1e: {  	s7 =	smul.u32 @!p0 $0xF7A, s2;
	p2 =	seq.s32 @!p0 s5, $0x0  }
0x1f: {  	s9 =	smul.u32 $0xF7A, s1;
	s8 =	simm.s32 @!p0 $0x1BF5;
	p2 =	por !p2, p0  }
0x20: {  	[sflag:s8] =	ssyncset.s32 @!p0 $0xFFFFF086;
	s6 =	sadd.s32 @!p0 s3, s7;
	s7 =	simm.s32 @!p0 $0x108  }
0x21: {  	s3 =	sadd.s32 s3, s9;
	s6 =	sadd.s32 @!p0 $0x88, s6;
	s7 =	simm.s32 @p2 $0x1082  }
0x22: {  	[simem:s7], [sflag:s8] =	dma.local @!p0 [hbm:s6], $0xF7A  }
0x23: {  	s9 =	sor.u32 $0xD0000000, s2;
	s6 =	simm.s32 $0x108;
	_ =	swait.ge @!p0 [sflag:s8], $0x0  }
0x24: {  	s3 =	sadd.s32 $0x88, s3;
	s6 =	simm.s32 @!p1 $0x1082;
	[sflag:s4] =	ssyncset.s32 $0xFFFFF086  }
0x25: {  	[simem:s6], [sflag:s4] =	dma.local [hbm:s3], $0xF7A  }
0x26: {  	[smem:$0x3F9C] =	sst s1;
	(tag) =	ssettag s2;
	_ =	strace s9  }
0x27: {  	s1 =	sld [smem:$0x3FAC]  }
0x28: {  	s2 =	sld [smem:$0x3FAD]  }
0x29: {  	s4 =	sld [smem:$0x3FAF]  }
0x2a: {  	p0 =	seq.s32 s5, $0x0;
	s5 =	sld [smem:$0x3FB0]  }
0x2b: {  	s6 =	sld [smem:$0x3FB1]  }
0x2c: {  	s7 =	sld [smem:$0x3FB2]  }
0x2d: {  	s3 =	simm.s32 $0x108;
	s8 =	sld [smem:$0x3FB3]  }
0x2e: {  	s3 =	simm.s32 @!p0 $0x1082;
	s9 =	sld [smem:$0x3FB4]  }
0x2f: {  	lr =	sadd.s32 s0, s3;
	s0 =	sld [smem:$0x3FAB]  }
0x30: {  	s3 =	sld [smem:$0x3FAE]  }
0x31: {  	[smem:$0x3FB7] =	sst s10  }
0x32: {  	s10 =	sld [smem:$0x3FB5];
	_ =	sdelay $0x3  }
0x33: {  	p0 =	seq.s32 s10, $0x1;
	s10 =	sld [smem:$0x3FB7];
	_ =	sdelay $0x3  }
0x34: {  	[smem:$0x3FB7] =	sst s10  }
0x35: {  	s10 =	sld [smem:$0x3FB6];
	_ =	sdelay $0x3  }
0x36: {  	p1 =	seq.s32 s10, $0x1;
	s10 =	sld [smem:$0x3FB7];
	_ =	sdelay $0x3  }
0x37: {  	[smem:$0x3FB7] =	sst s10  }
0x38: {  	s10 =	sld [smem:$0x3FB8]  }
0x39: {  	_ = 	snop;
	(pc) =	sbr.ind lr, $3  }
0x3a: {  	_ = 	snop  }
0x3b: {  	_ = 	snop  }
0x3c: {  	p2 =	seq.s32 s10, $0x1;
	s10 =	sld [smem:$0x3FB7]  }
0x3d: {  	_ =	shalt  }
0x3e: {  	_ =	shalt  }
0x3f: {  	_ =	shalt  }
0x40: {  	_ =	shalt  }
0x41: {  	_ =	shalt  }
0x42: {  	_ =	shalt  }
0x43: {  	_ =	shalt  }
0x44: {  	_ =	shalt  }
0x45: {  	_ =	shalt  }
0x46: {  	_ =	shalt  }
0x47: {  	_ =	shalt  }
0x48: {  	_ =	shalt  }
0x49: {  	_ =	shalt  }
0x4a: {  	_ =	shalt  }
0x4b: {  	_ =	shalt  }
0x4c: {  	_ =	shalt  }
0x4d: {  	_ =	shalt  }
0x4e: {  	_ =	shalt  }
0x4f: {  	_ =	shalt  }
0x50: {  	_ =	shalt  }
0x51: {  	_ =	shalt  }
0x52: {  	_ =	shalt  }
0x53: {  	_ =	shalt  }
0x54: {  	_ =	shalt  }
0x55: {  	_ =	shalt  }
0x56: {  	_ =	shalt  }
0x57: {  	_ =	shalt  }
0x58: {  	_ =	shalt  }
0x59: {  	_ =	shalt  }
0x5a: {  	_ =	shalt  }
0x5b: {  	_ =	shalt  }
0x5c: {  	_ =	shalt  }
0x5d: {  	_ =	shalt  }
0x5e: {  	_ =	shalt  }
0x5f: {  	_ =	shalt  }
0x60: {  	_ =	shalt  }
0x61: {  	_ =	shalt  }
0x62: {  	_ =	shalt  }
0x63: {  	_ =	shalt  }
0x64: {  	_ =	shalt  }
0x65: {  	_ =	shalt  }
0x66: {  	_ =	shalt  }
0x67: {  	_ =	shalt  }
0x68: {  	_ =	shalt  }
0x69: {  	_ =	shalt  }
0x6a: {  	_ =	shalt  }
0x6b: {  	_ =	shalt  }
0x6c: {  	_ =	shalt  }
0x6d: {  	_ =	shalt  }
0x6e: {  	_ =	shalt  }
0x6f: {  	_ =	shalt  }
0x70: {  	_ =	shalt  }
0x71: {  	_ =	shalt  }
0x72: {  	_ =	shalt  }
0x73: {  	_ =	shalt  }
0x74: {  	_ =	shalt  }
0x75: {  	_ =	shalt  }
0x76: {  	_ =	shalt  }
0x77: {  	_ =	shalt  }
0x78: {  	_ =	shalt  }
0x79: {  	_ =	shalt  }
0x7a: {  	_ =	shalt  }
0x7b: {  	_ =	shalt  }
0x7c: {  	_ =	shalt  }
0x7d: {  	_ =	shalt  }
0x7e: {  	_ =	shalt  }
0x7f: {  	_ =	shalt  }
0x80: {  	_ =	shalt  }
0x81: {  	_ =	shalt  }
0x82: {  	_ =	shalt  }
0x83: {  	_ =	shalt  }
0x84: {  	_ =	shalt  }
0x85: {  	_ =	shalt  }
0x86: {  	_ =	shalt  }
0x87: {  	_ =	shalt  }
.Lfunc_end0:
.L_simem_size_0:
called_computation.2_lowered:
.L_overlay_start_0:
0x88: {  	s2 =	sld [smem:$0x3FD9]  }
0x89: {  	s3 =	sld [smem:$0x3FFE];
	_ =	sdelay $0x1  }
0x8a: {  	s1 =	srdreg.scid  }
0x8b: {  	s0 =	sand.u32 $0x1, s1  }
0x8c: {  	s16 =	sshll.u32 s0, $0xA;
	s2 =	sadd.s32 s3, s2  }
0x8d: {  	s2 =	sadd.s32 s2, s16  }
0x8e: {  	[smem:$0x3FC3] =	sst s2  }
0x8f: {  	_ = 	snop  }
0x90: {  	(tm) =	ssettm $0x1  }
0x91: {  	s17 =	sld [smem:$0x3FFB];
	_ =	sdelay $0x3  }
0x92: {  	_ =	strace s17  }
0x93: {  	s2 =	sld [smem:$0x3FFC];
	_ =	sdelay $0x3  }
0x94: {  	_ =	strace s2  }
0x95: {  	s2 =	sld [smem:$0x3FFD];
	_ =	sdelay $0x3  }
0x96: {  	_ =	strace s2  }
0x97: {  	_ =	strace $0x8FFFFFFF  }
0x98: {  	s18 =	sld [smem:$0x3FDB];
	_ =	sdelay $0x1  }
0x99: {  	s19 =	simm.s32 $_scs_section_size  }
0x9a: {  	s4 =	simm.s32 $_size__tile_overlayer_lowered;
	s5 =	simm.s32 $_tile_overlayer_lowered  }
0x9b: {  	s22 =	simm.s32 $0x1BFF;
	s21 =	sshll.u32 s5, $0x1;
	s2 =	sadd.s32 s19, s18  }
0x9c: {  	s6 =	simm.s32 $0x0;
	s20 =	sshll.u32 s4, $0x1;
	s4 =	sadd.s32 s21, s2  }
0x9d: {  	[timem:s6], [sflag:s22] =	dma.local [hbm:s4], s20  }
0x9e: {  	_ =	swait.ge [sflag:s22], s20  }
0x9f: {  	s3 =	ssub.s32 $0x0, s20;
	[sflag:s22] =	ssyncset.done $0x0  }
0xa0: {  	[sflag:s22] =	ssyncadd.s32 s3;
	_ =	sdelay $0x1  }
0xa1: {  	s23 =	simm.s32 $0x1B8B  }
0xa2: {  	_ =	swait.ge [sflag:s23], $0x1  }
0xa3: {  	[sflag:s23] =	ssyncset.done $0x0  }
0xa4: {  	s25 =	simm.s32 $0x1B8E;
	s24 =	sld [smem:$0x3FFE];
	[sflag:s23] =	ssyncadd.s32 $0xFFFFFFFF  }
0xa5: {  	s26 =	simm.s32 $execute0_lowered;
	[smem:$0x3FD2] =	sst s25  }
0xa6: {  	s4 =	sshll.u32 s26, $0x1;
	_ =	strace $0x8000004C;
	[dreg:$0x1] =	wrdreg $0xFFFFFFFF  }
0xa7: {  	s28 =	simm.s32 $_size_execute0_lowered;
	s2 =	sadd.s32 s2, s4;
	[dreg:$0x0] =	wrdreg $0x0  }
0xa8: {  	s4 =	sshll.u32 s28, $0x1;
	[dreg:$0x2] =	wrdreg s2  }
0xa9: {  	[dreg:$0x3] =	wrdreg s4  }
0xaa: {  	[dreg:$0x4] =	wrdreg $0xC0  }
0xab: {  	_ =	task [dreg:s6], $0x5FFFF  }
0xac: {  	[dreg:$0x1] =	wrdreg $0xFFFFFFFF  }
0xad: {  	[dreg:$0x0] =	wrdreg $0x60  }
0xae: {  	[dreg:$0x2] =	wrdreg s24  }
0xaf: {  	[dreg:$0x3] =	wrdreg $0x114400  }
0xb0: {  	[dreg:$0x4] =	wrdreg $0x9  }
0xb1: {  	_ =	task.clear_ibuf [dreg:s6], $0x5FFFF;
	_ =	strace $0x9000004C  }
0xb2: {  	s29 =	simm.s32 $0x9;
	_ =	strace $0x8000004E  }
0xb3: {  	_ =	swait.ge [sflag:s29], $0x1  }
0xb4: {  	[sflag:s29] =	ssyncadd.s32 $0xFFFFFFFF  }
0xb5: {  	_ =	strace $0x9000004E  }
0xb6: {  	_ =	sfence  }
0xb7: {  	s30 =	sld [smem:$0x0];
	_ =	sdelay $0x2  }
0xb8: {  	s31 =	sshll.u32 s1, $0xD;
	s1 =	sshrl.u32 s1, $0x2  }
0xb9: {  	s3 =	sand.u32 $0x4000, s31;
	s1 =	sadd.s32 s1, s30  }
0xba: {  	s0 =	sor.u32 s3, s0;
	s1 =	sshll.u32 s1, $0x11  }
0xbb: {  	s0 =	sor.u32 s1, s0  }
0xbc: {  	s0 =	sadd.s32 $0x8F2B, s0  }
0xbd: {  	[sflag:s0] =	ssyncadd.remote.s32 $0x1  }
0xbe: {  	_ =	sfence.sel $0xFFFF  }
0xbf: {  	[dreg:$0x0] =	wrdreg $0xFFFFFFFF;
	(pc) =	sbr.abs _section_cstart, $3  }
0xc0: {  	[dreg:$0x1] =	wrdreg $0xFFFFFFFF  }
0xc1: {  	_ =	task.clear_ibuf [dreg:s6], $0x2FFFF;
	_ =	strace $0x9FFFFFFF  }
0xc2: {  	(tm) =	ssettm $0x7FFFFFFF  }
0xc3: {  	_ =	shalt  }
tec
execute0_lowered:
.L_overlay_start_1:
0x0: {  	(tag) =	ssettag $0x1  }
0x1: {  	s0 =	srdreg.scid;
	s1 =	rddreg [dreg:$0x0]  }
0x2: {  	s7 =	stileid.u32;
	s2 =	rddreg [dreg:$0x1]  }
0x3: {  	s12 =	simm.s32 $0xEC40;
	s13 =	simm.s32 $0xB;
	s15 =	simm.s32 $0x7D  }
0x4: {  	s16 =	simm.s32 $0x5000;
	s18 =	simm.s32 $0x6F40;
	s20 =	simm.s32 $0x8E80  }
0x5: {  	s22 =	simm.s32 $0xADC0;
	s28 =	simm.s32 $0x2;
	s29 =	simm.s32 $0x3  }
0x6: {  	s30 =	simm.s32 $0x4;
	s31 =	simm.s32 $0x5;
	s6 =	smul.u32 $0x28000, s7  }
0x7: {  	s17 =	simm.s32 $0x9;
	s0 =	sand.u32 $0x1, s0;
	s11 =	smul.u32 $0xA000, s7  }
0x8: {  	s19 =	simm.s32 $0xA;
	s3 =	sshll.u32 s0, $0x4;
	s25 =	smul.u32 $0x14000, s0  }
0x9: {  	s0 =	ssub.s32 $0x2, s0;
	s4 =	sor.u32 s7, s3;
	s3 =	simm.s32 $0x0  }
0xa: {  	s6 =	sshrl.u32 s6, $0x2;
	s26 =	sshrl.u32 s0, $0x1;
	s14 =	sshrl.u32 s11, $0x3  }
0xb: {  	s4 =	smul.u32 $0x2800, s4;
	[smem:$0x7FF] =	sst s3;
	s8 =	sadd.s32 s6, s2  }
0xc: {  	s0 =	ssub.s32 s0, s26;
	s26 =	simm.s32 $0x1;
	_ =	strace $0x8000004D  }
0xd: {  	s6 =	sadd.s32 $0x2800, s8;
	s7 =	sadd.s32 $0x5000, s8;
	s8 =	sadd.s32 $0x7800, s8  }
0xe: {  	s5 =	sshrl.u32 s4, $0x3;
	s4 =	sadd.s32 $0x16200, s1;
	[dreg:$0x3] =	wrdreg s6  }
0xf: {  	s10 =	sadd.s32 s5, s1;
	s1 =	sadd.s32 s25, s1;
	s5 =	sadd.s32 s11, s2  }
0x10: {  	s11 =	smax.u32 s0, $0x1;
	s25 =	simm.s32 $0xCD00;
	s0 =	simm.s32 $0x8  }
0x11: {  	s9 =	sadd.s32 $0x2200, s10;
	s10 =	sadd.s32 $0xC200, s10;
	s1 =	sadd.s32 $0x29C00, s1  }
0x12: {  	v0 =	vimm.f32 $0.0e+00;
	s24 =	sadd.s32 s14, s1;
	s1 =	simm.s32 $0x6;
	s14 =	simm.s32 $0x7  }
.LBB2_1:
0x13: {  	s23 =	simm.s32 $0x100;
	s21 =	simm.s32 $0x0  }
.LBB2_2:
0x14: {  	p0 =	sne.s32 s23, $0x9F00;
	[tilespmem:s21+$0xEC70] =	vst v0;
	s6 =	smov.u32 s23;
	s23 =	sadd.s32 $0x100, s23  }
.Ltmp0:
0x15: {  	[tilespmem:s21+$0xEC60] =	vst v0;
	(pc) =	sbr.rel @p0 .LBB2_2-.Ltmp0, $3  }
0x16: {  	[tilespmem:s21+$0xEC40] =	vst v0  }
0x17: {  	[tilespmem:s21+$0xEC50] =	vst v0;
	_ =	sdelay $0x1  }
0x18: {  	s21 =	sshra.s32 s6, $0x2  }
0x19: {  	[tilespmem:s21+$0xEC70] =	vst v0  }
0x1a: {  	[tilespmem:s21+$0xEC60] =	vst v0  }
0x1b: {  	[tilespmem:s21+$0xEC40] =	vst v0  }
0x1c: {  	[tilespmem:s21+$0xEC50] =	vst v0  }
0x1d: {  	[spmem:s5] =	stream.linear.scatter [tilespmem:s12], [sflag:$0xB], $0x2800, $0x38;
	[tilespmem:$0x1B440] =	vst v63  }
0x1e: {  	_ =	swait.ge [sflag:s13], $0x2800  }
0x1f: {  	[sflag:s13] =	ssyncset.done $0x0  }
0x20: {  	s6 =	rddreg [dreg:$0x3];
	[sflag:s13] =	ssyncadd.s32 $0xFFFFD800  }
0x21: {  	[spmem:s6] =	stream.linear.scatter [tilespmem:s12], [sflag:$0xB], $0x2800, $0x38;
	[tilespmem:$0x1B440] =	vst v63  }
0x22: {  	_ =	swait.ge [sflag:s13], $0x2800  }
0x23: {  	[sflag:s13] =	ssyncset.done $0x0  }
0x24: {  	[sflag:s13] =	ssyncadd.s32 $0xFFFFD800  }
0x25: {  	[spmem:s7] =	stream.linear.scatter [tilespmem:s12], [sflag:$0xB], $0x2800, $0x38;
	[tilespmem:$0x1B440] =	vst v63  }
0x26: {  	_ =	swait.ge [sflag:s13], $0x2800  }
0x27: {  	[sflag:s13] =	ssyncset.done $0x0  }
0x28: {  	[sflag:s13] =	ssyncadd.s32 $0xFFFFD800  }
0x29: {  	[spmem:s8] =	stream.linear.scatter [tilespmem:s12], [sflag:$0xB], $0x2800, $0x38;
	[tilespmem:$0x1B440] =	vst v63  }
0x2a: {  	_ =	swait.ge [sflag:s13], $0x2800  }
0x2b: {  	[sflag:s13] =	ssyncset.done $0x0  }
0x2c: {  	s6 =	simm.s32 $0x0;
	[sflag:s13] =	ssyncadd.s32 $0xFFFFD800  }
0x2d: {  	[tilespmem:s6], [sflag:$0xB] =	stream.linear.gather [hbm4b:s9+s6], $0x2800, $0x38;
	[tilespmem:$0x1B440] =	vst v63  }
0x2e: {  	_ =	swait.ge [sflag:s13], $0x2800  }
0x2f: {  	[sflag:s13] =	ssyncset.done $0x0  }
0x30: {  	s23 =	simm.s32 $0x2800;
	[sflag:s13] =	ssyncadd.s32 $0xFFFFD800  }
0x31: {  	[tilespmem:s23], [sflag:$0xB] =	stream.linear.gather [hbm4b:s10+s6], $0x2800, $0x38;
	[tilespmem:$0x1B440] =	vst v63  }
0x32: {  	_ =	swait.ge [sflag:s13], $0x2800  }
0x33: {  	[sflag:s13] =	ssyncset.done $0x0  }
0x34: {  	[sflag:s13] =	ssyncadd.s32 $0xFFFFD800  }
0x35: {  	[bflag:$0x0] =	sbarrier.arrive $0xFFFF  }
0x36: {  	[tilespmem:s16], [sflag:$0x1] =	stream.indirect.gather [hbm4b:s4+s15], $0x40, s6, s15, $0xb8;
	[tilespmem:$0x1B440] =	vst v63  }
0x37: {  	s23 =	simm.s32 $0x80  }
0x38: {  	[tilespmem:s18], [sflag:$0x2] =	stream.indirect.gather [hbm4b:s4+s15], $0x40, s23, s15, $0xb8;
	[tilespmem:$0x1B440] =	vst v63  }
0x39: {  	s21 =	simm.s32 $0x100  }
0x3a: {  	[tilespmem:s20], [sflag:$0x3] =	stream.indirect.gather [hbm4b:s4+s15], $0x40, s21, s15, $0xb8;
	[tilespmem:$0x1B440] =	vst v63  }
0x3b: {  	s23 =	simm.s32 $0x180  }
0x3c: {  	[tilespmem:s22], [sflag:$0x4] =	stream.indirect.gather [hbm4b:s4+s15], $0x40, s23, s15, $0xb8;
	[tilespmem:$0x1B440] =	vst v63  }
0x3d: {  	s21 =	simm.s32 $0x200  }
0x3e: {  	[tilespmem:s25], [sflag:$0x5] =	stream.indirect.gather [hbm4b:s4+s15], $0x40, s21, s15, $0xb8;
	[tilespmem:$0x1B440] =	vst v63  }
0x3f: {  	_ =	swait.ge [sflag:s26], $0x1F40  }
0x40: {  	[sflag:s26] =	ssyncset.done $0x0  }
0x41: {  	s23 =	simm.s32 $0x2800;
	[sflag:s26] =	ssyncadd.s32 $0xFFFFE0C0  }
0x42: {  	[spmem:s2] =	stream.indirect.scatter.add.f32 [tilespmem:s16], [sflag:$0x6], $0x40, s23, s15, $0xb8;
	[tilespmem:$0x1B440] =	vst v63  }
0x43: {  	_ =	swait.ge [sflag:s28], $0x1F40  }
0x44: {  	[sflag:s28] =	ssyncset.done $0x0  }
0x45: {  	s21 =	simm.s32 $0x2880;
	[sflag:s28] =	ssyncadd.s32 $0xFFFFE0C0  }
0x46: {  	[spmem:s2] =	stream.indirect.scatter.add.f32 [tilespmem:s18], [sflag:$0x7], $0x40, s21, s15, $0xb8;
	[tilespmem:$0x1B440] =	vst v63  }
0x47: {  	_ =	swait.ge [sflag:s29], $0x1F40  }
0x48: {  	[sflag:s29] =	ssyncset.done $0x0  }
0x49: {  	s23 =	simm.s32 $0x2900;
	[sflag:s29] =	ssyncadd.s32 $0xFFFFE0C0  }
0x4a: {  	[spmem:s2] =	stream.indirect.scatter.add.f32 [tilespmem:s20], [sflag:$0x8], $0x40, s23, s15, $0xb8;
	[tilespmem:$0x1B440] =	vst v63  }
0x4b: {  	_ =	swait.ge [sflag:s30], $0x1F40  }
0x4c: {  	[sflag:s30] =	ssyncset.done $0x0  }
0x4d: {  	s21 =	simm.s32 $0x2980;
	[sflag:s30] =	ssyncadd.s32 $0xFFFFE0C0  }
0x4e: {  	[spmem:s2] =	stream.indirect.scatter.add.f32 [tilespmem:s22], [sflag:$0x9], $0x40, s21, s15, $0xb8;
	[tilespmem:$0x1B440] =	vst v63  }
0x4f: {  	_ =	swait.ge [sflag:s31], $0x1F40  }
0x50: {  	[sflag:s31] =	ssyncset.done $0x0  }
0x51: {  	s23 =	simm.s32 $0x2A00;
	[sflag:s31] =	ssyncadd.s32 $0xFFFFE0C0  }
0x52: {  	[spmem:s2] =	stream.indirect.scatter.add.f32 [tilespmem:s25], [sflag:$0xA], $0x40, s23, s15, $0xb8;
	[tilespmem:$0x1B440] =	vst v63  }
0x53: {  	_ =	swait.ge [sflag:s1], $0x1F40  }
0x54: {  	[sflag:s1] =	ssyncset.done $0x0  }
0x55: {  	s21 =	simm.s32 $0x280;
	[sflag:s1] =	ssyncadd.s32 $0xFFFFE0C0  }
0x56: {  	[tilespmem:s16], [sflag:$0x1] =	stream.indirect.gather [hbm4b:s4+s15], $0x40, s21, s15, $0xb8;
	[tilespmem:$0x1B440] =	vst v63  }
0x57: {  	_ =	swait.ge [sflag:s14], $0x1F40  }
0x58: {  	[sflag:s14] =	ssyncset.done $0x0  }
0x59: {  	s23 =	simm.s32 $0x300;
	[sflag:s14] =	ssyncadd.s32 $0xFFFFE0C0  }
0x5a: {  	[tilespmem:s18], [sflag:$0x2] =	stream.indirect.gather [hbm4b:s4+s15], $0x40, s23, s15, $0xb8;
	[tilespmem:$0x1B440] =	vst v63  }
0x5b: {  	_ =	swait.ge [sflag:s0], $0x1F40  }
0x5c: {  	[sflag:s0] =	ssyncset.done $0x0  }
0x5d: {  	s21 =	simm.s32 $0x380;
	[sflag:s0] =	ssyncadd.s32 $0xFFFFE0C0  }
0x5e: {  	[tilespmem:s20], [sflag:$0x3] =	stream.indirect.gather [hbm4b:s4+s15], $0x40, s21, s15, $0xb8;
	[tilespmem:$0x1B440] =	vst v63  }
0x5f: {  	_ =	swait.ge [sflag:s17], $0x1F40  }
0x60: {  	[sflag:s17] =	ssyncset.done $0x0  }
0x61: {  	s23 =	simm.s32 $0x400;
	[sflag:s17] =	ssyncadd.s32 $0xFFFFE0C0  }
0x62: {  	[tilespmem:s22], [sflag:$0x4] =	stream.indirect.gather [hbm4b:s4+s15], $0x40, s23, s15, $0xb8;
	[tilespmem:$0x1B440] =	vst v63  }
0x63: {  	_ =	swait.ge [sflag:s19], $0x1F40  }
0x64: {  	[sflag:s19] =	ssyncset.done $0x0  }
0x65: {  	s21 =	simm.s32 $0x480;
	s23 =	simm.s32 $0xA00;
	[sflag:s19] =	ssyncadd.s32 $0xFFFFE0C0  }
.LBB2_4:
0x66: {  	[tilespmem:s25], [sflag:$0x5] =	stream.indirect.gather [hbm4b:s4+s15], $0x40, s21, s15, $0xb8;
	[tilespmem:$0x1B440] =	vst v63  }
0x67: {  	s6 =	smov.u32 s23  }
0x68: {  	p0 =	sne.s32 s23, $0x8C00;
	s23 =	sadd.s32 $0xA00, s23;
	_ =	swait.ge [sflag:s26], $0x1F40  }
0x69: {  	s21 =	sshra.s32 s6, $0x2;
	[sflag:s26] =	ssyncset.done $0x0  }
0x6a: {  	s6 =	sadd.s32 $0x2800, s21;
	[sflag:s26] =	ssyncadd.s32 $0xFFFFE0C0  }
0x6b: {  	[spmem:s2] =	stream.indirect.scatter.add.f32 [tilespmem:s16], [sflag:$0x6], $0x40, s6, s15, $0xb8;
	[tilespmem:$0x1B440] =	vst v63  }
0x6c: {  	_ =	swait.ge [sflag:s28], $0x1F40  }
0x6d: {  	[sflag:s28] =	ssyncset.done $0x0  }
0x6e: {  	s6 =	sadd.s32 $0x2880, s21;
	[sflag:s28] =	ssyncadd.s32 $0xFFFFE0C0  }
0x6f: {  	[spmem:s2] =	stream.indirect.scatter.add.f32 [tilespmem:s18], [sflag:$0x7], $0x40, s6, s15, $0xb8;
	[tilespmem:$0x1B440] =	vst v63  }
0x70: {  	_ =	swait.ge [sflag:s29], $0x1F40  }
0x71: {  	[sflag:s29] =	ssyncset.done $0x0  }
0x72: {  	s6 =	sadd.s32 $0x2900, s21;
	[sflag:s29] =	ssyncadd.s32 $0xFFFFE0C0  }
0x73: {  	[spmem:s2] =	stream.indirect.scatter.add.f32 [tilespmem:s20], [sflag:$0x8], $0x40, s6, s15, $0xb8;
	[tilespmem:$0x1B440] =	vst v63  }
0x74: {  	_ =	swait.ge [sflag:s30], $0x1F40  }
0x75: {  	[sflag:s30] =	ssyncset.done $0x0  }
0x76: {  	s6 =	sadd.s32 $0x2980, s21;
	[sflag:s30] =	ssyncadd.s32 $0xFFFFE0C0  }
0x77: {  	[spmem:s2] =	stream.indirect.scatter.add.f32 [tilespmem:s22], [sflag:$0x9], $0x40, s6, s15, $0xb8;
	[tilespmem:$0x1B440] =	vst v63  }
0x78: {  	_ =	swait.ge [sflag:s31], $0x1F40  }
0x79: {  	[sflag:s31] =	ssyncset.done $0x0  }
0x7a: {  	s6 =	sadd.s32 $0x2A00, s21;
	[sflag:s31] =	ssyncadd.s32 $0xFFFFE0C0  }
0x7b: {  	[spmem:s2] =	stream.indirect.scatter.add.f32 [tilespmem:s25], [sflag:$0xA], $0x40, s6, s15, $0xb8;
	[tilespmem:$0x1B440] =	vst v63  }
0x7c: {  	_ =	swait.ge [sflag:s1], $0x1F40  }
0x7d: {  	[sflag:s1] =	ssyncset.done $0x0  }
0x7e: {  	s6 =	sadd.s32 $0x280, s21;
	[sflag:s1] =	ssyncadd.s32 $0xFFFFE0C0  }
0x7f: {  	[tilespmem:s16], [sflag:$0x1] =	stream.indirect.gather [hbm4b:s4+s15], $0x40, s6, s15, $0xb8;
	[tilespmem:$0x1B440] =	vst v63  }
0x80: {  	_ =	swait.ge [sflag:s14], $0x1F40  }
0x81: {  	[sflag:s14] =	ssyncset.done $0x0  }
0x82: {  	s6 =	sadd.s32 $0x300, s21;
	[sflag:s14] =	ssyncadd.s32 $0xFFFFE0C0  }
0x83: {  	[tilespmem:s18], [sflag:$0x2] =	stream.indirect.gather [hbm4b:s4+s15], $0x40, s6, s15, $0xb8;
	[tilespmem:$0x1B440] =	vst v63  }
0x84: {  	_ =	swait.ge [sflag:s0], $0x1F40  }
0x85: {  	[sflag:s0] =	ssyncset.done $0x0  }
0x86: {  	s6 =	sadd.s32 $0x380, s21;
	[sflag:s0] =	ssyncadd.s32 $0xFFFFE0C0  }
0x87: {  	[tilespmem:s20], [sflag:$0x3] =	stream.indirect.gather [hbm4b:s4+s15], $0x40, s6, s15, $0xb8;
	[tilespmem:$0x1B440] =	vst v63  }
0x88: {  	_ =	swait.ge [sflag:s17], $0x1F40  }
0x89: {  	[sflag:s17] =	ssyncset.done $0x0  }
.Ltmp1:
0x8a: {  	s6 =	sadd.s32 $0x400, s21;
	[sflag:s17] =	ssyncadd.s32 $0xFFFFE0C0;
	(pc) =	sbr.rel @p0 .LBB2_4-.Ltmp1, $4  }
0x8b: {  	[tilespmem:s22], [sflag:$0x4] =	stream.indirect.gather [hbm4b:s4+s15], $0x40, s6, s15, $0xb8;
	[tilespmem:$0x1B440] =	vst v63  }
0x8c: {  	_ =	swait.ge [sflag:s19], $0x1F40  }
0x8d: {  	[sflag:s19] =	ssyncset.done $0x0  }
0x8e: {  	s21 =	sadd.s32 $0x480, s21;
	[sflag:s19] =	ssyncadd.s32 $0xFFFFE0C0  }
0x8f: {  	[tilespmem:s25], [sflag:$0x5] =	stream.indirect.gather [hbm4b:s4+s15], $0x40, s21, s15, $0xb8;
	[tilespmem:$0x1B440] =	vst v63  }
0x90: {  	_ =	swait.ge [sflag:s26], $0x1F40  }
0x91: {  	[sflag:s26] =	ssyncset.done $0x0  }
0x92: {  	s6 =	simm.s32 $0x4D80;
	[sflag:s26] =	ssyncadd.s32 $0xFFFFE0C0  }
0x93: {  	[spmem:s2] =	stream.indirect.scatter.add.f32 [tilespmem:s16], [sflag:$0x6], $0x40, s6, s15, $0xb8;
	[tilespmem:$0x1B440] =	vst v63  }
0x94: {  	_ =	swait.ge [sflag:s28], $0x1F40  }
0x95: {  	[sflag:s28] =	ssyncset.done $0x0  }
0x96: {  	s21 =	simm.s32 $0x4E00;
	[sflag:s28] =	ssyncadd.s32 $0xFFFFE0C0  }
0x97: {  	[spmem:s2] =	stream.indirect.scatter.add.f32 [tilespmem:s18], [sflag:$0x7], $0x40, s21, s15, $0xb8;
	[tilespmem:$0x1B440] =	vst v63  }
0x98: {  	_ =	swait.ge [sflag:s29], $0x1F40  }
0x99: {  	[sflag:s29] =	ssyncset.done $0x0  }
0x9a: {  	s23 =	simm.s32 $0x4E80;
	[sflag:s29] =	ssyncadd.s32 $0xFFFFE0C0  }
0x9b: {  	[spmem:s2] =	stream.indirect.scatter.add.f32 [tilespmem:s20], [sflag:$0x8], $0x40, s23, s15, $0xb8;
	[tilespmem:$0x1B440] =	vst v63  }
0x9c: {  	_ =	swait.ge [sflag:s30], $0x1F40  }
0x9d: {  	[sflag:s30] =	ssyncset.done $0x0  }
0x9e: {  	s21 =	simm.s32 $0x4F00;
	[sflag:s30] =	ssyncadd.s32 $0xFFFFE0C0  }
0x9f: {  	[spmem:s2] =	stream.indirect.scatter.add.f32 [tilespmem:s22], [sflag:$0x9], $0x40, s21, s15, $0xb8;
	[tilespmem:$0x1B440] =	vst v63  }
0xa0: {  	_ =	swait.ge [sflag:s31], $0x1F40  }
0xa1: {  	[sflag:s31] =	ssyncset.done $0x0  }
0xa2: {  	s23 =	simm.s32 $0x4F80;
	[sflag:s31] =	ssyncadd.s32 $0xFFFFE0C0  }
0xa3: {  	[spmem:s2] =	stream.indirect.scatter.add.f32 [tilespmem:s25], [sflag:$0xA], $0x40, s23, s15, $0xb8;
	[tilespmem:$0x1B440] =	vst v63  }
0xa4: {  	_ =	swait.ge [sflag:s1], $0x1F40  }
0xa5: {  	[sflag:s1] =	ssyncset.done $0x0  }
0xa6: {  	[sflag:s1] =	ssyncadd.s32 $0xFFFFE0C0  }
0xa7: {  	_ =	swait.ge [sflag:s14], $0x1F40  }
0xa8: {  	[sflag:s14] =	ssyncset.done $0x0  }
0xa9: {  	[sflag:s14] =	ssyncadd.s32 $0xFFFFE0C0  }
0xaa: {  	_ =	swait.ge [sflag:s0], $0x1F40  }
0xab: {  	[sflag:s0] =	ssyncset.done $0x0  }
0xac: {  	[sflag:s0] =	ssyncadd.s32 $0xFFFFE0C0  }
0xad: {  	_ =	swait.ge [sflag:s17], $0x1F40  }
0xae: {  	[sflag:s17] =	ssyncset.done $0x0  }
0xaf: {  	[sflag:s17] =	ssyncadd.s32 $0xFFFFE0C0  }
0xb0: {  	s21 =	stileid.u32;
	_ =	swait.ge [sflag:s19], $0x1F40  }
0xb1: {  	s3 =	sadd.s32 $0x1, s3;
	s6 =	sshll.u32 s21, $0x6;
	[sflag:s19] =	ssyncset.done $0x0  }
0xb2: {  	p0 =	sne.s32 s3, s11;
	s6 =	sor.u32 $0x1C0B, s6;
	[sflag:s19] =	ssyncadd.s32 $0xFFFFE0C0  }
.Ltmp2:
0xb3: {  	s23 =	sshrl.u32 s5, $0x3;
	[bflag:$0x0] =	sbarrier.arrive $0xFFFF;
	(pc) =	sbr.rel @p0 .LBB2_1-.Ltmp2, $4  }
0xb4: {  	[hbm:s24], [sflag:s6] =	dma.local [spmem:s23], $0x1400  }
0xb5: {  	_ =	swait.ge [sflag:s13], $0x1400  }
0xb6: {  	[sflag:s13] =	ssyncset.done $0x0  }
0xb7: {  	[sflag:s13] =	ssyncadd.s32 $0xFFFFEC00  }
0xb8: {  	_ =	sfence.sel $0x180000  }
0xb9: {  	[bflag:$0x0] =	sbarrier.arrive $0xFFFF  }
0xba: {  	_ =	strace $0x9000004D  }
0xbb: {  	s0 =	stileid.u32;
	[bflag:$0x2] =	sbarrier.arrive $0xFFFF  }
0xbc: {  	p0 =	sne.s32 s0, $0x0;
	s0 =	rddreg [dreg:$0x2]  }
0xbd: {  	s0 =	sadd.s32 @!p0 $0x100000, s0  }
0xbe: {  	[sflag:s0] =	ssyncadd.tile.s32 @!p0 $0x1;
	_ =	shalt  }
.Lfunc_end2:
_tile_overlayer_lowered:
.L_overlay_start_2:
0xbf: {  	(tag) =	ssettag $0x2  }
0xc0: {  	s0 =	rddreg [dreg:$0x0];
	s2 =	stileid.u32  }
0xc1: {  	s1 =	rddreg [dreg:$0x1];
	p0 =	sne.s32 s2, $0x0  }
0xc2: {  	s3 =	rddreg [dreg:$0x2];
	[bflag:$0x3] =	sbarrier.arrive $0xFFFF;
	s2 =	simm.s32 @!p0 $0x1C0B  }
0xc3: {  	[timem:s3], [sflag:s2] =	dma.local @!p0 [hbm:s0], s1  }
0xc4: {  	s0 =	simm.s32 @!p0 $0xB  }
0xc5: {  	_ =	swait.ge @!p0 [sflag:s0], s1  }
0xc6: {  	s1 =	ssub.s32 @!p0 $0x0, s1;
	[sflag:s0] =	ssyncset.done @!p0 $0x0  }
0xc7: {  	[sflag:s0] =	ssyncadd.s32 @!p0 s1  }
0xc8: {  	[bflag:$0x3] =	sbarrier.arrive $0xFFFF  }
0xc9: {  	_ =	shalt  }

// kernel: kernel.9.cloned.1.call-start
scs
__scs_entry_jumppad:
0x0: {  	(pc) =	sbr.rel $0x88, $3  }
0x1: {  	(tag) =	ssettag $0x0;
	lr =	simm.s32 $0x1  }
0x2: {  	[smem:$0x3F9C] =	sst lr;
	_ =	strace $0xD0000000  }
0x3: {  	_ = 	snop  }
0x4: {  	_ = 	snop  }
0x5: {  	_ = 	snop  }
0x6: {  	_ = 	snop  }
0x7: {  	_ = 	snop  }
__scs_overlays_trampoline_lowered:
0x8: {  	[smem:$0x3FAB] =	sst s0  }
0x9: {  	[smem:$0x3FAC] =	sst s1  }
0xa: {  	[smem:$0x3FAD] =	sst s2  }
0xb: {  	[smem:$0x3FAE] =	sst s3  }
0xc: {  	[smem:$0x3FAF] =	sst s4  }
0xd: {  	[smem:$0x3FB0] =	sst s5  }
0xe: {  	[smem:$0x3FB1] =	sst s6  }
0xf: {  	[smem:$0x3FB2] =	sst s7  }
0x10: {  	[smem:$0x3FB3] =	sst s8  }
0x11: {  	[smem:$0x3FB4] =	sst s9;
	s0 =	simm.s32 @!p0 $0x0  }
0x12: {  	s1 =	sld [smem:$0x3F9A];
	s0 =	simm.s32 @p0 $0x1  }
0x13: {  	[smem:$0x3FB5] =	sst s0;
	s0 =	simm.s32 @!p1 $0x0  }
0x14: {  	s2 =	sld [smem:$0x3F99];
	s0 =	simm.s32 @p1 $0x1  }
0x15: {  	[smem:$0x3FB6] =	sst s0;
	s0 =	simm.s32 @!p2 $0x0  }
0x16: {  	s3 =	sld [smem:$0x3FDB];
	s0 =	simm.s32 @p2 $0x1  }
0x17: {  	s4 =	simm.s32 $0x1BF5;
	[smem:$0x3FB8] =	sst s0  }
0x18: {  	s0 =	sld [smem:$0x3F9B];
	_ =	swait.ge [sflag:s4], $0x0  }
0x19: {  	s7 =	sld [smem:$0x3F9C]  }
0x1a: {  	s8 =	sadd.s32 $0xFFFFE003, lr  }
0x1b: {  	s9 =	sadd.s32 $0xFFFFFEF7, lr;
	s5 =	simm.s32 $0xFFFFFFFF;
	p2 =	slt.u32 s8, $0xFFFFF086  }
0x1c: {  	p1 =	slt.u32 s9, $0xF7A;
	s5 =	simm.s32 @!p2 $0x0  }
0x1d: {  	s5 =	simm.s32 @p1 $0x1;
	p0 =	seq.s32 s7, s2  }
0x1e: {  	s7 =	smul.u32 @!p0 $0xF7A, s2;
	p2 =	seq.s32 @!p0 s5, $0x0  }
0x1f: {  	s9 =	smul.u32 $0xF7A, s1;
	s8 =	simm.s32 @!p0 $0x1BF5;
	p2 =	por !p2, p0  }
0x20: {  	[sflag:s8] =	ssyncset.s32 @!p0 $0xFFFFF086;
	s6 =	sadd.s32 @!p0 s3, s7;
	s7 =	simm.s32 @!p0 $0x108  }
0x21: {  	s3 =	sadd.s32 s3, s9;
	s6 =	sadd.s32 @!p0 $0x88, s6;
	s7 =	simm.s32 @p2 $0x1082  }
0x22: {  	[simem:s7], [sflag:s8] =	dma.local @!p0 [hbm:s6], $0xF7A  }
0x23: {  	s9 =	sor.u32 $0xD0000000, s2;
	s6 =	simm.s32 $0x108;
	_ =	swait.ge @!p0 [sflag:s8], $0x0  }
0x24: {  	s3 =	sadd.s32 $0x88, s3;
	s6 =	simm.s32 @!p1 $0x1082;
	[sflag:s4] =	ssyncset.s32 $0xFFFFF086  }
0x25: {  	[simem:s6], [sflag:s4] =	dma.local [hbm:s3], $0xF7A  }
0x26: {  	[smem:$0x3F9C] =	sst s1;
	(tag) =	ssettag s2;
	_ =	strace s9  }
0x27: {  	s1 =	sld [smem:$0x3FAC]  }
0x28: {  	s2 =	sld [smem:$0x3FAD]  }
0x29: {  	s4 =	sld [smem:$0x3FAF]  }
0x2a: {  	p0 =	seq.s32 s5, $0x0;
	s5 =	sld [smem:$0x3FB0]  }
0x2b: {  	s6 =	sld [smem:$0x3FB1]  }
0x2c: {  	s7 =	sld [smem:$0x3FB2]  }
0x2d: {  	s3 =	simm.s32 $0x108;
	s8 =	sld [smem:$0x3FB3]  }
0x2e: {  	s3 =	simm.s32 @!p0 $0x1082;
	s9 =	sld [smem:$0x3FB4]  }
0x2f: {  	lr =	sadd.s32 s0, s3;
	s0 =	sld [smem:$0x3FAB]  }
0x30: {  	s3 =	sld [smem:$0x3FAE]  }
0x31: {  	[smem:$0x3FB7] =	sst s10  }
0x32: {  	s10 =	sld [smem:$0x3FB5];
	_ =	sdelay $0x3  }
0x33: {  	p0 =	seq.s32 s10, $0x1;
	s10 =	sld [smem:$0x3FB7];
	_ =	sdelay $0x3  }
0x34: {  	[smem:$0x3FB7] =	sst s10  }
0x35: {  	s10 =	sld [smem:$0x3FB6];
	_ =	sdelay $0x3  }
0x36: {  	p1 =	seq.s32 s10, $0x1;
	s10 =	sld [smem:$0x3FB7];
	_ =	sdelay $0x3  }
0x37: {  	[smem:$0x3FB7] =	sst s10  }
0x38: {  	s10 =	sld [smem:$0x3FB8]  }
0x39: {  	_ = 	snop;
	(pc) =	sbr.ind lr, $3  }
0x3a: {  	_ = 	snop  }
0x3b: {  	_ = 	snop  }
0x3c: {  	p2 =	seq.s32 s10, $0x1;
	s10 =	sld [smem:$0x3FB7]  }
0x3d: {  	_ =	shalt  }
0x3e: {  	_ =	shalt  }
0x3f: {  	_ =	shalt  }
0x40: {  	_ =	shalt  }
0x41: {  	_ =	shalt  }
0x42: {  	_ =	shalt  }
0x43: {  	_ =	shalt  }
0x44: {  	_ =	shalt  }
0x45: {  	_ =	shalt  }
0x46: {  	_ =	shalt  }
0x47: {  	_ =	shalt  }
0x48: {  	_ =	shalt  }
0x49: {  	_ =	shalt  }
0x4a: {  	_ =	shalt  }
0x4b: {  	_ =	shalt  }
0x4c: {  	_ =	shalt  }
0x4d: {  	_ =	shalt  }
0x4e: {  	_ =	shalt  }
0x4f: {  	_ =	shalt  }
0x50: {  	_ =	shalt  }
0x51: {  	_ =	shalt  }
0x52: {  	_ =	shalt  }
0x53: {  	_ =	shalt  }
0x54: {  	_ =	shalt  }
0x55: {  	_ =	shalt  }
0x56: {  	_ =	shalt  }
0x57: {  	_ =	shalt  }
0x58: {  	_ =	shalt  }
0x59: {  	_ =	shalt  }
0x5a: {  	_ =	shalt  }
0x5b: {  	_ =	shalt  }
0x5c: {  	_ =	shalt  }
0x5d: {  	_ =	shalt  }
0x5e: {  	_ =	shalt  }
0x5f: {  	_ =	shalt  }
0x60: {  	_ =	shalt  }
0x61: {  	_ =	shalt  }
0x62: {  	_ =	shalt  }
0x63: {  	_ =	shalt  }
0x64: {  	_ =	shalt  }
0x65: {  	_ =	shalt  }
0x66: {  	_ =	shalt  }
0x67: {  	_ =	shalt  }
0x68: {  	_ =	shalt  }
0x69: {  	_ =	shalt  }
0x6a: {  	_ =	shalt  }
0x6b: {  	_ =	shalt  }
0x6c: {  	_ =	shalt  }
0x6d: {  	_ =	shalt  }
0x6e: {  	_ =	shalt  }
0x6f: {  	_ =	shalt  }
0x70: {  	_ =	shalt  }
0x71: {  	_ =	shalt  }
0x72: {  	_ =	shalt  }
0x73: {  	_ =	shalt  }
0x74: {  	_ =	shalt  }
0x75: {  	_ =	shalt  }
0x76: {  	_ =	shalt  }
0x77: {  	_ =	shalt  }
0x78: {  	_ =	shalt  }
0x79: {  	_ =	shalt  }
0x7a: {  	_ =	shalt  }
0x7b: {  	_ =	shalt  }
0x7c: {  	_ =	shalt  }
0x7d: {  	_ =	shalt  }
0x7e: {  	_ =	shalt  }
0x7f: {  	_ =	shalt  }
0x80: {  	_ =	shalt  }
0x81: {  	_ =	shalt  }
0x82: {  	_ =	shalt  }
0x83: {  	_ =	shalt  }
0x84: {  	_ =	shalt  }
0x85: {  	_ =	shalt  }
0x86: {  	_ =	shalt  }
0x87: {  	_ =	shalt  }
.Lfunc_end0:
.L_simem_size_0:
called_computation_lowered:
.L_overlay_start_0:
0x88: {  	s2 =	sld [smem:$0x3FD9]  }
0x89: {  	s3 =	sld [smem:$0x3FFE];
	_ =	sdelay $0x1  }
0x8a: {  	s1 =	srdreg.scid  }
0x8b: {  	s0 =	sand.u32 $0x1, s1  }
0x8c: {  	s14 =	sshll.u32 s0, $0xA;
	s2 =	sadd.s32 s3, s2  }
0x8d: {  	s2 =	sadd.s32 s2, s14  }
0x8e: {  	[smem:$0x3FC3] =	sst s2  }
0x8f: {  	_ = 	snop  }
0x90: {  	s2 =	sld [smem:$0x3FD0];
	_ =	sdelay $0x2  }
0x91: {  	s15 =	simm.s32 $0xA;
	s4 =	simm.s32 $0x10  }
0x92: {  	[smem:s4], [sflag:s15] =	dma.local [hbm:s2], $0x1  }
0x93: {  	_ =	swait.eq [sflag:s15], $0x1  }
0x94: {  	[sflag:s15] =	ssyncset.done $0x0  }
0x95: {  	[sflag:s15] =	ssyncadd.s32 $0xFFFFFFFF  }
0x96: {  	s16 =	sld [smem:$0x10];
	(tm) =	ssettm $0x1  }
0x97: {  	s17 =	sld [smem:$0x3FFB];
	_ =	sdelay $0x3  }
0x98: {  	_ =	strace s17  }
0x99: {  	s3 =	sld [smem:$0x3FFC];
	_ =	sdelay $0x3  }
0x9a: {  	_ =	strace s3  }
0x9b: {  	s3 =	sld [smem:$0x3FFD];
	_ =	sdelay $0x3  }
0x9c: {  	_ =	strace s3  }
0x9d: {  	_ =	strace $0x8FFFFFFF  }
0x9e: {  	s18 =	sld [smem:$0x3FDB];
	_ =	sdelay $0x1  }
0x9f: {  	s19 =	simm.s32 $_scs_section_size  }
0xa0: {  	s5 =	simm.s32 $_size__tile_overlayer_lowered;
	s6 =	simm.s32 $_tile_overlayer_lowered  }
0xa1: {  	s22 =	simm.s32 $0x1BFF;
	s21 =	sshll.u32 s6, $0x1;
	s3 =	sadd.s32 s19, s18  }
0xa2: {  	s7 =	simm.s32 $0x0;
	s20 =	sshll.u32 s5, $0x1;
	s5 =	sadd.s32 s21, s3  }
0xa3: {  	[timem:s7], [sflag:s22] =	dma.local [hbm:s5], s20  }
0xa4: {  	_ =	swait.ge [sflag:s22], s20  }
0xa5: {  	s4 =	ssub.s32 $0x0, s20;
	[sflag:s22] =	ssyncset.done $0x0  }
0xa6: {  	[sflag:s22] =	ssyncadd.s32 s4;
	_ =	sdelay $0x1  }
0xa7: {  	s23 =	simm.s32 $0x1B8B  }
0xa8: {  	_ =	swait.ge [sflag:s23], $0x1  }
0xa9: {  	[sflag:s23] =	ssyncset.done $0x0  }
0xaa: {  	s25 =	simm.s32 $0x1B8E;
	s24 =	sld [smem:$0x3FFE];
	[sflag:s23] =	ssyncadd.s32 $0xFFFFFFFF  }
0xab: {  	s26 =	simm.s32 $execute0_lowered;
	[smem:$0x3FD2] =	sst s25  }
0xac: {  	s5 =	sshll.u32 s26, $0x1;
	_ =	strace $0x80000046;
	[dreg:$0x1] =	wrdreg $0xFFFFFFFF  }
0xad: {  	s28 =	simm.s32 $_size_execute0_lowered;
	s3 =	sadd.s32 s3, s5;
	[dreg:$0x0] =	wrdreg $0x0  }
0xae: {  	s5 =	sshll.u32 s28, $0x1;
	[dreg:$0x2] =	wrdreg s3  }
0xaf: {  	[dreg:$0x3] =	wrdreg s5  }
0xb0: {  	[dreg:$0x4] =	wrdreg $0xC0  }
0xb1: {  	_ =	task [dreg:s7], $0x5FFFF  }
0xb2: {  	[dreg:$0x1] =	wrdreg $0xFFFFFFFF  }
0xb3: {  	[dreg:$0x0] =	wrdreg $0x60  }
0xb4: {  	[dreg:$0x2] =	wrdreg s24  }
0xb5: {  	[dreg:$0x3] =	wrdreg s16  }
0xb6: {  	[dreg:$0x4] =	wrdreg $0x57D00  }
0xb7: {  	[dreg:$0x5] =	wrdreg $0x9  }
0xb8: {  	_ =	task.clear_ibuf [dreg:s7], $0x6FFFF;
	_ =	strace $0x90000046  }
0xb9: {  	s29 =	simm.s32 $0x9;
	_ =	strace $0x80000048  }
0xba: {  	_ =	swait.ge [sflag:s29], $0x1  }
0xbb: {  	[sflag:s29] =	ssyncadd.s32 $0xFFFFFFFF  }
0xbc: {  	_ =	strace $0x90000048  }
0xbd: {  	_ =	sfence  }
0xbe: {  	s30 =	sld [smem:$0x0];
	_ =	sdelay $0x2  }
0xbf: {  	s31 =	sshll.u32 s1, $0xD;
	s1 =	sshrl.u32 s1, $0x2  }
0xc0: {  	s3 =	sand.u32 $0x4000, s31;
	s1 =	sadd.s32 s1, s30  }
0xc1: {  	s0 =	sor.u32 s3, s0;
	s1 =	sshll.u32 s1, $0x11  }
0xc2: {  	s0 =	sor.u32 s1, s0  }
0xc3: {  	s0 =	sadd.s32 $0x8F2B, s0  }
0xc4: {  	[sflag:s0] =	ssyncadd.remote.s32 $0x1  }
0xc5: {  	_ =	sfence.sel $0xFFFF  }
0xc6: {  	[dreg:$0x0] =	wrdreg $0xFFFFFFFF;
	(pc) =	sbr.abs _section_cstart, $3  }
0xc7: {  	[dreg:$0x1] =	wrdreg $0xFFFFFFFF  }
0xc8: {  	_ =	task.clear_ibuf [dreg:s7], $0x2FFFF;
	_ =	strace $0x9FFFFFFF  }
0xc9: {  	(tm) =	ssettm $0x7FFFFFFF  }
tec
execute0_lowered:
.L_overlay_start_1:
0x0: {  	(tag) =	ssettag $0x1  }
0x1: {  	s4 =	rddreg [dreg:$0x0]  }
0x2: {  	s0 =	srdreg.scid;
	s6 =	rddreg [dreg:$0x1]  }
0x3: {  	s2 =	rddreg [dreg:$0x2];
	s1 =	stileid.u32  }
0x4: {  	s3 =	simm.s32 $0x0;
	s5 =	sand.u32 $0x1, s0;
	s0 =	rddreg [dreg:$0x3]  }
0x5: {  	[smem:$0x7FF] =	sst s3;
	s9 =	smul.u32 $0x2800, s1  }
0x6: {  	s14 =	sshll.u32 s1, $0x6;
	s7 =	sshll.u32 s5, $0x4;
	_ =	strace $0x80000047  }
0x7: {  	s8 =	ssub.s32 $0x2, s5;
	s11 =	smul.u32 $0x5000, s5;
	s7 =	sor.u32 s1, s7  }
0x8: {  	s10 =	sshrl.u32 s8, $0x1;
	s13 =	sshrl.u32 s9, $0x3;
	s7 =	smul.u32 $0x2800, s7  }
0x9: {  	s8 =	ssub.s32 s8, s10;
	s12 =	sadd.s32 s6, s11;
	s10 =	simm.s32 $0x2800  }
0xa: {  	s11 =	simm.s32 $0x1;
	s6 =	smax.u32 s8, $0x1;
	s8 =	simm.s32 $0x2  }
0xb: {  	s12 =	sadd.s32 s13, s12;
	s13 =	sor.u32 $0x1C02, s14;
	s7 =	sshrl.u32 s7, $0x3  }
0xc: {  	s7 =	sadd.s32 s4, s7;
	s4 =	sadd.s32 s9, s2;
	s9 =	simm.s32 $0x7D  }
0xd: {  	v0 =	vimm.f32 $0.0e+00;
	v1 =	vimm.f32 $1.000000000e+00;
	s5 =	sadd.s32 $0xC200, s7;
	s7 =	simm.s32 $0x2FD0;
	s14 =	sshrl.u32 s4, $0x3  }
.LBB2_1:
0xe: {  	s15 =	simm.s32 $0x0  }
.LBB2_2:
0xf: {  	p0 =	sne.s32 s15, $0x9FC0  }
.Ltmp0:
0x10: {  	_ = 	snop;
	(pc) =	sbr.rel @p0 .LBB2_2-.Ltmp0, $3  }
0x11: {  	_ =	sdelay $0x1  }
0x12: {  	s16 =	sshra.s32 s15, $0x2  }
0x13: {  	s15 =	sadd.s32 $0x40, s15;
	[tilespmem:s16+$0x2FD0] =	vst v0  }
0x14: {  	s15 =	simm.s32 $0x40;
	s16 =	simm.s32 $0x0  }
.LBB2_4:
0x15: {  	p0 =	sne.s32 s15, $0x1F00;
	[tilespmem:s16+$0x2800] =	vst v1;
	s16 =	smov.u32 s15;
	s15 =	sadd.s32 $0x40, s15  }
.Ltmp1:
0x16: {  	(pc) =	sbr.rel @p0 .LBB2_4-.Ltmp1, $2  }
0x17: {  	_ =	sdelay $0x2  }
0x18: {  	s16 =	sshra.s32 s16, $0x2  }
0x19: {  	[tilespmem:s16+$0x2800] =	vst v1  }
0x1a: {  	[spmem:s4] =	stream.linear.scatter [tilespmem:s7], [sflag:$0x2], $0x2800, $0x38;
	[tilespmem:$0x7FD0] =	vst v63  }
0x1b: {  	_ =	swait.ge [sflag:s8], $0x2800  }
0x1c: {  	[sflag:s8] =	ssyncset.done $0x0  }
0x1d: {  	s15 =	simm.s32 $0x0;
	[sflag:s8] =	ssyncadd.s32 $0xFFFFD800  }
0x1e: {  	[tilespmem:s15], [sflag:$0x2] =	stream.linear.gather [hbm4b:s5+s15], $0x2800, $0x38;
	[tilespmem:$0x7FD0] =	vst v63  }
0x1f: {  	_ =	swait.ge [sflag:s8], $0x2800  }
0x20: {  	[sflag:s8] =	ssyncset.done $0x0  }
0x21: {  	[sflag:s8] =	ssyncadd.s32 $0xFFFFD800  }
0x22: {  	s26 =	simm.s32 $0x0;
	[bflag:$0x0] =	sbarrier.arrive $0xFFFF  }
0x23: {  	[spmem:s2] =	stream.indirect.scatter.add.f32 [tilespmem:s10], [sflag:$0x1], $0x10, s26, s9, $0xb8;
	[tilespmem:$0x7FD0] =	vst v63  }
0x24: {  	s28 =	simm.s32 $0x80  }
0x25: {  	[spmem:s2] =	stream.indirect.scatter.add.f32 [tilespmem:s10], [sflag:$0x1], $0x10, s28, s9, $0xb8;
	[tilespmem:$0x7FD0] =	vst v63  }
0x26: {  	s29 =	simm.s32 $0x100  }
0x27: {  	[spmem:s2] =	stream.indirect.scatter.add.f32 [tilespmem:s10], [sflag:$0x1], $0x10, s29, s9, $0xb8;
	[tilespmem:$0x7FD0] =	vst v63  }
0x28: {  	s30 =	simm.s32 $0x180  }
0x29: {  	[spmem:s2] =	stream.indirect.scatter.add.f32 [tilespmem:s10], [sflag:$0x1], $0x10, s30, s9, $0xb8;
	[tilespmem:$0x7FD0] =	vst v63  }
0x2a: {  	s31 =	simm.s32 $0x200  }
0x2b: {  	[spmem:s2] =	stream.indirect.scatter.add.f32 [tilespmem:s10], [sflag:$0x1], $0x10, s31, s9, $0xb8;
	[tilespmem:$0x7FD0] =	vst v63  }
0x2c: {  	_ =	swait.ge [sflag:s11], $0x7D0  }
0x2d: {  	[sflag:s11] =	ssyncset.done $0x0  }
0x2e: {  	[sflag:s11] =	ssyncadd.s32 $0xFFFFF830  }
0x2f: {  	_ =	swait.ge [sflag:s11], $0x7D0  }
0x30: {  	[sflag:s11] =	ssyncset.done $0x0  }
0x31: {  	[sflag:s11] =	ssyncadd.s32 $0xFFFFF830  }
0x32: {  	_ =	swait.ge [sflag:s11], $0x7D0  }
0x33: {  	[sflag:s11] =	ssyncset.done $0x0  }
0x34: {  	[sflag:s11] =	ssyncadd.s32 $0xFFFFF830  }
0x35: {  	_ =	swait.ge [sflag:s11], $0x7D0  }
0x36: {  	[sflag:s11] =	ssyncset.done $0x0  }
0x37: {  	[sflag:s11] =	ssyncadd.s32 $0xFFFFF830  }
0x38: {  	_ =	swait.ge [sflag:s11], $0x7D0  }
0x39: {  	s16 =	simm.s32 $0x1400;
	s15 =	simm.s32 $0xA00;
	[sflag:s11] =	ssyncset.done $0x0  }
.LBB2_6:
0x3a: {  	s17 =	sshra.s32 s15, $0x2  }
0x3b: {  	[sflag:s11] =	ssyncadd.s32 $0xFFFFF830;
	s15 =	smov.u32 s16;
	s18 =	sadd.s32 $0xA00, s16  }
0x3c: {  	[spmem:s2] =	stream.indirect.scatter.add.f32 [tilespmem:s10], [sflag:$0x1], $0x10, s17, s9, $0xb8;
	[tilespmem:$0x7FD0] =	vst v63  }
0x3d: {  	p0 =	sne.s32 s16, $0x9600;
	s16 =	sadd.s32 $0x80, s17  }
0x3e: {  	[spmem:s2] =	stream.indirect.scatter.add.f32 [tilespmem:s10], [sflag:$0x1], $0x10, s16, s9, $0xb8;
	[tilespmem:$0x7FD0] =	vst v63  }
0x3f: {  	s16 =	sadd.s32 $0x100, s17  }
0x40: {  	[spmem:s2] =	stream.indirect.scatter.add.f32 [tilespmem:s10], [sflag:$0x1], $0x10, s16, s9, $0xb8;
	[tilespmem:$0x7FD0] =	vst v63  }
0x41: {  	s16 =	sadd.s32 $0x180, s17  }
0x42: {  	[spmem:s2] =	stream.indirect.scatter.add.f32 [tilespmem:s10], [sflag:$0x1], $0x10, s16, s9, $0xb8;
	[tilespmem:$0x7FD0] =	vst v63  }
0x43: {  	s16 =	sadd.s32 $0x200, s17  }
0x44: {  	[spmem:s2] =	stream.indirect.scatter.add.f32 [tilespmem:s10], [sflag:$0x1], $0x10, s16, s9, $0xb8;
	[tilespmem:$0x7FD0] =	vst v63  }
0x45: {  	_ =	swait.ge [sflag:s11], $0x7D0  }
0x46: {  	[sflag:s11] =	ssyncset.done $0x0  }
0x47: {  	[sflag:s11] =	ssyncadd.s32 $0xFFFFF830  }
0x48: {  	_ =	swait.ge [sflag:s11], $0x7D0  }
0x49: {  	[sflag:s11] =	ssyncset.done $0x0  }
0x4a: {  	[sflag:s11] =	ssyncadd.s32 $0xFFFFF830  }
0x4b: {  	_ =	swait.ge [sflag:s11], $0x7D0  }
0x4c: {  	[sflag:s11] =	ssyncset.done $0x0  }
0x4d: {  	[sflag:s11] =	ssyncadd.s32 $0xFFFFF830  }
.Ltmp2:
0x4e: {  	_ =	swait.ge [sflag:s11], $0x7D0;
	(pc) =	sbr.rel @p0 .LBB2_6-.Ltmp2, $4  }
0x4f: {  	[sflag:s11] =	ssyncset.done $0x0  }
0x50: {  	[sflag:s11] =	ssyncadd.s32 $0xFFFFF830  }
0x51: {  	_ =	swait.ge [sflag:s11], $0x7D0  }
0x52: {  	s16 =	smov.u32 s18;
	[sflag:s11] =	ssyncset.done $0x0  }
0x53: {  	s15 =	sshra.s32 s15, $0x2;
	[sflag:s11] =	ssyncadd.s32 $0xFFFFF830  }
0x54: {  	[spmem:s2] =	stream.indirect.scatter.add.f32 [tilespmem:s10], [sflag:$0x1], $0x10, s15, s9, $0xb8;
	[tilespmem:$0x7FD0] =	vst v63  }
0x55: {  	s16 =	sadd.s32 $0x80, s15  }
0x56: {  	[spmem:s2] =	stream.indirect.scatter.add.f32 [tilespmem:s10], [sflag:$0x1], $0x10, s16, s9, $0xb8;
	[tilespmem:$0x7FD0] =	vst v63  }
0x57: {  	s30 =	sadd.s32 $0x100, s15  }
0x58: {  	[spmem:s2] =	stream.indirect.scatter.add.f32 [tilespmem:s10], [sflag:$0x1], $0x10, s30, s9, $0xb8;
	[tilespmem:$0x7FD0] =	vst v63  }
0x59: {  	s31 =	sadd.s32 $0x180, s15  }
0x5a: {  	[spmem:s2] =	stream.indirect.scatter.add.f32 [tilespmem:s10], [sflag:$0x1], $0x10, s31, s9, $0xb8;
	[tilespmem:$0x7FD0] =	vst v63  }
0x5b: {  	s15 =	sadd.s32 $0x200, s15  }
0x5c: {  	[spmem:s2] =	stream.indirect.scatter.add.f32 [tilespmem:s10], [sflag:$0x1], $0x10, s15, s9, $0xb8;
	[tilespmem:$0x7FD0] =	vst v63  }
0x5d: {  	_ =	swait.ge [sflag:s11], $0x7D0  }
0x5e: {  	[sflag:s11] =	ssyncset.done $0x0  }
0x5f: {  	[sflag:s11] =	ssyncadd.s32 $0xFFFFF830  }
0x60: {  	_ =	swait.ge [sflag:s11], $0x7D0  }
0x61: {  	[sflag:s11] =	ssyncset.done $0x0  }
0x62: {  	[sflag:s11] =	ssyncadd.s32 $0xFFFFF830  }
0x63: {  	_ =	swait.ge [sflag:s11], $0x7D0  }
0x64: {  	[sflag:s11] =	ssyncset.done $0x0  }
0x65: {  	[sflag:s11] =	ssyncadd.s32 $0xFFFFF830  }
0x66: {  	_ =	swait.ge [sflag:s11], $0x7D0  }
0x67: {  	[sflag:s11] =	ssyncset.done $0x0  }
0x68: {  	[sflag:s11] =	ssyncadd.s32 $0xFFFFF830  }
0x69: {  	_ =	swait.ge [sflag:s11], $0x7D0  }
0x6a: {  	s3 =	sadd.s32 $0x1, s3;
	[sflag:s11] =	ssyncset.done $0x0  }
0x6b: {  	p0 =	sne.s32 s3, s6;
	[sflag:s11] =	ssyncadd.s32 $0xFFFFF830  }
.Ltmp3:
0x6c: {  	[bflag:$0x0] =	sbarrier.arrive $0xFFFF;
	(pc) =	sbr.rel @p0 .LBB2_1-.Ltmp3, $4  }
0x6d: {  	[hbm:s12], [sflag:s13] =	dma.local [spmem:s14], $0x500  }
0x6e: {  	_ =	swait.ge [sflag:s8], $0x500  }
0x6f: {  	[sflag:s8] =	ssyncset.done $0x0  }
0x70: {  	[sflag:s8] =	ssyncadd.s32 $0xFFFFFB00  }
0x71: {  	_ =	sfence.sel $0x180000  }
0x72: {  	[bflag:$0x0] =	sbarrier.arrive $0xFFFF  }
0x73: {  	p0 =	sne.s32 s1, $0x0;
	_ =	strace $0x90000047  }
0x74: {  	s0 =	sadd.s32 @!p0 $0x100000, s0;
	[bflag:$0x2] =	sbarrier.arrive $0xFFFF  }
0x75: {  	[sflag:s0] =	ssyncadd.tile.s32 @!p0 $0x1;
	_ =	shalt  }
.Lfunc_end2:
_tile_overlayer_lowered:
.L_overlay_start_2:
0x76: {  	(tag) =	ssettag $0x2  }
0x77: {  	s0 =	rddreg [dreg:$0x0];
	s2 =	stileid.u32  }
0x78: {  	s1 =	rddreg [dreg:$0x1];
	p0 =	sne.s32 s2, $0x0  }
0x79: {  	s3 =	rddreg [dreg:$0x2];
	[bflag:$0x3] =	sbarrier.arrive $0xFFFF;
	s2 =	simm.s32 @!p0 $0x1C02  }
0x7a: {  	[timem:s3], [sflag:s2] =	dma.local @!p0 [hbm:s0], s1  }
0x7b: {  	s0 =	simm.s32 @!p0 $0x2  }
0x7c: {  	_ =	swait.ge @!p0 [sflag:s0], s1  }
0x7d: {  	s1 =	ssub.s32 @!p0 $0x0, s1;
	[sflag:s0] =	ssyncset.done @!p0 $0x0  }
0x7e: {  	[sflag:s0] =	ssyncadd.s32 @!p0 s1  }
0x7f: {  	[bflag:$0x3] =	sbarrier.arrive $0xFFFF  }
0x80: {  	_ =	shalt  }

</sc_bundles>
